<compile_context>
chip_gen: v7x
topology: tpu7x:2x2x1
jax: 0.10.2.dev20260603
libtpu: 0.0.44.dev20260713+nightly
codegen_flags: <defaults>
</compile_context>

<pallas_src>
import jax
import jax.numpy as jnp
from jax import lax
from jax.experimental import pallas as pl
from jax.experimental.pallas import tpu as pltpu
from jax.experimental.pallas import tpu_sc as plsc

NQ = 4
K = 8192
D = 256
M = 8192

BM = 512
BN = 2048
NB_M = M // BM
NB_N = K // BN

NC = 2
NS = 16
NW = NC * NS
TPW = M // NW


def _assign_body(r_ref, f2_ref, cn_ref, cb_ref, codes_ref, min_s, arg_s):
    ni = pl.program_id(1)
    r = r_ref[...]
    c = cb_ref[...]
    cn = cn_ref[...]
    f2 = f2_ref[...]
    m = lax.dot_general(r.astype(jnp.bfloat16), c.astype(jnp.bfloat16),
                        (((1,), (1,)), ((), ())),
                        preferred_element_type=jnp.float32)
    dist = (f2 + cn) - 2.0 * m
    bmin = jnp.min(dist, axis=1, keepdims=True)
    iota = lax.broadcasted_iota(jnp.int32, (BM, BN), 1) + ni * BN
    barg = jnp.min(jnp.where(dist == bmin, iota, jnp.int32(2**31 - 1)),
                   axis=1, keepdims=True)
    bmin_r = bmin.astype(jnp.bfloat16).astype(jnp.float32)

    @pl.when(ni == 0)
    def _init():
        min_s[...] = bmin_r
        arg_s[...] = barg

    @pl.when(ni > 0)
    def _update():
        better = bmin < min_s[...]
        arg_s[...] = jnp.where(better, barg, arg_s[...])
        min_s[...] = jnp.where(better, bmin_r, min_s[...])

    @pl.when(ni == NB_N - 1)
    def _write():
        codes_ref[...] = arg_s[...]


def _assign(resid_flat, f2, cn, codebook):
    return pl.pallas_call(
        _assign_body,
        grid=(NB_M, NB_N),
        in_specs=[
            pl.BlockSpec((BM, D), lambda mi, ni: (mi, 0)),
            pl.BlockSpec((BM, 1), lambda mi, ni: (mi, 0)),
            pl.BlockSpec((1, BN), lambda mi, ni: (0, ni)),
            pl.BlockSpec((BN, D), lambda mi, ni: (ni, 0)),
        ],
        out_specs=pl.BlockSpec((BM, 1), lambda mi, ni: (mi, 0)),
        out_shape=jax.ShapeDtypeStruct((M, 1), jnp.int32),
        scratch_shapes=[
            pltpu.VMEM((BM, 1), jnp.float32),
            pltpu.VMEM((BM, 1), jnp.int32),
        ],
    )(resid_flat, f2, cn, codebook)


def _sc_body(cb_hbm, codes_hbm, out_hbm, counts_hbm,
             idx_v, rows_v, ones_v, zeros_v, cnt_v, shared_cnt, sem):
    cid = lax.axis_index("c")
    sid = lax.axis_index("s")
    base = (sid * NC + cid) * TPW

    pltpu.sync_copy(codes_hbm.at[pl.ds(base, TPW)], idx_v)
    gather = pltpu.async_copy(cb_hbm.at[idx_v], rows_v, sem)

    def _fill(i, _):
        ones_v[pl.ds(i * 16, 16)] = jnp.full((16,), 1.0, jnp.float32)
        return _
    lax.fori_loop(0, TPW // 16, _fill, 0)

    def _zfill(i, _):
        zeros_v[pl.ds(i * 16, 16)] = jnp.zeros((16,), jnp.float32)
        return _
    lax.fori_loop(0, K // NS // 16, _zfill, 0)

    pltpu.sync_copy(zeros_v, shared_cnt.at[pl.ds(sid * (K // NS), K // NS)])
    plsc.subcore_barrier()
    pltpu.sync_copy(ones_v, shared_cnt.at[idx_v], add=True)
    plsc.subcore_barrier()

    gather.wait()
    pltpu.sync_copy(rows_v, out_hbm.at[pl.ds(base, TPW)])

    @pl.when(sid == 0)
    def _publish():
        pltpu.sync_copy(shared_cnt, cnt_v)
        pltpu.sync_copy(cnt_v, counts_hbm.at[cid])


def _gather_hist(codebook, codes_flat):
    mesh = plsc.VectorSubcoreMesh(core_axis_name="c", subcore_axis_name="s")
    fn = pl.kernel(
        _sc_body,
        mesh=mesh,
        out_type=[
            jax.ShapeDtypeStruct((M, D), jnp.float32),
            jax.ShapeDtypeStruct((NC, K), jnp.float32),
        ],
        scratch_types=[
            pltpu.VMEM((TPW,), jnp.int32),
            pltpu.VMEM((TPW, D), jnp.float32),
            pltpu.VMEM((TPW,), jnp.float32),
            pltpu.VMEM((K // NS,), jnp.float32),
            pltpu.VMEM((K,), jnp.float32),
            pltpu.VMEM_SHARED((K,), jnp.float32),
            pltpu.SemaphoreType.DMA,
        ],
    )
    return fn(codebook, codes_flat)


def _resid_body(r_ref, q_ref, acc_ref, r_out, acc_out, qst_out, loss_out, loss_s):
    mi = pl.program_id(0)
    r = r_ref[...]
    q = q_ref[...]
    d = q - r
    q_st = r + d
    r_out[...] = r - q_st
    acc_out[...] = acc_ref[...] + q_st
    qst_out[...] = q_st
    part = jnp.full((1, 1), jnp.sum(d * d), jnp.float32)

    @pl.when(mi == 0)
    def _init():
        loss_s[...] = part

    @pl.when(mi > 0)
    def _acc():
        loss_s[...] = loss_s[...] + part

    @pl.when(mi == NB_M - 1)
    def _write():
        loss_out[...] = loss_s[...]


def _resid_update(r, q, acc):
    return pl.pallas_call(
        _resid_body,
        grid=(NB_M,),
        in_specs=[
            pl.BlockSpec((BM, D), lambda mi: (mi, 0)),
            pl.BlockSpec((BM, D), lambda mi: (mi, 0)),
            pl.BlockSpec((BM, D), lambda mi: (mi, 0)),
        ],
        out_specs=[
            pl.BlockSpec((BM, D), lambda mi: (mi, 0)),
            pl.BlockSpec((BM, D), lambda mi: (mi, 0)),
            pl.BlockSpec((BM, D), lambda mi: (mi, 0)),
            pl.BlockSpec((1, 1), lambda mi: (0, 0)),
        ],
        out_shape=[
            jax.ShapeDtypeStruct((M, D), jnp.float32),
            jax.ShapeDtypeStruct((M, D), jnp.float32),
            jax.ShapeDtypeStruct((M, D), jnp.float32),
            jax.ShapeDtypeStruct((1, 1), jnp.float32),
        ],
        scratch_shapes=[pltpu.VMEM((1, 1), jnp.float32)],
    )(r, q, acc)


def _final_body(counts_ref, loss_ref, perp_out, total_out):
    counts = counts_ref[...]
    c = counts[:, 0, :] + counts[:, 1, :]
    p = c * jnp.float32(1.0 / M)
    ent = -jnp.sum(p * jnp.log(p + 1e-10), axis=1, keepdims=True)
    perp_out[...] = jnp.exp(ent)
    total_out[...] = jnp.sum(loss_ref[...], axis=0, keepdims=True) * jnp.float32(
        0.25 / (M * D) / NQ)


def _finalize(counts, loss_parts):
    return pl.pallas_call(
        _final_body,
        out_shape=[
            jax.ShapeDtypeStruct((NQ, 1), jnp.float32),
            jax.ShapeDtypeStruct((1, 1), jnp.float32),
        ],
    )(counts, loss_parts)


def kernel(x, codebooks):
    xf = x.reshape(M, D)
    resid = xf
    acc = jnp.zeros((M, D), jnp.float32)
    cn_list = [jnp.sum(codebooks[i] * codebooks[i], axis=1) for i in range(NQ)]
    q_list = []
    counts_list = []
    loss_list = []
    for i in range(NQ):
        r4 = resid.reshape(x.shape)
        f2 = jnp.sum(r4 * r4, axis=3).reshape(M, 1)
        codes = _assign(resid, f2, cn_list[i].reshape(1, K), codebooks[i])
        q, counts = _gather_hist(codebooks[i], codes.reshape(M))
        resid, acc, q_st, loss_part = _resid_update(resid, q, acc)
        q_list.append(q_st.reshape(x.shape))
        counts_list.append(counts)
        loss_list.append(loss_part)
    perp, total = _finalize(jnp.stack(counts_list), jnp.concatenate(loss_list, 0))
    quantized = acc.reshape(x.shape)
    return (quantized, total.reshape(()), jnp.stack(q_list, axis=0),
            perp.reshape(NQ))

# --- scband reference (transcript-rebuilt; emitter-appended) ---
"""Pipeline reference for scband-rqvae-5720896438811 (READ-ONLY COPY).

The authoritative reference and input builder live on the scoring server;
editing this copy changes nothing except your own understanding.
"""

import jax, jax.numpy as jnp
import numpy as np

NUM_QUANTIZERS = 4
NUM_EMBEDDINGS = 8192
EMBEDDING_DIM = 256
COMMITMENT_COST = 0.25

def setup_inputs(seed: int = 0) -> dict:
    key = jax.random.key(seed)
    kx, kc = jax.random.split(key)
    x = jax.random.normal(kx, (8, 32, 32, EMBEDDING_DIM), dtype=jnp.float32)
    codebooks = jax.random.normal(kc, (NUM_QUANTIZERS, NUM_EMBEDDINGS, EMBEDDING_DIM), dtype=jnp.float32) * 0.05
    return {"x": x, "codebooks": codebooks}

def _vq_layer(residual, codebook):
    D = codebook.shape[1]
    flat = residual.reshape(-1, D)
    distances = (jnp.sum(flat ** 2, axis=1, keepdims=True)
                 + jnp.sum(codebook ** 2, axis=1)
                 - 2.0 * flat @ codebook.T)
    codes = jnp.argmin(distances, axis=1)
    quantized = jnp.take(codebook, codes, axis=0).reshape(residual.shape)
    e_latent_loss = jnp.mean((jax.lax.stop_gradient(quantized) - residual) ** 2)
    loss = COMMITMENT_COST * e_latent_loss
    quantized_st = residual + jax.lax.stop_gradient(quantized - residual)
    one_hot = jax.nn.one_hot(codes, codebook.shape[0], dtype=jnp.float32)
    avg_probs = jnp.mean(one_hot, axis=0)
    perplexity = jnp.exp(-jnp.sum(avg_probs * jnp.log(avg_probs + 1e-10)))
    return quantized_st, loss, perplexity

def reference(x, codebooks):
    residual = x
    quantized_list = []
    loss_list = []
    perplexity_list = []
    for i in range(codebooks.shape[0]):
        q, vq_loss, perp = _vq_layer(residual, codebooks[i])
        quantized_list.append(q)
        loss_list.append(vq_loss)
        perplexity_list.append(perp)
        residual = residual - q
    quantized = jnp.stack(quantized_list, axis=0).sum(axis=0)
    total_loss = jnp.stack(loss_list).mean()
    return (quantized, total_loss, jnp.stack(quantized_list, axis=0), jnp.stack(perplexity_list))

if __name__ == "__main__":
    import jax
    _d = setup_inputs()
    print(jax.jit(kernel)(*tuple(_d.values())))

</pallas_src>

<mosaic_0001>
#map = affine_map<(d0, d1) -> (0, 0)>
#map1 = affine_map<(d0, d1) -> (0)>
module attributes {stable_mosaic.version = 14 : i64} {
  func.func @_sc_body(%arg0: i32, %arg1: i32, %arg2: memref<8192x256xf32, #tpu.memory_space<hbm>>, %arg3: memref<8192xi32, #tpu.memory_space<hbm>>, %arg4: memref<8192x256xf32, #tpu.memory_space<hbm>>, %arg5: memref<2x8192xf32, #tpu.memory_space<hbm>>, %arg6: memref<256xi32, #tpu.memory_space<vmem>>, %arg7: memref<256x256xf32, #tpu.memory_space<vmem>>, %arg8: memref<256xf32, #tpu.memory_space<vmem>>, %arg9: memref<512xf32, #tpu.memory_space<vmem>>, %arg10: memref<8192xf32, #tpu.memory_space<vmem>>, %arg11: memref<8192xf32, #tpu.memory_space<vmem_shared>>, %arg12: memref<!tpu.dma_semaphore, #tpu.memory_space<semaphore_mem>>) attributes {dimension_semantics = [#tpu.dimension_semantics<core_parallel>, #tpu.dimension_semantics<subcore_parallel>], iteration_bounds = array<i64: 2, 16>, scalar_prefetch = 0 : i64, scratch_operands = 7 : i64, tpu.core_type = #tpu.core_type<sc_vector_subcore>, window_params = [{transform_indices = #map}, {transform_indices = #map1}, {transform_indices = #map}, {transform_indices = #map}]} {
    %mul3A = arith.constant 2 : i32
    %mul3A_0 = arith.muli %arg1, %mul3A : i32
    %add3A = arith.addi %mul3A_0, %arg0 : i32
    %mul3A_1 = arith.constant 256 : i32
    %mul3A_2 = arith.muli %add3A, %mul3A_1 : i32
    "tpu.region"() ({
      %run_scoped3A = tpu.sem_alloc : memref<!tpu.dma_semaphore, #tpu.memory_space<semaphore_mem>>
      %dma_start3A_23 = tpu.memref_slice %arg3[%mul3A_2] : memref<8192xi32, #tpu.memory_space<hbm>> -> memref<256xi32, #tpu.memory_space<hbm>>
      %dma_start3A_24 = tpu.memref_slice %arg3[%mul3A_2] : memref<8192xi32, #tpu.memory_space<hbm>> -> memref<256xi32, #tpu.memory_space<hbm>>
      tpu.enqueue_dma source(%dma_start3A_24 : memref<256xi32, #tpu.memory_space<hbm>>) target(%arg6 : memref<256xi32, #tpu.memory_space<vmem>>) target_semaphore(%run_scoped3A : memref<!tpu.dma_semaphore, #tpu.memory_space<semaphore_mem>>)
      %dma_wait3A_25 = tpu.memref_slice %arg3[%mul3A_2] : memref<8192xi32, #tpu.memory_space<hbm>> -> memref<256xi32, #tpu.memory_space<hbm>>
      %dma_wait3A_26 = tpu.memref_slice %arg3[%mul3A_2] : memref<8192xi32, #tpu.memory_space<hbm>> -> memref<256xi32, #tpu.memory_space<hbm>>
      tpu.wait_dma2 semaphore(%run_scoped3A : memref<!tpu.dma_semaphore, #tpu.memory_space<semaphore_mem>>) src(%dma_wait3A_26 : memref<256xi32, #tpu.memory_space<hbm>>) dst(%arg6 : memref<256xi32, #tpu.memory_space<vmem>>)
      tpu.yield
    }) : () -> ()
    %dma_start3A = arith.constant 0 : i32
    %dma_start3A_3 = arith.constant 0 : i32
    %dma_start3A_4 = tpu.memref_slice %arg2[%dma_start3A, %dma_start3A_3] : memref<8192x256xf32, #tpu.memory_space<hbm>> -> memref<8192x256xf32, #tpu.memory_space<hbm>>
    tpu.enqueue_indirect_dma source(%dma_start3A_4 : memref<8192x256xf32, #tpu.memory_space<hbm>>) target(%arg7 : memref<256x256xf32, #tpu.memory_space<vmem>>) offsets(%arg6 : memref<256xi32, #tpu.memory_space<vmem>>) semaphore(%arg12 : memref<!tpu.dma_semaphore, #tpu.memory_space<semaphore_mem>>)
    %scan3A = arith.constant 0 : i32
    %scan3A_5 = arith.constant 0 : i32
    %scan3A_6 = arith.constant 16 : i32
    %scan3A_7 = arith.addi %scan3A_5, %scan3A_6 : i32
    %scan3A_8 = arith.constant 1 : i32
    scf.for %scan3A_23 = %scan3A_5 to %scan3A_7 step %scan3A_8  : i32 {
      %broadcast_in_dim3A = arith.constant 1.000000e+00 : f32
      %broadcast_in_dim3A_24 = vector.broadcast %broadcast_in_dim3A : f32 to vector<16xf32>
      %mul3A_25 = arith.constant 16 : i32
      %mul3A_26 = arith.muli %scan3A_23, %mul3A_25 : i32
      %swap3A = arith.index_cast %mul3A_26 : i32 to index
      %swap3A_27 = tpu.vector_load %arg8[%swap3A] {strides = array<i32>} : memref<256xf32, #tpu.memory_space<vmem>>, vector<16xf32>,
      %swap3A_28 = vector.shape_cast %swap3A_27 : vector<16xf32> to vector<16xf32>
      %swap3A_29 = vector.shape_cast %broadcast_in_dim3A_24 : vector<16xf32> to vector<16xf32>
      tpu.vector_store %arg8[%swap3A], %swap3A_29 {strides = array<i32>} : memref<256xf32, #tpu.memory_space<vmem>>, vector<16xf32>,
    }
    %scan3A_9 = arith.constant 16 : i32
    %scan3A_10 = arith.constant 0 : i32
    %scan3A_11 = arith.constant 0 : i32
    %scan3A_12 = arith.constant 32 : i32
    %scan3A_13 = arith.addi %scan3A_11, %scan3A_12 : i32
    %scan3A_14 = arith.constant 1 : i32
    scf.for %scan3A_23 = %scan3A_11 to %scan3A_13 step %scan3A_14  : i32 {
      %broadcast_in_dim3A = arith.constant 0.000000e+00 : f32
      %broadcast_in_dim3A_24 = vector.broadcast %broadcast_in_dim3A : f32 to vector<16xf32>
      %mul3A_25 = arith.constant 16 : i32
      %mul3A_26 = arith.muli %scan3A_23, %mul3A_25 : i32
      %swap3A = arith.index_cast %mul3A_26 : i32 to index
      %swap3A_27 = tpu.vector_load %arg9[%swap3A] {strides = array<i32>} : memref<512xf32, #tpu.memory_space<vmem>>, vector<16xf32>,
      %swap3A_28 = vector.shape_cast %swap3A_27 : vector<16xf32> to vector<16xf32>
      %swap3A_29 = vector.shape_cast %broadcast_in_dim3A_24 : vector<16xf32> to vector<16xf32>
      tpu.vector_store %arg9[%swap3A], %swap3A_29 {strides = array<i32>} : memref<512xf32, #tpu.memory_space<vmem>>, vector<16xf32>,
    }
    %scan3A_15 = arith.constant 32 : i32
    %mul3A_16 = arith.constant 512 : i32
    %mul3A_17 = arith.muli %arg1, %mul3A_16 : i32
    "tpu.region"() ({
      %run_scoped3A = tpu.sem_alloc : memref<!tpu.dma_semaphore, #tpu.memory_space<semaphore_mem>>
      %dma_start3A_23 = tpu.memref_slice %arg11[%mul3A_17] : memref<8192xf32, #tpu.memory_space<vmem_shared>> -> memref<512xf32, #tpu.memory_space<vmem_shared>>
      %dma_start3A_24 = tpu.memref_slice %arg11[%mul3A_17] : memref<8192xf32, #tpu.memory_space<vmem_shared>> -> memref<512xf32, #tpu.memory_space<vmem_shared>>
      tpu.enqueue_dma source(%arg9 : memref<512xf32, #tpu.memory_space<vmem>>) target(%dma_start3A_24 : memref<512xf32, #tpu.memory_space<vmem_shared>>) target_semaphore(%run_scoped3A : memref<!tpu.dma_semaphore, #tpu.memory_space<semaphore_mem>>)
      %dma_wait3A_25 = tpu.memref_slice %arg11[%mul3A_17] : memref<8192xf32, #tpu.memory_space<vmem_shared>> -> memref<512xf32, #tpu.memory_space<vmem_shared>>
      %dma_wait3A_26 = tpu.memref_slice %arg11[%mul3A_17] : memref<8192xf32, #tpu.memory_space<vmem_shared>> -> memref<512xf32, #tpu.memory_space<vmem_shared>>
      tpu.wait_dma2 semaphore(%run_scoped3A : memref<!tpu.dma_semaphore, #tpu.memory_space<semaphore_mem>>) src(%arg9 : memref<512xf32, #tpu.memory_space<vmem>>) dst(%dma_wait3A_26 : memref<512xf32, #tpu.memory_space<vmem_shared>>)
      tpu.yield
    }) : () -> ()
    %barrier3A = arith.constant 0 : index
    tpu.barrier barrier_id(%barrier3A)
    "tpu.region"() ({
      %run_scoped3A = tpu.sem_alloc : memref<!tpu.dma_semaphore, #tpu.memory_space<semaphore_mem>>
      %dma_start3A_23 = arith.constant 0 : i32
      %dma_start3A_24 = tpu.memref_slice %arg11[%dma_start3A_23] : memref<8192xf32, #tpu.memory_space<vmem_shared>> -> memref<8192xf32, #tpu.memory_space<vmem_shared>>
      tpu.enqueue_indirect_dma source(%arg8 : memref<256xf32, #tpu.memory_space<vmem>>) target(%dma_start3A_24 : memref<8192xf32, #tpu.memory_space<vmem_shared>>) offsets(%arg6 : memref<256xi32, #tpu.memory_space<vmem>>) semaphore(%run_scoped3A : memref<!tpu.dma_semaphore, #tpu.memory_space<semaphore_mem>>) {add = true}
      %dma_wait3A_25 = arith.constant 0 : i32
      %dma_wait3A_26 = tpu.memref_slice %arg11[%dma_wait3A_25] : memref<8192xf32, #tpu.memory_space<vmem_shared>> -> memref<8192xf32, #tpu.memory_space<vmem_shared>>
      tpu.wait_indirect_dma semaphore(%run_scoped3A : memref<!tpu.dma_semaphore, #tpu.memory_space<semaphore_mem>>) src(%arg8 : memref<256xf32, #tpu.memory_space<vmem>>) dst(%dma_wait3A_26 : memref<8192xf32, #tpu.memory_space<vmem_shared>>)
      tpu.yield
    }) : () -> ()
    %barrier3A_18 = arith.constant 0 : index
    tpu.barrier barrier_id(%barrier3A_18)
    %dma_wait3A = arith.constant 0 : i32
    %dma_wait3A_19 = arith.constant 0 : i32
    %dma_wait3A_20 = tpu.memref_slice %arg2[%dma_wait3A, %dma_wait3A_19] : memref<8192x256xf32, #tpu.memory_space<hbm>> -> memref<8192x256xf32, #tpu.memory_space<hbm>>
    tpu.wait_indirect_dma semaphore(%arg12 : memref<!tpu.dma_semaphore, #tpu.memory_space<semaphore_mem>>) src(%dma_wait3A_20 : memref<8192x256xf32, #tpu.memory_space<hbm>>) dst(%arg7 : memref<256x256xf32, #tpu.memory_space<vmem>>)
    "tpu.region"() ({
      %run_scoped3A = tpu.sem_alloc : memref<!tpu.dma_semaphore, #tpu.memory_space<semaphore_mem>>
      %dma_start3A_23 = arith.constant 0 : i32
      %dma_start3A_24 = tpu.memref_slice %arg4[%mul3A_2, %dma_start3A_23] : memref<8192x256xf32, #tpu.memory_space<hbm>> -> memref<256x256xf32, #tpu.memory_space<hbm>>
      %dma_start3A_25 = arith.constant 0 : i32
      %dma_start3A_26 = tpu.memref_slice %arg4[%mul3A_2, %dma_start3A_25] : memref<8192x256xf32, #tpu.memory_space<hbm>> -> memref<256x256xf32, #tpu.memory_space<hbm>>
      tpu.enqueue_dma source(%arg7 : memref<256x256xf32, #tpu.memory_space<vmem>>) target(%dma_start3A_26 : memref<256x256xf32, #tpu.memory_space<hbm>>) target_semaphore(%run_scoped3A : memref<!tpu.dma_semaphore, #tpu.memory_space<semaphore_mem>>)
      %dma_wait3A_27 = arith.constant 0 : i32
      %dma_wait3A_28 = tpu.memref_slice %arg4[%mul3A_2, %dma_wait3A_27] : memref<8192x256xf32, #tpu.memory_space<hbm>> -> memref<256x256xf32, #tpu.memory_space<hbm>>
      %dma_wait3A_29 = arith.constant 0 : i32
      %dma_wait3A_30 = tpu.memref_slice %arg4[%mul3A_2, %dma_wait3A_29] : memref<8192x256xf32, #tpu.memory_space<hbm>> -> memref<256x256xf32, #tpu.memory_space<hbm>>
      tpu.wait_dma2 semaphore(%run_scoped3A : memref<!tpu.dma_semaphore, #tpu.memory_space<semaphore_mem>>) src(%arg7 : memref<256x256xf32, #tpu.memory_space<vmem>>) dst(%dma_wait3A_30 : memref<256x256xf32, #tpu.memory_space<hbm>>)
      tpu.yield
    }) : () -> ()
    %eq3A = arith.constant 0 : i32
    %eq3A_21 = arith.cmpi eq, %arg1, %eq3A : i32
    %convert_element_type3A = arith.extui %eq3A_21 : i1 to i32
    %cond3A = arith.constant 0 : i32
    %cond3A_22 = arith.cmpi ne, %convert_element_type3A, %cond3A : i32
    scf.if %cond3A_22 {
      "tpu.region"() ({
        %run_scoped3A = tpu.sem_alloc : memref<!tpu.dma_semaphore, #tpu.memory_space<semaphore_mem>>
        tpu.enqueue_dma source(%arg11 : memref<8192xf32, #tpu.memory_space<vmem_shared>>) target(%arg10 : memref<8192xf32, #tpu.memory_space<vmem>>) target_semaphore(%run_scoped3A : memref<!tpu.dma_semaphore, #tpu.memory_space<semaphore_mem>>)
        tpu.wait_dma2 semaphore(%run_scoped3A : memref<!tpu.dma_semaphore, #tpu.memory_space<semaphore_mem>>) src(%arg11 : memref<8192xf32, #tpu.memory_space<vmem_shared>>) dst(%arg10 : memref<8192xf32, #tpu.memory_space<vmem>>)
        tpu.yield
      }) : () -> ()
      "tpu.region"() ({
        %run_scoped3A = tpu.sem_alloc : memref<!tpu.dma_semaphore, #tpu.memory_space<semaphore_mem>>
        %dma_start3A_23 = arith.constant 0 : i32
        %dma_start3A_24 = tpu.memref_slice %arg5[%arg0, %dma_start3A_23] : memref<2x8192xf32, #tpu.memory_space<hbm>> -> memref<1x8192xf32, #tpu.memory_space<hbm>>
        %dma_start3A_25 = tpu.memref_squeeze %dma_start3A_24 : memref<1x8192xf32, #tpu.memory_space<hbm>> -> memref<8192xf32, #tpu.memory_space<hbm>>
        %dma_start3A_26 = arith.constant 0 : i32
        %dma_start3A_27 = tpu.memref_slice %arg5[%arg0, %dma_start3A_26] : memref<2x8192xf32, #tpu.memory_space<hbm>> -> memref<1x8192xf32, #tpu.memory_space<hbm>>
        %dma_start3A_28 = tpu.memref_squeeze %dma_start3A_27 : memref<1x8192xf32, #tpu.memory_space<hbm>> -> memref<8192xf32, #tpu.memory_space<hbm>>
        tpu.enqueue_dma source(%arg10 : memref<8192xf32, #tpu.memory_space<vmem>>) target(%dma_start3A_28 : memref<8192xf32, #tpu.memory_space<hbm>>) target_semaphore(%run_scoped3A : memref<!tpu.dma_semaphore, #tpu.memory_space<semaphore_mem>>)
        %dma_wait3A_29 = arith.constant 0 : i32
        %dma_wait3A_30 = tpu.memref_slice %arg5[%arg0, %dma_wait3A_29] : memref<2x8192xf32, #tpu.memory_space<hbm>> -> memref<1x8192xf32, #tpu.memory_space<hbm>>
        %dma_wait3A_31 = tpu.memref_squeeze %dma_wait3A_30 : memref<1x8192xf32, #tpu.memory_space<hbm>> -> memref<8192xf32, #tpu.memory_space<hbm>>
        %dma_wait3A_32 = arith.constant 0 : i32
        %dma_wait3A_33 = tpu.memref_slice %arg5[%arg0, %dma_wait3A_32] : memref<2x8192xf32, #tpu.memory_space<hbm>> -> memref<1x8192xf32, #tpu.memory_space<hbm>>
        %dma_wait3A_34 = tpu.memref_squeeze %dma_wait3A_33 : memref<1x8192xf32, #tpu.memory_space<hbm>> -> memref<8192xf32, #tpu.memory_space<hbm>>
        tpu.wait_dma2 semaphore(%run_scoped3A : memref<!tpu.dma_semaphore, #tpu.memory_space<semaphore_mem>>) src(%arg10 : memref<8192xf32, #tpu.memory_space<vmem>>) dst(%dma_wait3A_34 : memref<8192xf32, #tpu.memory_space<hbm>>)
        tpu.yield
      }) : () -> ()
    } else {
    }
    return
  }
}

#map = affine_map<(d0, d1) -> (0, 0)>
#map1 = affine_map<(d0, d1) -> (0)>
module attributes {stable_mosaic.version = 14 : i64} {
  func.func @_sc_body(%arg0: i32, %arg1: i32, %arg2: memref<8192x256xf32, #tpu.memory_space<hbm>>, %arg3: memref<8192xi32, #tpu.memory_space<hbm>>, %arg4: memref<8192x256xf32, #tpu.memory_space<hbm>>, %arg5: memref<2x8192xf32, #tpu.memory_space<hbm>>, %arg6: memref<256xi32, #tpu.memory_space<vmem>>, %arg7: memref<256x256xf32, #tpu.memory_space<vmem>>, %arg8: memref<256xf32, #tpu.memory_space<vmem>>, %arg9: memref<512xf32, #tpu.memory_space<vmem>>, %arg10: memref<8192xf32, #tpu.memory_space<vmem>>, %arg11: memref<8192xf32, #tpu.memory_space<vmem_shared>>, %arg12: memref<!tpu.dma_semaphore, #tpu.memory_space<semaphore_mem>>) attributes {dimension_semantics = [#tpu.dimension_semantics<core_parallel>, #tpu.dimension_semantics<subcore_parallel>], iteration_bounds = array<i64: 2, 16>, scalar_prefetch = 0 : i64, scratch_operands = 7 : i64, tpu.core_type = #tpu.core_type<sc_vector_subcore>, window_params = [{transform_indices = #map}, {transform_indices = #map1}, {transform_indices = #map}, {transform_indices = #map}]} {
    %mul3A = arith.constant 2 : i32
    %mul3A_0 = arith.muli %arg1, %mul3A : i32
    %add3A = arith.addi %mul3A_0, %arg0 : i32
    %mul3A_1 = arith.constant 256 : i32
    %mul3A_2 = arith.muli %add3A, %mul3A_1 : i32
    "tpu.region"() ({
      %run_scoped3A = tpu.sem_alloc : memref<!tpu.dma_semaphore, #tpu.memory_space<semaphore_mem>>
      %dma_start3A_23 = tpu.memref_slice %arg3[%mul3A_2] : memref<8192xi32, #tpu.memory_space<hbm>> -> memref<256xi32, #tpu.memory_space<hbm>>
      %dma_start3A_24 = tpu.memref_slice %arg3[%mul3A_2] : memref<8192xi32, #tpu.memory_space<hbm>> -> memref<256xi32, #tpu.memory_space<hbm>>
      tpu.enqueue_dma source(%dma_start3A_24 : memref<256xi32, #tpu.memory_space<hbm>>) target(%arg6 : memref<256xi32, #tpu.memory_space<vmem>>) target_semaphore(%run_scoped3A : memref<!tpu.dma_semaphore, #tpu.memory_space<semaphore_mem>>)
      %dma_wait3A_25 = tpu.memref_slice %arg3[%mul3A_2] : memref<8192xi32, #tpu.memory_space<hbm>> -> memref<256xi32, #tpu.memory_space<hbm>>
      %dma_wait3A_26 = tpu.memref_slice %arg3[%mul3A_2] : memref<8192xi32, #tpu.memory_space<hbm>> -> memref<256xi32, #tpu.memory_space<hbm>>
      tpu.wait_dma2 semaphore(%run_scoped3A : memref<!tpu.dma_semaphore, #tpu.memory_space<semaphore_mem>>) src(%dma_wait3A_26 : memref<256xi32, #tpu.memory_space<hbm>>) dst(%arg6 : memref<256xi32, #tpu.memory_space<vmem>>)
      tpu.yield
    }) : () -> ()
    %dma_start3A = arith.constant 0 : i32
    %dma_start3A_3 = arith.constant 0 : i32
    %dma_start3A_4 = tpu.memref_slice %arg2[%dma_start3A, %dma_start3A_3] : memref<8192x256xf32, #tpu.memory_space<hbm>> -> memref<8192x256xf32, #tpu.memory_space<hbm>>
    tpu.enqueue_indirect_dma source(%dma_start3A_4 : memref<8192x256xf32, #tpu.memory_space<hbm>>) target(%arg7 : memref<256x256xf32, #tpu.memory_space<vmem>>) offsets(%arg6 : memref<256xi32, #tpu.memory_space<vmem>>) semaphore(%arg12 : memref<!tpu.dma_semaphore, #tpu.memory_space<semaphore_mem>>)
    %scan3A = arith.constant 0 : i32
    %scan3A_5 = arith.constant 0 : i32
    %scan3A_6 = arith.constant 16 : i32
    %scan3A_7 = arith.addi %scan3A_5, %scan3A_6 : i32
    %scan3A_8 = arith.constant 1 : i32
    scf.for %scan3A_23 = %scan3A_5 to %scan3A_7 step %scan3A_8  : i32 {
      %broadcast_in_dim3A = arith.constant 1.000000e+00 : f32
      %broadcast_in_dim3A_24 = vector.broadcast %broadcast_in_dim3A : f32 to vector<16xf32>
      %mul3A_25 = arith.constant 16 : i32
      %mul3A_26 = arith.muli %scan3A_23, %mul3A_25 : i32
      %swap3A = arith.index_cast %mul3A_26 : i32 to index
      %swap3A_27 = tpu.vector_load %arg8[%swap3A] {strides = array<i32>} : memref<256xf32, #tpu.memory_space<vmem>>, vector<16xf32>,
      %swap3A_28 = vector.shape_cast %swap3A_27 : vector<16xf32> to vector<16xf32>
      %swap3A_29 = vector.shape_cast %broadcast_in_dim3A_24 : vector<16xf32> to vector<16xf32>
      tpu.vector_store %arg8[%swap3A], %swap3A_29 {strides = array<i32>} : memref<256xf32, #tpu.memory_space<vmem>>, vector<16xf32>,
    }
    %scan3A_9 = arith.constant 16 : i32
    %scan3A_10 = arith.constant 0 : i32
    %scan3A_11 = arith.constant 0 : i32
    %scan3A_12 = arith.constant 32 : i32
    %scan3A_13 = arith.addi %scan3A_11, %scan3A_12 : i32
    %scan3A_14 = arith.constant 1 : i32
    scf.for %scan3A_23 = %scan3A_11 to %scan3A_13 step %scan3A_14  : i32 {
      %broadcast_in_dim3A = arith.constant 0.000000e+00 : f32
      %broadcast_in_dim3A_24 = vector.broadcast %broadcast_in_dim3A : f32 to vector<16xf32>
      %mul3A_25 = arith.constant 16 : i32
      %mul3A_26 = arith.muli %scan3A_23, %mul3A_25 : i32
      %swap3A = arith.index_cast %mul3A_26 : i32 to index
      %swap3A_27 = tpu.vector_load %arg9[%swap3A] {strides = array<i32>} : memref<512xf32, #tpu.memory_space<vmem>>, vector<16xf32>,
      %swap3A_28 = vector.shape_cast %swap3A_27 : vector<16xf32> to vector<16xf32>
      %swap3A_29 = vector.shape_cast %broadcast_in_dim3A_24 : vector<16xf32> to vector<16xf32>
      tpu.vector_store %arg9[%swap3A], %swap3A_29 {strides = array<i32>} : memref<512xf32, #tpu.memory_space<vmem>>, vector<16xf32>,
    }
    %scan3A_15 = arith.constant 32 : i32
    %mul3A_16 = arith.constant 512 : i32
    %mul3A_17 = arith.muli %arg1, %mul3A_16 : i32
    "tpu.region"() ({
      %run_scoped3A = tpu.sem_alloc : memref<!tpu.dma_semaphore, #tpu.memory_space<semaphore_mem>>
      %dma_start3A_23 = tpu.memref_slice %arg11[%mul3A_17] : memref<8192xf32, #tpu.memory_space<vmem_shared>> -> memref<512xf32, #tpu.memory_space<vmem_shared>>
      %dma_start3A_24 = tpu.memref_slice %arg11[%mul3A_17] : memref<8192xf32, #tpu.memory_space<vmem_shared>> -> memref<512xf32, #tpu.memory_space<vmem_shared>>
      tpu.enqueue_dma source(%arg9 : memref<512xf32, #tpu.memory_space<vmem>>) target(%dma_start3A_24 : memref<512xf32, #tpu.memory_space<vmem_shared>>) target_semaphore(%run_scoped3A : memref<!tpu.dma_semaphore, #tpu.memory_space<semaphore_mem>>)
      %dma_wait3A_25 = tpu.memref_slice %arg11[%mul3A_17] : memref<8192xf32, #tpu.memory_space<vmem_shared>> -> memref<512xf32, #tpu.memory_space<vmem_shared>>
      %dma_wait3A_26 = tpu.memref_slice %arg11[%mul3A_17] : memref<8192xf32, #tpu.memory_space<vmem_shared>> -> memref<512xf32, #tpu.memory_space<vmem_shared>>
      tpu.wait_dma2 semaphore(%run_scoped3A : memref<!tpu.dma_semaphore, #tpu.memory_space<semaphore_mem>>) src(%arg9 : memref<512xf32, #tpu.memory_space<vmem>>) dst(%dma_wait3A_26 : memref<512xf32, #tpu.memory_space<vmem_shared>>)
      tpu.yield
    }) : () -> ()
    %barrier3A = arith.constant 0 : index
    tpu.barrier barrier_id(%barrier3A)
    "tpu.region"() ({
      %run_scoped3A = tpu.sem_alloc : memref<!tpu.dma_semaphore, #tpu.memory_space<semaphore_mem>>
      %dma_start3A_23 = arith.constant 0 : i32
      %dma_start3A_24 = tpu.memref_slice %arg11[%dma_start3A_23] : memref<8192xf32, #tpu.memory_space<vmem_shared>> -> memref<8192xf32, #tpu.memory_space<vmem_shared>>
      tpu.enqueue_indirect_dma source(%arg8 : memref<256xf32, #tpu.memory_space<vmem>>) target(%dma_start3A_24 : memref<8192xf32, #tpu.memory_space<vmem_shared>>) offsets(%arg6 : memref<256xi32, #tpu.memory_space<vmem>>) semaphore(%run_scoped3A : memref<!tpu.dma_semaphore, #tpu.memory_space<semaphore_mem>>) {add = true}
      %dma_wait3A_25 = arith.constant 0 : i32
      %dma_wait3A_26 = tpu.memref_slice %arg11[%dma_wait3A_25] : memref<8192xf32, #tpu.memory_space<vmem_shared>> -> memref<8192xf32, #tpu.memory_space<vmem_shared>>
      tpu.wait_indirect_dma semaphore(%run_scoped3A : memref<!tpu.dma_semaphore, #tpu.memory_space<semaphore_mem>>) src(%arg8 : memref<256xf32, #tpu.memory_space<vmem>>) dst(%dma_wait3A_26 : memref<8192xf32, #tpu.memory_space<vmem_shared>>)
      tpu.yield
    }) : () -> ()
    %barrier3A_18 = arith.constant 0 : index
    tpu.barrier barrier_id(%barrier3A_18)
    %dma_wait3A = arith.constant 0 : i32
    %dma_wait3A_19 = arith.constant 0 : i32
    %dma_wait3A_20 = tpu.memref_slice %arg2[%dma_wait3A, %dma_wait3A_19] : memref<8192x256xf32, #tpu.memory_space<hbm>> -> memref<8192x256xf32, #tpu.memory_space<hbm>>
    tpu.wait_indirect_dma semaphore(%arg12 : memref<!tpu.dma_semaphore, #tpu.memory_space<semaphore_mem>>) src(%dma_wait3A_20 : memref<8192x256xf32, #tpu.memory_space<hbm>>) dst(%arg7 : memref<256x256xf32, #tpu.memory_space<vmem>>)
    "tpu.region"() ({
      %run_scoped3A = tpu.sem_alloc : memref<!tpu.dma_semaphore, #tpu.memory_space<semaphore_mem>>
      %dma_start3A_23 = arith.constant 0 : i32
      %dma_start3A_24 = tpu.memref_slice %arg4[%mul3A_2, %dma_start3A_23] : memref<8192x256xf32, #tpu.memory_space<hbm>> -> memref<256x256xf32, #tpu.memory_space<hbm>>
      %dma_start3A_25 = arith.constant 0 : i32
      %dma_start3A_26 = tpu.memref_slice %arg4[%mul3A_2, %dma_start3A_25] : memref<8192x256xf32, #tpu.memory_space<hbm>> -> memref<256x256xf32, #tpu.memory_space<hbm>>
      tpu.enqueue_dma source(%arg7 : memref<256x256xf32, #tpu.memory_space<vmem>>) target(%dma_start3A_26 : memref<256x256xf32, #tpu.memory_space<hbm>>) target_semaphore(%run_scoped3A : memref<!tpu.dma_semaphore, #tpu.memory_space<semaphore_mem>>)
      %dma_wait3A_27 = arith.constant 0 : i32
      %dma_wait3A_28 = tpu.memref_slice %arg4[%mul3A_2, %dma_wait3A_27] : memref<8192x256xf32, #tpu.memory_space<hbm>> -> memref<256x256xf32, #tpu.memory_space<hbm>>
      %dma_wait3A_29 = arith.constant 0 : i32
      %dma_wait3A_30 = tpu.memref_slice %arg4[%mul3A_2, %dma_wait3A_29] : memref<8192x256xf32, #tpu.memory_space<hbm>> -> memref<256x256xf32, #tpu.memory_space<hbm>>
      tpu.wait_dma2 semaphore(%run_scoped3A : memref<!tpu.dma_semaphore, #tpu.memory_space<semaphore_mem>>) src(%arg7 : memref<256x256xf32, #tpu.memory_space<vmem>>) dst(%dma_wait3A_30 : memref<256x256xf32, #tpu.memory_space<hbm>>)
      tpu.yield
    }) : () -> ()
    %eq3A = arith.constant 0 : i32
    %eq3A_21 = arith.cmpi eq, %arg1, %eq3A : i32
    %convert_element_type3A = arith.extui %eq3A_21 : i1 to i32
    %cond3A = arith.constant 0 : i32
    %cond3A_22 = arith.cmpi ne, %convert_element_type3A, %cond3A : i32
    scf.if %cond3A_22 {
      "tpu.region"() ({
        %run_scoped3A = tpu.sem_alloc : memref<!tpu.dma_semaphore, #tpu.memory_space<semaphore_mem>>
        tpu.enqueue_dma source(%arg11 : memref<8192xf32, #tpu.memory_space<vmem_shared>>) target(%arg10 : memref<8192xf32, #tpu.memory_space<vmem>>) target_semaphore(%run_scoped3A : memref<!tpu.dma_semaphore, #tpu.memory_space<semaphore_mem>>)
        tpu.wait_dma2 semaphore(%run_scoped3A : memref<!tpu.dma_semaphore, #tpu.memory_space<semaphore_mem>>) src(%arg11 : memref<8192xf32, #tpu.memory_space<vmem_shared>>) dst(%arg10 : memref<8192xf32, #tpu.memory_space<vmem>>)
        tpu.yield
      }) : () -> ()
      "tpu.region"() ({
        %run_scoped3A = tpu.sem_alloc : memref<!tpu.dma_semaphore, #tpu.memory_space<semaphore_mem>>
        %dma_start3A_23 = arith.constant 0 : i32
        %dma_start3A_24 = tpu.memref_slice %arg5[%arg0, %dma_start3A_23] : memref<2x8192xf32, #tpu.memory_space<hbm>> -> memref<1x8192xf32, #tpu.memory_space<hbm>>
        %dma_start3A_25 = tpu.memref_squeeze %dma_start3A_24 : memref<1x8192xf32, #tpu.memory_space<hbm>> -> memref<8192xf32, #tpu.memory_space<hbm>>
        %dma_start3A_26 = arith.constant 0 : i32
        %dma_start3A_27 = tpu.memref_slice %arg5[%arg0, %dma_start3A_26] : memref<2x8192xf32, #tpu.memory_space<hbm>> -> memref<1x8192xf32, #tpu.memory_space<hbm>>
        %dma_start3A_28 = tpu.memref_squeeze %dma_start3A_27 : memref<1x8192xf32, #tpu.memory_space<hbm>> -> memref<8192xf32, #tpu.memory_space<hbm>>
        tpu.enqueue_dma source(%arg10 : memref<8192xf32, #tpu.memory_space<vmem>>) target(%dma_start3A_28 : memref<8192xf32, #tpu.memory_space<hbm>>) target_semaphore(%run_scoped3A : memref<!tpu.dma_semaphore, #tpu.memory_space<semaphore_mem>>)
        %dma_wait3A_29 = arith.constant 0 : i32
        %dma_wait3A_30 = tpu.memref_slice %arg5[%arg0, %dma_wait3A_29] : memref<2x8192xf32, #tpu.memory_space<hbm>> -> memref<1x8192xf32, #tpu.memory_space<hbm>>
        %dma_wait3A_31 = tpu.memref_squeeze %dma_wait3A_30 : memref<1x8192xf32, #tpu.memory_space<hbm>> -> memref<8192xf32, #tpu.memory_space<hbm>>
        %dma_wait3A_32 = arith.constant 0 : i32
        %dma_wait3A_33 = tpu.memref_slice %arg5[%arg0, %dma_wait3A_32] : memref<2x8192xf32, #tpu.memory_space<hbm>> -> memref<1x8192xf32, #tpu.memory_space<hbm>>
        %dma_wait3A_34 = tpu.memref_squeeze %dma_wait3A_33 : memref<1x8192xf32, #tpu.memory_space<hbm>> -> memref<8192xf32, #tpu.memory_space<hbm>>
        tpu.wait_dma2 semaphore(%run_scoped3A : memref<!tpu.dma_semaphore, #tpu.memory_space<semaphore_mem>>) src(%arg10 : memref<8192xf32, #tpu.memory_space<vmem>>) dst(%dma_wait3A_34 : memref<8192xf32, #tpu.memory_space<hbm>>)
        tpu.yield
      }) : () -> ()
    } else {
    }
    return
  }
}

#map = affine_map<(d0, d1) -> (0, 0)>
#map1 = affine_map<(d0, d1) -> (0)>
module attributes {stable_mosaic.version = 14 : i64} {
  func.func @_sc_body(%arg0: i32, %arg1: i32, %arg2: memref<8192x256xf32, #tpu.memory_space<hbm>>, %arg3: memref<8192xi32, #tpu.memory_space<hbm>>, %arg4: memref<8192x256xf32, #tpu.memory_space<hbm>>, %arg5: memref<2x8192xf32, #tpu.memory_space<hbm>>, %arg6: memref<256xi32, #tpu.memory_space<vmem>>, %arg7: memref<256x256xf32, #tpu.memory_space<vmem>>, %arg8: memref<256xf32, #tpu.memory_space<vmem>>, %arg9: memref<512xf32, #tpu.memory_space<vmem>>, %arg10: memref<8192xf32, #tpu.memory_space<vmem>>, %arg11: memref<8192xf32, #tpu.memory_space<vmem_shared>>, %arg12: memref<!tpu.dma_semaphore, #tpu.memory_space<semaphore_mem>>) attributes {dimension_semantics = [#tpu.dimension_semantics<core_parallel>, #tpu.dimension_semantics<subcore_parallel>], iteration_bounds = array<i64: 2, 16>, scalar_prefetch = 0 : i64, scratch_operands = 7 : i64, tpu.core_type = #tpu.core_type<sc_vector_subcore>, window_params = [{transform_indices = #map}, {transform_indices = #map1}, {transform_indices = #map}, {transform_indices = #map}]} {
    %mul3A = arith.constant 2 : i32
    %mul3A_0 = arith.muli %arg1, %mul3A : i32
    %add3A = arith.addi %mul3A_0, %arg0 : i32
    %mul3A_1 = arith.constant 256 : i32
    %mul3A_2 = arith.muli %add3A, %mul3A_1 : i32
    "tpu.region"() ({
      %run_scoped3A = tpu.sem_alloc : memref<!tpu.dma_semaphore, #tpu.memory_space<semaphore_mem>>
      %dma_start3A_23 = tpu.memref_slice %arg3[%mul3A_2] : memref<8192xi32, #tpu.memory_space<hbm>> -> memref<256xi32, #tpu.memory_space<hbm>>
      %dma_start3A_24 = tpu.memref_slice %arg3[%mul3A_2] : memref<8192xi32, #tpu.memory_space<hbm>> -> memref<256xi32, #tpu.memory_space<hbm>>
      tpu.enqueue_dma source(%dma_start3A_24 : memref<256xi32, #tpu.memory_space<hbm>>) target(%arg6 : memref<256xi32, #tpu.memory_space<vmem>>) target_semaphore(%run_scoped3A : memref<!tpu.dma_semaphore, #tpu.memory_space<semaphore_mem>>)
      %dma_wait3A_25 = tpu.memref_slice %arg3[%mul3A_2] : memref<8192xi32, #tpu.memory_space<hbm>> -> memref<256xi32, #tpu.memory_space<hbm>>
      %dma_wait3A_26 = tpu.memref_slice %arg3[%mul3A_2] : memref<8192xi32, #tpu.memory_space<hbm>> -> memref<256xi32, #tpu.memory_space<hbm>>
      tpu.wait_dma2 semaphore(%run_scoped3A : memref<!tpu.dma_semaphore, #tpu.memory_space<semaphore_mem>>) src(%dma_wait3A_26 : memref<256xi32, #tpu.memory_space<hbm>>) dst(%arg6 : memref<256xi32, #tpu.memory_space<vmem>>)
      tpu.yield
    }) : () -> ()
    %dma_start3A = arith.constant 0 : i32
    %dma_start3A_3 = arith.constant 0 : i32
    %dma_start3A_4 = tpu.memref_slice %arg2[%dma_start3A, %dma_start3A_3] : memref<8192x256xf32, #tpu.memory_space<hbm>> -> memref<8192x256xf32, #tpu.memory_space<hbm>>
    tpu.enqueue_indirect_dma source(%dma_start3A_4 : memref<8192x256xf32, #tpu.memory_space<hbm>>) target(%arg7 : memref<256x256xf32, #tpu.memory_space<vmem>>) offsets(%arg6 : memref<256xi32, #tpu.memory_space<vmem>>) semaphore(%arg12 : memref<!tpu.dma_semaphore, #tpu.memory_space<semaphore_mem>>)
    %scan3A = arith.constant 0 : i32
    %scan3A_5 = arith.constant 0 : i32
    %scan3A_6 = arith.constant 16 : i32
    %scan3A_7 = arith.addi %scan3A_5, %scan3A_6 : i32
    %scan3A_8 = arith.constant 1 : i32
    scf.for %scan3A_23 = %scan3A_5 to %scan3A_7 step %scan3A_8  : i32 {
      %broadcast_in_dim3A = arith.constant 1.000000e+00 : f32
      %broadcast_in_dim3A_24 = vector.broadcast %broadcast_in_dim3A : f32 to vector<16xf32>
      %mul3A_25 = arith.constant 16 : i32
      %mul3A_26 = arith.muli %scan3A_23, %mul3A_25 : i32
      %swap3A = arith.index_cast %mul3A_26 : i32 to index
      %swap3A_27 = tpu.vector_load %arg8[%swap3A] {strides = array<i32>} : memref<256xf32, #tpu.memory_space<vmem>>, vector<16xf32>,
      %swap3A_28 = vector.shape_cast %swap3A_27 : vector<16xf32> to vector<16xf32>
      %swap3A_29 = vector.shape_cast %broadcast_in_dim3A_24 : vector<16xf32> to vector<16xf32>
      tpu.vector_store %arg8[%swap3A], %swap3A_29 {strides = array<i32>} : memref<256xf32, #tpu.memory_space<vmem>>, vector<16xf32>,
    }
    %scan3A_9 = arith.constant 16 : i32
    %scan3A_10 = arith.constant 0 : i32
    %scan3A_11 = arith.constant 0 : i32
    %scan3A_12 = arith.constant 32 : i32
    %scan3A_13 = arith.addi %scan3A_11, %scan3A_12 : i32
    %scan3A_14 = arith.constant 1 : i32
    scf.for %scan3A_23 = %scan3A_11 to %scan3A_13 step %scan3A_14  : i32 {
      %broadcast_in_dim3A = arith.constant 0.000000e+00 : f32
      %broadcast_in_dim3A_24 = vector.broadcast %broadcast_in_dim3A : f32 to vector<16xf32>
      %mul3A_25 = arith.constant 16 : i32
      %mul3A_26 = arith.muli %scan3A_23, %mul3A_25 : i32
      %swap3A = arith.index_cast %mul3A_26 : i32 to index
      %swap3A_27 = tpu.vector_load %arg9[%swap3A] {strides = array<i32>} : memref<512xf32, #tpu.memory_space<vmem>>, vector<16xf32>,
      %swap3A_28 = vector.shape_cast %swap3A_27 : vector<16xf32> to vector<16xf32>
      %swap3A_29 = vector.shape_cast %broadcast_in_dim3A_24 : vector<16xf32> to vector<16xf32>
      tpu.vector_store %arg9[%swap3A], %swap3A_29 {strides = array<i32>} : memref<512xf32, #tpu.memory_space<vmem>>, vector<16xf32>,
    }
    %scan3A_15 = arith.constant 32 : i32
    %mul3A_16 = arith.constant 512 : i32
    %mul3A_17 = arith.muli %arg1, %mul3A_16 : i32
    "tpu.region"() ({
      %run_scoped3A = tpu.sem_alloc : memref<!tpu.dma_semaphore, #tpu.memory_space<semaphore_mem>>
      %dma_start3A_23 = tpu.memref_slice %arg11[%mul3A_17] : memref<8192xf32, #tpu.memory_space<vmem_shared>> -> memref<512xf32, #tpu.memory_space<vmem_shared>>
      %dma_start3A_24 = tpu.memref_slice %arg11[%mul3A_17] : memref<8192xf32, #tpu.memory_space<vmem_shared>> -> memref<512xf32, #tpu.memory_space<vmem_shared>>
      tpu.enqueue_dma source(%arg9 : memref<512xf32, #tpu.memory_space<vmem>>) target(%dma_start3A_24 : memref<512xf32, #tpu.memory_space<vmem_shared>>) target_semaphore(%run_scoped3A : memref<!tpu.dma_semaphore, #tpu.memory_space<semaphore_mem>>)
      %dma_wait3A_25 = tpu.memref_slice %arg11[%mul3A_17] : memref<8192xf32, #tpu.memory_space<vmem_shared>> -> memref<512xf32, #tpu.memory_space<vmem_shared>>
      %dma_wait3A_26 = tpu.memref_slice %arg11[%mul3A_17] : memref<8192xf32, #tpu.memory_space<vmem_shared>> -> memref<512xf32, #tpu.memory_space<vmem_shared>>
      tpu.wait_dma2 semaphore(%run_scoped3A : memref<!tpu.dma_semaphore, #tpu.memory_space<semaphore_mem>>) src(%arg9 : memref<512xf32, #tpu.memory_space<vmem>>) dst(%dma_wait3A_26 : memref<512xf32, #tpu.memory_space<vmem_shared>>)
      tpu.yield
    }) : () -> ()
    %barrier3A = arith.constant 0 : index
    tpu.barrier barrier_id(%barrier3A)
    "tpu.region"() ({
      %run_scoped3A = tpu.sem_alloc : memref<!tpu.dma_semaphore, #tpu.memory_space<semaphore_mem>>
      %dma_start3A_23 = arith.constant 0 : i32
      %dma_start3A_24 = tpu.memref_slice %arg11[%dma_start3A_23] : memref<8192xf32, #tpu.memory_space<vmem_shared>> -> memref<8192xf32, #tpu.memory_space<vmem_shared>>
      tpu.enqueue_indirect_dma source(%arg8 : memref<256xf32, #tpu.memory_space<vmem>>) target(%dma_start3A_24 : memref<8192xf32, #tpu.memory_space<vmem_shared>>) offsets(%arg6 : memref<256xi32, #tpu.memory_space<vmem>>) semaphore(%run_scoped3A : memref<!tpu.dma_semaphore, #tpu.memory_space<semaphore_mem>>) {add = true}
      %dma_wait3A_25 = arith.constant 0 : i32
      %dma_wait3A_26 = tpu.memref_slice %arg11[%dma_wait3A_25] : memref<8192xf32, #tpu.memory_space<vmem_shared>> -> memref<8192xf32, #tpu.memory_space<vmem_shared>>
      tpu.wait_indirect_dma semaphore(%run_scoped3A : memref<!tpu.dma_semaphore, #tpu.memory_space<semaphore_mem>>) src(%arg8 : memref<256xf32, #tpu.memory_space<vmem>>) dst(%dma_wait3A_26 : memref<8192xf32, #tpu.memory_space<vmem_shared>>)
      tpu.yield
    }) : () -> ()
    %barrier3A_18 = arith.constant 0 : index
    tpu.barrier barrier_id(%barrier3A_18)
    %dma_wait3A = arith.constant 0 : i32
    %dma_wait3A_19 = arith.constant 0 : i32
    %dma_wait3A_20 = tpu.memref_slice %arg2[%dma_wait3A, %dma_wait3A_19] : memref<8192x256xf32, #tpu.memory_space<hbm>> -> memref<8192x256xf32, #tpu.memory_space<hbm>>
    tpu.wait_indirect_dma semaphore(%arg12 : memref<!tpu.dma_semaphore, #tpu.memory_space<semaphore_mem>>) src(%dma_wait3A_20 : memref<8192x256xf32, #tpu.memory_space<hbm>>) dst(%arg7 : memref<256x256xf32, #tpu.memory_space<vmem>>)
    "tpu.region"() ({
      %run_scoped3A = tpu.sem_alloc : memref<!tpu.dma_semaphore, #tpu.memory_space<semaphore_mem>>
      %dma_start3A_23 = arith.constant 0 : i32
      %dma_start3A_24 = tpu.memref_slice %arg4[%mul3A_2, %dma_start3A_23] : memref<8192x256xf32, #tpu.memory_space<hbm>> -> memref<256x256xf32, #tpu.memory_space<hbm>>
      %dma_start3A_25 = arith.constant 0 : i32
      %dma_start3A_26 = tpu.memref_slice %arg4[%mul3A_2, %dma_start3A_25] : memref<8192x256xf32, #tpu.memory_space<hbm>> -> memref<256x256xf32, #tpu.memory_space<hbm>>
      tpu.enqueue_dma source(%arg7 : memref<256x256xf32, #tpu.memory_space<vmem>>) target(%dma_start3A_26 : memref<256x256xf32, #tpu.memory_space<hbm>>) target_semaphore(%run_scoped3A : memref<!tpu.dma_semaphore, #tpu.memory_space<semaphore_mem>>)
      %dma_wait3A_27 = arith.constant 0 : i32
      %dma_wait3A_28 = tpu.memref_slice %arg4[%mul3A_2, %dma_wait3A_27] : memref<8192x256xf32, #tpu.memory_space<hbm>> -> memref<256x256xf32, #tpu.memory_space<hbm>>
      %dma_wait3A_29 = arith.constant 0 : i32
      %dma_wait3A_30 = tpu.memref_slice %arg4[%mul3A_2, %dma_wait3A_29] : memref<8192x256xf32, #tpu.memory_space<hbm>> -> memref<256x256xf32, #tpu.memory_space<hbm>>
      tpu.wait_dma2 semaphore(%run_scoped3A : memref<!tpu.dma_semaphore, #tpu.memory_space<semaphore_mem>>) src(%arg7 : memref<256x256xf32, #tpu.memory_space<vmem>>) dst(%dma_wait3A_30 : memref<256x256xf32, #tpu.memory_space<hbm>>)
      tpu.yield
    }) : () -> ()
    %eq3A = arith.constant 0 : i32
    %eq3A_21 = arith.cmpi eq, %arg1, %eq3A : i32
    %convert_element_type3A = arith.extui %eq3A_21 : i1 to i32
    %cond3A = arith.constant 0 : i32
    %cond3A_22 = arith.cmpi ne, %convert_element_type3A, %cond3A : i32
    scf.if %cond3A_22 {
      "tpu.region"() ({
        %run_scoped3A = tpu.sem_alloc : memref<!tpu.dma_semaphore, #tpu.memory_space<semaphore_mem>>
        tpu.enqueue_dma source(%arg11 : memref<8192xf32, #tpu.memory_space<vmem_shared>>) target(%arg10 : memref<8192xf32, #tpu.memory_space<vmem>>) target_semaphore(%run_scoped3A : memref<!tpu.dma_semaphore, #tpu.memory_space<semaphore_mem>>)
        tpu.wait_dma2 semaphore(%run_scoped3A : memref<!tpu.dma_semaphore, #tpu.memory_space<semaphore_mem>>) src(%arg11 : memref<8192xf32, #tpu.memory_space<vmem_shared>>) dst(%arg10 : memref<8192xf32, #tpu.memory_space<vmem>>)
        tpu.yield
      }) : () -> ()
      "tpu.region"() ({
        %run_scoped3A = tpu.sem_alloc : memref<!tpu.dma_semaphore, #tpu.memory_space<semaphore_mem>>
        %dma_start3A_23 = arith.constant 0 : i32
        %dma_start3A_24 = tpu.memref_slice %arg5[%arg0, %dma_start3A_23] : memref<2x8192xf32, #tpu.memory_space<hbm>> -> memref<1x8192xf32, #tpu.memory_space<hbm>>
        %dma_start3A_25 = tpu.memref_squeeze %dma_start3A_24 : memref<1x8192xf32, #tpu.memory_space<hbm>> -> memref<8192xf32, #tpu.memory_space<hbm>>
        %dma_start3A_26 = arith.constant 0 : i32
        %dma_start3A_27 = tpu.memref_slice %arg5[%arg0, %dma_start3A_26] : memref<2x8192xf32, #tpu.memory_space<hbm>> -> memref<1x8192xf32, #tpu.memory_space<hbm>>
        %dma_start3A_28 = tpu.memref_squeeze %dma_start3A_27 : memref<1x8192xf32, #tpu.memory_space<hbm>> -> memref<8192xf32, #tpu.memory_space<hbm>>
        tpu.enqueue_dma source(%arg10 : memref<8192xf32, #tpu.memory_space<vmem>>) target(%dma_start3A_28 : memref<8192xf32, #tpu.memory_space<hbm>>) target_semaphore(%run_scoped3A : memref<!tpu.dma_semaphore, #tpu.memory_space<semaphore_mem>>)
        %dma_wait3A_29 = arith.constant 0 : i32
        %dma_wait3A_30 = tpu.memref_slice %arg5[%arg0, %dma_wait3A_29] : memref<2x8192xf32, #tpu.memory_space<hbm>> -> memref<1x8192xf32, #tpu.memory_space<hbm>>
        %dma_wait3A_31 = tpu.memref_squeeze %dma_wait3A_30 : memref<1x8192xf32, #tpu.memory_space<hbm>> -> memref<8192xf32, #tpu.memory_space<hbm>>
        %dma_wait3A_32 = arith.constant 0 : i32
        %dma_wait3A_33 = tpu.memref_slice %arg5[%arg0, %dma_wait3A_32] : memref<2x8192xf32, #tpu.memory_space<hbm>> -> memref<1x8192xf32, #tpu.memory_space<hbm>>
        %dma_wait3A_34 = tpu.memref_squeeze %dma_wait3A_33 : memref<1x8192xf32, #tpu.memory_space<hbm>> -> memref<8192xf32, #tpu.memory_space<hbm>>
        tpu.wait_dma2 semaphore(%run_scoped3A : memref<!tpu.dma_semaphore, #tpu.memory_space<semaphore_mem>>) src(%arg10 : memref<8192xf32, #tpu.memory_space<vmem>>) dst(%dma_wait3A_34 : memref<8192xf32, #tpu.memory_space<hbm>>)
        tpu.yield
      }) : () -> ()
    } else {
    }
    return
  }
}

#map = affine_map<(d0, d1) -> (0, 0)>
#map1 = affine_map<(d0, d1) -> (0)>
module attributes {stable_mosaic.version = 14 : i64} {
  func.func @_sc_body(%arg0: i32, %arg1: i32, %arg2: memref<8192x256xf32, #tpu.memory_space<hbm>>, %arg3: memref<8192xi32, #tpu.memory_space<hbm>>, %arg4: memref<8192x256xf32, #tpu.memory_space<hbm>>, %arg5: memref<2x8192xf32, #tpu.memory_space<hbm>>, %arg6: memref<256xi32, #tpu.memory_space<vmem>>, %arg7: memref<256x256xf32, #tpu.memory_space<vmem>>, %arg8: memref<256xf32, #tpu.memory_space<vmem>>, %arg9: memref<512xf32, #tpu.memory_space<vmem>>, %arg10: memref<8192xf32, #tpu.memory_space<vmem>>, %arg11: memref<8192xf32, #tpu.memory_space<vmem_shared>>, %arg12: memref<!tpu.dma_semaphore, #tpu.memory_space<semaphore_mem>>) attributes {dimension_semantics = [#tpu.dimension_semantics<core_parallel>, #tpu.dimension_semantics<subcore_parallel>], iteration_bounds = array<i64: 2, 16>, scalar_prefetch = 0 : i64, scratch_operands = 7 : i64, tpu.core_type = #tpu.core_type<sc_vector_subcore>, window_params = [{transform_indices = #map}, {transform_indices = #map1}, {transform_indices = #map}, {transform_indices = #map}]} {
    %mul3A = arith.constant 2 : i32
    %mul3A_0 = arith.muli %arg1, %mul3A : i32
    %add3A = arith.addi %mul3A_0, %arg0 : i32
    %mul3A_1 = arith.constant 256 : i32
    %mul3A_2 = arith.muli %add3A, %mul3A_1 : i32
    "tpu.region"() ({
      %run_scoped3A = tpu.sem_alloc : memref<!tpu.dma_semaphore, #tpu.memory_space<semaphore_mem>>
      %dma_start3A_23 = tpu.memref_slice %arg3[%mul3A_2] : memref<8192xi32, #tpu.memory_space<hbm>> -> memref<256xi32, #tpu.memory_space<hbm>>
      %dma_start3A_24 = tpu.memref_slice %arg3[%mul3A_2] : memref<8192xi32, #tpu.memory_space<hbm>> -> memref<256xi32, #tpu.memory_space<hbm>>
      tpu.enqueue_dma source(%dma_start3A_24 : memref<256xi32, #tpu.memory_space<hbm>>) target(%arg6 : memref<256xi32, #tpu.memory_space<vmem>>) target_semaphore(%run_scoped3A : memref<!tpu.dma_semaphore, #tpu.memory_space<semaphore_mem>>)
      %dma_wait3A_25 = tpu.memref_slice %arg3[%mul3A_2] : memref<8192xi32, #tpu.memory_space<hbm>> -> memref<256xi32, #tpu.memory_space<hbm>>
      %dma_wait3A_26 = tpu.memref_slice %arg3[%mul3A_2] : memref<8192xi32, #tpu.memory_space<hbm>> -> memref<256xi32, #tpu.memory_space<hbm>>
      tpu.wait_dma2 semaphore(%run_scoped3A : memref<!tpu.dma_semaphore, #tpu.memory_space<semaphore_mem>>) src(%dma_wait3A_26 : memref<256xi32, #tpu.memory_space<hbm>>) dst(%arg6 : memref<256xi32, #tpu.memory_space<vmem>>)
      tpu.yield
    }) : () -> ()
    %dma_start3A = arith.constant 0 : i32
    %dma_start3A_3 = arith.constant 0 : i32
    %dma_start3A_4 = tpu.memref_slice %arg2[%dma_start3A, %dma_start3A_3] : memref<8192x256xf32, #tpu.memory_space<hbm>> -> memref<8192x256xf32, #tpu.memory_space<hbm>>
    tpu.enqueue_indirect_dma source(%dma_start3A_4 : memref<8192x256xf32, #tpu.memory_space<hbm>>) target(%arg7 : memref<256x256xf32, #tpu.memory_space<vmem>>) offsets(%arg6 : memref<256xi32, #tpu.memory_space<vmem>>) semaphore(%arg12 : memref<!tpu.dma_semaphore, #tpu.memory_space<semaphore_mem>>)
    %scan3A = arith.constant 0 : i32
    %scan3A_5 = arith.constant 0 : i32
    %scan3A_6 = arith.constant 16 : i32
    %scan3A_7 = arith.addi %scan3A_5, %scan3A_6 : i32
    %scan3A_8 = arith.constant 1 : i32
    scf.for %scan3A_23 = %scan3A_5 to %scan3A_7 step %scan3A_8  : i32 {
      %broadcast_in_dim3A = arith.constant 1.000000e+00 : f32
      %broadcast_in_dim3A_24 = vector.broadcast %broadcast_in_dim3A : f32 to vector<16xf32>
      %mul3A_25 = arith.constant 16 : i32
      %mul3A_26 = arith.muli %scan3A_23, %mul3A_25 : i32
      %swap3A = arith.index_cast %mul3A_26 : i32 to index
      %swap3A_27 = tpu.vector_load %arg8[%swap3A] {strides = array<i32>} : memref<256xf32, #tpu.memory_space<vmem>>, vector<16xf32>,
      %swap3A_28 = vector.shape_cast %swap3A_27 : vector<16xf32> to vector<16xf32>
      %swap3A_29 = vector.shape_cast %broadcast_in_dim3A_24 : vector<16xf32> to vector<16xf32>
      tpu.vector_store %arg8[%swap3A], %swap3A_29 {strides = array<i32>} : memref<256xf32, #tpu.memory_space<vmem>>, vector<16xf32>,
    }
    %scan3A_9 = arith.constant 16 : i32
    %scan3A_10 = arith.constant 0 : i32
    %scan3A_11 = arith.constant 0 : i32
    %scan3A_12 = arith.constant 32 : i32
    %scan3A_13 = arith.addi %scan3A_11, %scan3A_12 : i32
    %scan3A_14 = arith.constant 1 : i32
    scf.for %scan3A_23 = %scan3A_11 to %scan3A_13 step %scan3A_14  : i32 {
      %broadcast_in_dim3A = arith.constant 0.000000e+00 : f32
      %broadcast_in_dim3A_24 = vector.broadcast %broadcast_in_dim3A : f32 to vector<16xf32>
      %mul3A_25 = arith.constant 16 : i32
      %mul3A_26 = arith.muli %scan3A_23, %mul3A_25 : i32
      %swap3A = arith.index_cast %mul3A_26 : i32 to index
      %swap3A_27 = tpu.vector_load %arg9[%swap3A] {strides = array<i32>} : memref<512xf32, #tpu.memory_space<vmem>>, vector<16xf32>,
      %swap3A_28 = vector.shape_cast %swap3A_27 : vector<16xf32> to vector<16xf32>
      %swap3A_29 = vector.shape_cast %broadcast_in_dim3A_24 : vector<16xf32> to vector<16xf32>
      tpu.vector_store %arg9[%swap3A], %swap3A_29 {strides = array<i32>} : memref<512xf32, #tpu.memory_space<vmem>>, vector<16xf32>,
    }
    %scan3A_15 = arith.constant 32 : i32
    %mul3A_16 = arith.constant 512 : i32
    %mul3A_17 = arith.muli %arg1, %mul3A_16 : i32
    "tpu.region"() ({
      %run_scoped3A = tpu.sem_alloc : memref<!tpu.dma_semaphore, #tpu.memory_space<semaphore_mem>>
      %dma_start3A_23 = tpu.memref_slice %arg11[%mul3A_17] : memref<8192xf32, #tpu.memory_space<vmem_shared>> -> memref<512xf32, #tpu.memory_space<vmem_shared>>
      %dma_start3A_24 = tpu.memref_slice %arg11[%mul3A_17] : memref<8192xf32, #tpu.memory_space<vmem_shared>> -> memref<512xf32, #tpu.memory_space<vmem_shared>>
      tpu.enqueue_dma source(%arg9 : memref<512xf32, #tpu.memory_space<vmem>>) target(%dma_start3A_24 : memref<512xf32, #tpu.memory_space<vmem_shared>>) target_semaphore(%run_scoped3A : memref<!tpu.dma_semaphore, #tpu.memory_space<semaphore_mem>>)
      %dma_wait3A_25 = tpu.memref_slice %arg11[%mul3A_17] : memref<8192xf32, #tpu.memory_space<vmem_shared>> -> memref<512xf32, #tpu.memory_space<vmem_shared>>
      %dma_wait3A_26 = tpu.memref_slice %arg11[%mul3A_17] : memref<8192xf32, #tpu.memory_space<vmem_shared>> -> memref<512xf32, #tpu.memory_space<vmem_shared>>
      tpu.wait_dma2 semaphore(%run_scoped3A : memref<!tpu.dma_semaphore, #tpu.memory_space<semaphore_mem>>) src(%arg9 : memref<512xf32, #tpu.memory_space<vmem>>) dst(%dma_wait3A_26 : memref<512xf32, #tpu.memory_space<vmem_shared>>)
      tpu.yield
    }) : () -> ()
    %barrier3A = arith.constant 0 : index
    tpu.barrier barrier_id(%barrier3A)
    "tpu.region"() ({
      %run_scoped3A = tpu.sem_alloc : memref<!tpu.dma_semaphore, #tpu.memory_space<semaphore_mem>>
      %dma_start3A_23 = arith.constant 0 : i32
      %dma_start3A_24 = tpu.memref_slice %arg11[%dma_start3A_23] : memref<8192xf32, #tpu.memory_space<vmem_shared>> -> memref<8192xf32, #tpu.memory_space<vmem_shared>>
      tpu.enqueue_indirect_dma source(%arg8 : memref<256xf32, #tpu.memory_space<vmem>>) target(%dma_start3A_24 : memref<8192xf32, #tpu.memory_space<vmem_shared>>) offsets(%arg6 : memref<256xi32, #tpu.memory_space<vmem>>) semaphore(%run_scoped3A : memref<!tpu.dma_semaphore, #tpu.memory_space<semaphore_mem>>) {add = true}
      %dma_wait3A_25 = arith.constant 0 : i32
      %dma_wait3A_26 = tpu.memref_slice %arg11[%dma_wait3A_25] : memref<8192xf32, #tpu.memory_space<vmem_shared>> -> memref<8192xf32, #tpu.memory_space<vmem_shared>>
      tpu.wait_indirect_dma semaphore(%run_scoped3A : memref<!tpu.dma_semaphore, #tpu.memory_space<semaphore_mem>>) src(%arg8 : memref<256xf32, #tpu.memory_space<vmem>>) dst(%dma_wait3A_26 : memref<8192xf32, #tpu.memory_space<vmem_shared>>)
      tpu.yield
    }) : () -> ()
    %barrier3A_18 = arith.constant 0 : index
    tpu.barrier barrier_id(%barrier3A_18)
    %dma_wait3A = arith.constant 0 : i32
    %dma_wait3A_19 = arith.constant 0 : i32
    %dma_wait3A_20 = tpu.memref_slice %arg2[%dma_wait3A, %dma_wait3A_19] : memref<8192x256xf32, #tpu.memory_space<hbm>> -> memref<8192x256xf32, #tpu.memory_space<hbm>>
    tpu.wait_indirect_dma semaphore(%arg12 : memref<!tpu.dma_semaphore, #tpu.memory_space<semaphore_mem>>) src(%dma_wait3A_20 : memref<8192x256xf32, #tpu.memory_space<hbm>>) dst(%arg7 : memref<256x256xf32, #tpu.memory_space<vmem>>)
    "tpu.region"() ({
      %run_scoped3A = tpu.sem_alloc : memref<!tpu.dma_semaphore, #tpu.memory_space<semaphore_mem>>
      %dma_start3A_23 = arith.constant 0 : i32
      %dma_start3A_24 = tpu.memref_slice %arg4[%mul3A_2, %dma_start3A_23] : memref<8192x256xf32, #tpu.memory_space<hbm>> -> memref<256x256xf32, #tpu.memory_space<hbm>>
      %dma_start3A_25 = arith.constant 0 : i32
      %dma_start3A_26 = tpu.memref_slice %arg4[%mul3A_2, %dma_start3A_25] : memref<8192x256xf32, #tpu.memory_space<hbm>> -> memref<256x256xf32, #tpu.memory_space<hbm>>
      tpu.enqueue_dma source(%arg7 : memref<256x256xf32, #tpu.memory_space<vmem>>) target(%dma_start3A_26 : memref<256x256xf32, #tpu.memory_space<hbm>>) target_semaphore(%run_scoped3A : memref<!tpu.dma_semaphore, #tpu.memory_space<semaphore_mem>>)
      %dma_wait3A_27 = arith.constant 0 : i32
      %dma_wait3A_28 = tpu.memref_slice %arg4[%mul3A_2, %dma_wait3A_27] : memref<8192x256xf32, #tpu.memory_space<hbm>> -> memref<256x256xf32, #tpu.memory_space<hbm>>
      %dma_wait3A_29 = arith.constant 0 : i32
      %dma_wait3A_30 = tpu.memref_slice %arg4[%mul3A_2, %dma_wait3A_29] : memref<8192x256xf32, #tpu.memory_space<hbm>> -> memref<256x256xf32, #tpu.memory_space<hbm>>
      tpu.wait_dma2 semaphore(%run_scoped3A : memref<!tpu.dma_semaphore, #tpu.memory_space<semaphore_mem>>) src(%arg7 : memref<256x256xf32, #tpu.memory_space<vmem>>) dst(%dma_wait3A_30 : memref<256x256xf32, #tpu.memory_space<hbm>>)
      tpu.yield
    }) : () -> ()
    %eq3A = arith.constant 0 : i32
    %eq3A_21 = arith.cmpi eq, %arg1, %eq3A : i32
    %convert_element_type3A = arith.extui %eq3A_21 : i1 to i32
    %cond3A = arith.constant 0 : i32
    %cond3A_22 = arith.cmpi ne, %convert_element_type3A, %cond3A : i32
    scf.if %cond3A_22 {
      "tpu.region"() ({
        %run_scoped3A = tpu.sem_alloc : memref<!tpu.dma_semaphore, #tpu.memory_space<semaphore_mem>>
        tpu.enqueue_dma source(%arg11 : memref<8192xf32, #tpu.memory_space<vmem_shared>>) target(%arg10 : memref<8192xf32, #tpu.memory_space<vmem>>) target_semaphore(%run_scoped3A : memref<!tpu.dma_semaphore, #tpu.memory_space<semaphore_mem>>)
        tpu.wait_dma2 semaphore(%run_scoped3A : memref<!tpu.dma_semaphore, #tpu.memory_space<semaphore_mem>>) src(%arg11 : memref<8192xf32, #tpu.memory_space<vmem_shared>>) dst(%arg10 : memref<8192xf32, #tpu.memory_space<vmem>>)
        tpu.yield
      }) : () -> ()
      "tpu.region"() ({
        %run_scoped3A = tpu.sem_alloc : memref<!tpu.dma_semaphore, #tpu.memory_space<semaphore_mem>>
        %dma_start3A_23 = arith.constant 0 : i32
        %dma_start3A_24 = tpu.memref_slice %arg5[%arg0, %dma_start3A_23] : memref<2x8192xf32, #tpu.memory_space<hbm>> -> memref<1x8192xf32, #tpu.memory_space<hbm>>
        %dma_start3A_25 = tpu.memref_squeeze %dma_start3A_24 : memref<1x8192xf32, #tpu.memory_space<hbm>> -> memref<8192xf32, #tpu.memory_space<hbm>>
        %dma_start3A_26 = arith.constant 0 : i32
        %dma_start3A_27 = tpu.memref_slice %arg5[%arg0, %dma_start3A_26] : memref<2x8192xf32, #tpu.memory_space<hbm>> -> memref<1x8192xf32, #tpu.memory_space<hbm>>
        %dma_start3A_28 = tpu.memref_squeeze %dma_start3A_27 : memref<1x8192xf32, #tpu.memory_space<hbm>> -> memref<8192xf32, #tpu.memory_space<hbm>>
        tpu.enqueue_dma source(%arg10 : memref<8192xf32, #tpu.memory_space<vmem>>) target(%dma_start3A_28 : memref<8192xf32, #tpu.memory_space<hbm>>) target_semaphore(%run_scoped3A : memref<!tpu.dma_semaphore, #tpu.memory_space<semaphore_mem>>)
        %dma_wait3A_29 = arith.constant 0 : i32
        %dma_wait3A_30 = tpu.memref_slice %arg5[%arg0, %dma_wait3A_29] : memref<2x8192xf32, #tpu.memory_space<hbm>> -> memref<1x8192xf32, #tpu.memory_space<hbm>>
        %dma_wait3A_31 = tpu.memref_squeeze %dma_wait3A_30 : memref<1x8192xf32, #tpu.memory_space<hbm>> -> memref<8192xf32, #tpu.memory_space<hbm>>
        %dma_wait3A_32 = arith.constant 0 : i32
        %dma_wait3A_33 = tpu.memref_slice %arg5[%arg0, %dma_wait3A_32] : memref<2x8192xf32, #tpu.memory_space<hbm>> -> memref<1x8192xf32, #tpu.memory_space<hbm>>
        %dma_wait3A_34 = tpu.memref_squeeze %dma_wait3A_33 : memref<1x8192xf32, #tpu.memory_space<hbm>> -> memref<8192xf32, #tpu.memory_space<hbm>>
        tpu.wait_dma2 semaphore(%run_scoped3A : memref<!tpu.dma_semaphore, #tpu.memory_space<semaphore_mem>>) src(%arg10 : memref<8192xf32, #tpu.memory_space<vmem>>) dst(%dma_wait3A_34 : memref<8192xf32, #tpu.memory_space<hbm>>)
        tpu.yield
      }) : () -> ()
    } else {
    }
    return
  }
}

module attributes {stable_mosaic.version = 14 : i64} {
  func.func @_assign_body(%arg0: i32, %arg1: i32, %arg2: memref<512x256xf32, #tpu.memory_space<vmem>>, %arg3: memref<512x1xf32, #tpu.memory_space<vmem>>, %arg4: memref<1x2048xf32, #tpu.memory_space<vmem>>, %arg5: memref<2048x256xf32, #tpu.memory_space<vmem>>, %arg6: memref<512x1xi32, #tpu.memory_space<vmem>>, %arg7: memref<512x1xf32, #tpu.memory_space<vmem>>, %arg8: memref<512x1xi32, #tpu.memory_space<vmem>>) attributes {dimension_semantics = [#tpu.dimension_semantics<arbitrary>, #tpu.dimension_semantics<arbitrary>], iteration_bounds = array<i64: 16, 4>, scalar_prefetch = 0 : i64, scratch_operands = 2 : i64, tpu.core_type = #tpu.core_type<tc>, window_params = [{transform_indices = @transform_0, window_bounds = array<i64: 512, 256>}, {transform_indices = @transform_1, window_bounds = array<i64: 512, 1>}, {transform_indices = @transform_2, window_bounds = array<i64: 1, 2048>}, {transform_indices = @transform_3, window_bounds = array<i64: 2048, 256>}, {transform_indices = @transform_4, window_bounds = array<i64: 512, 1>}]} {
    %get3A = arith.constant 0 : index
    %get3A_0 = arith.constant 0 : index
    %get3A_1 = vector.load %arg2[%get3A, %get3A_0] : memref<512x256xf32, #tpu.memory_space<vmem>>, vector<512x256xf32>
    %get3A_2 = arith.constant 0 : index
    %get3A_3 = arith.constant 0 : index
    %get3A_4 = vector.load %arg5[%get3A_2, %get3A_3] : memref<2048x256xf32, #tpu.memory_space<vmem>>, vector<2048x256xf32>
    %get3A_5 = arith.constant 0 : index
    %get3A_6 = arith.constant 0 : index
    %get3A_7 = vector.load %arg4[%get3A_5, %get3A_6] : memref<1x2048xf32, #tpu.memory_space<vmem>>, vector<1x2048xf32>
    %get3A_8 = arith.constant 0 : index
    %get3A_9 = arith.constant 0 : index
    %get3A_10 = vector.load %arg3[%get3A_8, %get3A_9] : memref<512x1xf32, #tpu.memory_space<vmem>>, vector<512x1xf32>
    %convert_element_type3A = arith.truncf %get3A_1 : vector<512x256xf32> to vector<512x256xbf16>
    %convert_element_type3A_11 = arith.truncf %get3A_4 : vector<2048x256xf32> to vector<2048x256xbf16>
    %dot_general3A = arith.constant dense<0.000000e+00> : vector<512x2048xf32>
    %dot_general3A_12 = tpu.matmul %convert_element_type3A, %convert_element_type3A_11, %dot_general3A {dimension_numbers = #tpu.dot_dimension_numbers<[1], [1], [0], [0], [0, 0, 1, 0], [], []>, transpose_lhs_hint = false} : vector<512x256xbf16>, vector<2048x256xbf16>, vector<512x2048xf32> -> vector<512x2048xf32>
    %add3A = vector.broadcast %get3A_10 : vector<512x1xf32> to vector<512x2048xf32>
    %add3A_13 = vector.broadcast %get3A_7 : vector<1x2048xf32> to vector<512x2048xf32>
    %add3A_14 = arith.addf %add3A, %add3A_13 : vector<512x2048xf32>
    %mul3A = arith.constant 2.000000e+00 : f32
    %mul3A_15 = vector.broadcast %mul3A : f32 to vector<512x2048xf32>
    %mul3A_16 = arith.mulf %mul3A_15, %dot_general3A_12 : vector<512x2048xf32>
    %sub3A = arith.subf %add3A_14, %mul3A_16 : vector<512x2048xf32>
    %reduce_min3A = arith.constant dense<0x7F800000> : vector<512xf32>
    %reduce_min3A_17 = vector.multi_reduction <minimumf>, %sub3A, %reduce_min3A [1] : vector<512x2048xf32> to vector<512xf32>
    %broadcast_in_dim3A = vector.shape_cast %reduce_min3A_17 : vector<512xf32> to vector<512x1xf32>
    %iota3A = tpu.iota {dimensions = array<i32: 1>} : vector<512x2048xi32>
    %mul3A_18 = arith.constant 2048 : i32
    %mul3A_19 = arith.muli %arg1, %mul3A_18 : i32
    %add3A_20 = vector.broadcast %mul3A_19 : i32 to vector<512x2048xi32>
    %add3A_21 = arith.addi %iota3A, %add3A_20 : vector<512x2048xi32>
    %eq3A = vector.broadcast %broadcast_in_dim3A : vector<512x1xf32> to vector<512x2048xf32>
    %eq3A_22 = arith.cmpf oeq, %sub3A, %eq3A : vector<512x2048xf32>
    %jit3A = arith.constant 2147483647 : i32
    %broadcast_in_dim3A_23 = vector.broadcast %jit3A : i32 to vector<512x2048xi32>
    %select_n3A = arith.select %eq3A_22, %add3A_21, %broadcast_in_dim3A_23 : vector<512x2048xi1>, vector<512x2048xi32>
    %reduce_min3A_24 = arith.constant dense<2147483647> : vector<512xi32>
    %reduce_min3A_25 = vector.multi_reduction <minsi>, %select_n3A, %reduce_min3A_24 [1] : vector<512x2048xi32> to vector<512xi32>
    %broadcast_in_dim3A_26 = vector.shape_cast %reduce_min3A_25 : vector<512xi32> to vector<512x1xi32>
    %convert_element_type3A_27 = arith.truncf %broadcast_in_dim3A : vector<512x1xf32> to vector<512x1xbf16>
    %convert_element_type3A_28 = arith.extf %convert_element_type3A_27 : vector<512x1xbf16> to vector<512x1xf32>
    %eq3A_29 = arith.constant 0 : i32
    %eq3A_30 = arith.cmpi eq, %arg1, %eq3A_29 : i32
    %convert_element_type3A_31 = arith.extui %eq3A_30 : i1 to i32
    %cond3A = arith.constant 0 : i32
    %cond3A_32 = arith.cmpi ne, %convert_element_type3A_31, %cond3A : i32
    scf.if %cond3A_32 {
      %swap3A = arith.constant 0 : index
      %swap3A_42 = arith.constant 0 : index
      %swap3A_43 = vector.load %arg7[%swap3A, %swap3A_42] : memref<512x1xf32, #tpu.memory_space<vmem>>, vector<512x1xf32>
      tpu.vector_store %arg7[%swap3A, %swap3A_42], %convert_element_type3A_28 {strides = array<i32>} : memref<512x1xf32, #tpu.memory_space<vmem>>, vector<512x1xf32>,
      %swap3A_44 = arith.constant 0 : index
      %swap3A_45 = arith.constant 0 : index
      %swap3A_46 = vector.load %arg8[%swap3A_44, %swap3A_45] : memref<512x1xi32, #tpu.memory_space<vmem>>, vector<512x1xi32>
      tpu.vector_store %arg8[%swap3A_44, %swap3A_45], %broadcast_in_dim3A_26 {strides = array<i32>} : memref<512x1xi32, #tpu.memory_space<vmem>>, vector<512x1xi32>,
    } else {
    }
    %gt3A = arith.constant 0 : i32
    %gt3A_33 = arith.cmpi sgt, %arg1, %gt3A : i32
    %convert_element_type3A_34 = arith.extui %gt3A_33 : i1 to i32
    %cond3A_35 = arith.constant 0 : i32
    %cond3A_36 = arith.cmpi ne, %convert_element_type3A_34, %cond3A_35 : i32
    scf.if %cond3A_36 {
      %get3A_42 = arith.constant 0 : index
      %get3A_43 = arith.constant 0 : index
      %get3A_44 = vector.load %arg7[%get3A_42, %get3A_43] : memref<512x1xf32, #tpu.memory_space<vmem>>, vector<512x1xf32>
      %lt3A = arith.cmpf olt, %broadcast_in_dim3A, %get3A_44 : vector<512x1xf32>
      %get3A_45 = arith.constant 0 : index
      %get3A_46 = arith.constant 0 : index
      %get3A_47 = vector.load %arg8[%get3A_45, %get3A_46] : memref<512x1xi32, #tpu.memory_space<vmem>>, vector<512x1xi32>
      %select_n3A_48 = arith.select %lt3A, %broadcast_in_dim3A_26, %get3A_47 : vector<512x1xi1>, vector<512x1xi32>
      %swap3A = arith.constant 0 : index
      %swap3A_49 = arith.constant 0 : index
      %swap3A_50 = vector.load %arg8[%swap3A, %swap3A_49] : memref<512x1xi32, #tpu.memory_space<vmem>>, vector<512x1xi32>
      tpu.vector_store %arg8[%swap3A, %swap3A_49], %select_n3A_48 {strides = array<i32>} : memref<512x1xi32, #tpu.memory_space<vmem>>, vector<512x1xi32>,
      %get3A_51 = arith.constant 0 : index
      %get3A_52 = arith.constant 0 : index
      %get3A_53 = vector.load %arg7[%get3A_51, %get3A_52] : memref<512x1xf32, #tpu.memory_space<vmem>>, vector<512x1xf32>
      %select_n3A_54 = arith.select %lt3A, %convert_element_type3A_28, %get3A_53 : vector<512x1xi1>, vector<512x1xf32>
      %swap3A_55 = arith.constant 0 : index
      %swap3A_56 = arith.constant 0 : index
      %swap3A_57 = vector.load %arg7[%swap3A_55, %swap3A_56] : memref<512x1xf32, #tpu.memory_space<vmem>>, vector<512x1xf32>
      tpu.vector_store %arg7[%swap3A_55, %swap3A_56], %select_n3A_54 {strides = array<i32>} : memref<512x1xf32, #tpu.memory_space<vmem>>, vector<512x1xf32>,
    } else {
    }
    %eq3A_37 = arith.constant 3 : i32
    %eq3A_38 = arith.cmpi eq, %arg1, %eq3A_37 : i32
    %convert_element_type3A_39 = arith.extui %eq3A_38 : i1 to i32
    %cond3A_40 = arith.constant 0 : i32
    %cond3A_41 = arith.cmpi ne, %convert_element_type3A_39, %cond3A_40 : i32
    scf.if %cond3A_41 {
      %get3A_42 = arith.constant 0 : index
      %get3A_43 = arith.constant 0 : index
      %get3A_44 = vector.load %arg8[%get3A_42, %get3A_43] : memref<512x1xi32, #tpu.memory_space<vmem>>, vector<512x1xi32>
      %swap3A = arith.constant 0 : index
      %swap3A_45 = arith.constant 0 : index
      %swap3A_46 = vector.load %arg6[%swap3A, %swap3A_45] : memref<512x1xi32, #tpu.memory_space<vmem>>, vector<512x1xi32>
      tpu.vector_store %arg6[%swap3A, %swap3A_45], %get3A_44 {strides = array<i32>} : memref<512x1xi32, #tpu.memory_space<vmem>>, vector<512x1xi32>,
    } else {
    }
    return
  }
  func.func @transform_0(%arg0: i32, %arg1: i32) -> (i32, i32) {
    %c0_i32 = arith.constant 0 : i32
    %c0_i32_0 = arith.constant 0 : i32
    return %arg0, %c0_i32 : i32, i32
  }
  func.func @transform_1(%arg0: i32, %arg1: i32) -> (i32, i32) {
    %c0_i32 = arith.constant 0 : i32
    %c0_i32_0 = arith.constant 0 : i32
    return %arg0, %c0_i32 : i32, i32
  }
  func.func @transform_2(%arg0: i32, %arg1: i32) -> (i32, i32) {
    %c0_i32 = arith.constant 0 : i32
    %c0_i32_0 = arith.constant 0 : i32
    return %c0_i32, %arg1 : i32, i32
  }
  func.func @transform_3(%arg0: i32, %arg1: i32) -> (i32, i32) {
    %c0_i32 = arith.constant 0 : i32
    %c0_i32_0 = arith.constant 0 : i32
    return %arg1, %c0_i32 : i32, i32
  }
  func.func @transform_4(%arg0: i32, %arg1: i32) -> (i32, i32) {
    %c0_i32 = arith.constant 0 : i32
    %c0_i32_0 = arith.constant 0 : i32
    return %arg0, %c0_i32 : i32, i32
  }
}

module attributes {stable_mosaic.version = 14 : i64} {
  func.func @_resid_body(%arg0: i32, %arg1: memref<512x256xf32, #tpu.memory_space<vmem>>, %arg2: memref<512x256xf32, #tpu.memory_space<vmem>>, %arg3: memref<512x256xf32, #tpu.memory_space<vmem>>, %arg4: memref<512x256xf32, #tpu.memory_space<vmem>>, %arg5: memref<512x256xf32, #tpu.memory_space<vmem>>, %arg6: memref<512x256xf32, #tpu.memory_space<vmem>>, %arg7: memref<1x1xf32, #tpu.memory_space<vmem>>, %arg8: memref<1x1xf32, #tpu.memory_space<vmem>>) attributes {dimension_semantics = [#tpu.dimension_semantics<arbitrary>], iteration_bounds = array<i64: 16>, scalar_prefetch = 0 : i64, scratch_operands = 1 : i64, tpu.core_type = #tpu.core_type<tc>, window_params = [{transform_indices = @transform_0, window_bounds = array<i64: 512, 256>}, {transform_indices = @transform_1, window_bounds = array<i64: 512, 256>}, {transform_indices = @transform_2, window_bounds = array<i64: 512, 256>}, {transform_indices = @transform_3, window_bounds = array<i64: 512, 256>}, {transform_indices = @transform_4, window_bounds = array<i64: 512, 256>}, {transform_indices = @transform_5, window_bounds = array<i64: 512, 256>}, {pipeline_mode = #tpu.pipeline_mode<synchronous>, transform_indices = @transform_6, window_bounds = array<i64: 1, 1>}]} {
    %get3A = arith.constant 0 : index
    %get3A_0 = arith.constant 0 : index
    %get3A_1 = vector.load %arg1[%get3A, %get3A_0] : memref<512x256xf32, #tpu.memory_space<vmem>>, vector<512x256xf32>
    %get3A_2 = arith.constant 0 : index
    %get3A_3 = arith.constant 0 : index
    %get3A_4 = vector.load %arg2[%get3A_2, %get3A_3] : memref<512x256xf32, #tpu.memory_space<vmem>>, vector<512x256xf32>
    %sub3A = arith.subf %get3A_4, %get3A_1 : vector<512x256xf32>
    %add3A = arith.addf %get3A_1, %sub3A : vector<512x256xf32>
    %sub3A_5 = arith.subf %get3A_1, %add3A : vector<512x256xf32>
    %swap3A = arith.constant 0 : index
    %swap3A_6 = arith.constant 0 : index
    %swap3A_7 = vector.load %arg4[%swap3A, %swap3A_6] : memref<512x256xf32, #tpu.memory_space<vmem>>, vector<512x256xf32>
    tpu.vector_store %arg4[%swap3A, %swap3A_6], %sub3A_5 {strides = array<i32>} : memref<512x256xf32, #tpu.memory_space<vmem>>, vector<512x256xf32>,
    %get3A_8 = arith.constant 0 : index
    %get3A_9 = arith.constant 0 : index
    %get3A_10 = vector.load %arg3[%get3A_8, %get3A_9] : memref<512x256xf32, #tpu.memory_space<vmem>>, vector<512x256xf32>
    %add3A_11 = arith.addf %get3A_10, %add3A : vector<512x256xf32>
    %swap3A_12 = arith.constant 0 : index
    %swap3A_13 = arith.constant 0 : index
    %swap3A_14 = vector.load %arg5[%swap3A_12, %swap3A_13] : memref<512x256xf32, #tpu.memory_space<vmem>>, vector<512x256xf32>
    tpu.vector_store %arg5[%swap3A_12, %swap3A_13], %add3A_11 {strides = array<i32>} : memref<512x256xf32, #tpu.memory_space<vmem>>, vector<512x256xf32>,
    %swap3A_15 = arith.constant 0 : index
    %swap3A_16 = arith.constant 0 : index
    %swap3A_17 = vector.load %arg6[%swap3A_15, %swap3A_16] : memref<512x256xf32, #tpu.memory_space<vmem>>, vector<512x256xf32>
    tpu.vector_store %arg6[%swap3A_15, %swap3A_16], %add3A {strides = array<i32>} : memref<512x256xf32, #tpu.memory_space<vmem>>, vector<512x256xf32>,
    %mul3A = arith.mulf %sub3A, %sub3A : vector<512x256xf32>
    %reduce_sum3A = vector.shape_cast %mul3A : vector<512x256xf32> to vector<1x512x256xf32>
    %reduce_sum3A_18 = arith.constant dense<0.000000e+00> : vector<1xf32>
    %reduce_sum3A_19 = vector.multi_reduction <add>, %reduce_sum3A, %reduce_sum3A_18 [1, 2] : vector<1x512x256xf32> to vector<1xf32>
    %reduce_sum3A_20 = vector.shape_cast %reduce_sum3A_19 : vector<1xf32> to vector<1x1x1xf32>
    %reduce_sum3A_21 = vector.extract %reduce_sum3A_20[0, 0, 0] : f32 from vector<1x1x1xf32>
    %broadcast_in_dim3A = vector.broadcast %reduce_sum3A_21 : f32 to vector<1x1xf32>
    %eq3A = arith.constant 0 : i32
    %eq3A_22 = arith.cmpi eq, %arg0, %eq3A : i32
    %convert_element_type3A = arith.extui %eq3A_22 : i1 to i32
    %cond3A = arith.constant 0 : i32
    %cond3A_23 = arith.cmpi ne, %convert_element_type3A, %cond3A : i32
    scf.if %cond3A_23 {
      %swap3A_33 = arith.constant 0 : index
      %swap3A_34 = arith.constant 0 : index
      %swap3A_35 = vector.load %arg8[%swap3A_33, %swap3A_34] : memref<1x1xf32, #tpu.memory_space<vmem>>, vector<1x1xf32>
      tpu.vector_store %arg8[%swap3A_33, %swap3A_34], %broadcast_in_dim3A {strides = array<i32>} : memref<1x1xf32, #tpu.memory_space<vmem>>, vector<1x1xf32>,
    } else {
    }
    %gt3A = arith.constant 0 : i32
    %gt3A_24 = arith.cmpi sgt, %arg0, %gt3A : i32
    %convert_element_type3A_25 = arith.extui %gt3A_24 : i1 to i32
    %cond3A_26 = arith.constant 0 : i32
    %cond3A_27 = arith.cmpi ne, %convert_element_type3A_25, %cond3A_26 : i32
    scf.if %cond3A_27 {
      %get3A_33 = arith.constant 0 : index
      %get3A_34 = arith.constant 0 : index
      %get3A_35 = vector.load %arg8[%get3A_33, %get3A_34] : memref<1x1xf32, #tpu.memory_space<vmem>>, vector<1x1xf32>
      %add3A_36 = arith.addf %get3A_35, %broadcast_in_dim3A : vector<1x1xf32>
      %swap3A_37 = arith.constant 0 : index
      %swap3A_38 = arith.constant 0 : index
      %swap3A_39 = vector.load %arg8[%swap3A_37, %swap3A_38] : memref<1x1xf32, #tpu.memory_space<vmem>>, vector<1x1xf32>
      tpu.vector_store %arg8[%swap3A_37, %swap3A_38], %add3A_36 {strides = array<i32>} : memref<1x1xf32, #tpu.memory_space<vmem>>, vector<1x1xf32>,
    } else {
    }
    %eq3A_28 = arith.constant 15 : i32
    %eq3A_29 = arith.cmpi eq, %arg0, %eq3A_28 : i32
    %convert_element_type3A_30 = arith.extui %eq3A_29 : i1 to i32
    %cond3A_31 = arith.constant 0 : i32
    %cond3A_32 = arith.cmpi ne, %convert_element_type3A_30, %cond3A_31 : i32
    scf.if %cond3A_32 {
      %get3A_33 = arith.constant 0 : index
      %get3A_34 = arith.constant 0 : index
      %get3A_35 = vector.load %arg8[%get3A_33, %get3A_34] : memref<1x1xf32, #tpu.memory_space<vmem>>, vector<1x1xf32>
      %swap3A_36 = arith.constant 0 : index
      %swap3A_37 = arith.constant 0 : index
      %swap3A_38 = vector.load %arg7[%swap3A_36, %swap3A_37] : memref<1x1xf32, #tpu.memory_space<vmem>>, vector<1x1xf32>
      tpu.vector_store %arg7[%swap3A_36, %swap3A_37], %get3A_35 {strides = array<i32>} : memref<1x1xf32, #tpu.memory_space<vmem>>, vector<1x1xf32>,
    } else {
    }
    return
  }
  func.func @transform_0(%arg0: i32) -> (i32, i32) {
    %c0_i32 = arith.constant 0 : i32
    %c0_i32_0 = arith.constant 0 : i32
    return %arg0, %c0_i32 : i32, i32
  }
  func.func @transform_1(%arg0: i32) -> (i32, i32) {
    %c0_i32 = arith.constant 0 : i32
    %c0_i32_0 = arith.constant 0 : i32
    return %arg0, %c0_i32 : i32, i32
  }
  func.func @transform_2(%arg0: i32) -> (i32, i32) {
    %c0_i32 = arith.constant 0 : i32
    %c0_i32_0 = arith.constant 0 : i32
    return %arg0, %c0_i32 : i32, i32
  }
  func.func @transform_3(%arg0: i32) -> (i32, i32) {
    %c0_i32 = arith.constant 0 : i32
    %c0_i32_0 = arith.constant 0 : i32
    return %arg0, %c0_i32 : i32, i32
  }
  func.func @transform_4(%arg0: i32) -> (i32, i32) {
    %c0_i32 = arith.constant 0 : i32
    %c0_i32_0 = arith.constant 0 : i32
    return %arg0, %c0_i32 : i32, i32
  }
  func.func @transform_5(%arg0: i32) -> (i32, i32) {
    %c0_i32 = arith.constant 0 : i32
    %c0_i32_0 = arith.constant 0 : i32
    return %arg0, %c0_i32 : i32, i32
  }
  func.func @transform_6(%arg0: i32) -> (i32, i32) {
    %c0_i32 = arith.constant 0 : i32
    %c0_i32_0 = arith.constant 0 : i32
    %c0_i32_1 = arith.constant 0 : i32
    return %c0_i32, %c0_i32_0 : i32, i32
  }
}

module attributes {stable_mosaic.version = 14 : i64} {
  func.func @_resid_body(%arg0: i32, %arg1: memref<512x256xf32, #tpu.memory_space<vmem>>, %arg2: memref<512x256xf32, #tpu.memory_space<vmem>>, %arg3: memref<512x256xf32, #tpu.memory_space<vmem>>, %arg4: memref<512x256xf32, #tpu.memory_space<vmem>>, %arg5: memref<512x256xf32, #tpu.memory_space<vmem>>, %arg6: memref<512x256xf32, #tpu.memory_space<vmem>>, %arg7: memref<1x1xf32, #tpu.memory_space<vmem>>, %arg8: memref<1x1xf32, #tpu.memory_space<vmem>>) attributes {dimension_semantics = [#tpu.dimension_semantics<arbitrary>], iteration_bounds = array<i64: 16>, scalar_prefetch = 0 : i64, scratch_operands = 1 : i64, tpu.core_type = #tpu.core_type<tc>, window_params = [{transform_indices = @transform_0, window_bounds = array<i64: 512, 256>}, {transform_indices = @transform_1, window_bounds = array<i64: 512, 256>}, {transform_indices = @transform_2, window_bounds = array<i64: 512, 256>}, {transform_indices = @transform_3, window_bounds = array<i64: 512, 256>}, {transform_indices = @transform_4, window_bounds = array<i64: 512, 256>}, {transform_indices = @transform_5, window_bounds = array<i64: 512, 256>}, {pipeline_mode = #tpu.pipeline_mode<synchronous>, transform_indices = @transform_6, window_bounds = array<i64: 1, 1>}]} {
    %get3A = arith.constant 0 : index
    %get3A_0 = arith.constant 0 : index
    %get3A_1 = vector.load %arg1[%get3A, %get3A_0] : memref<512x256xf32, #tpu.memory_space<vmem>>, vector<512x256xf32>
    %get3A_2 = arith.constant 0 : index
    %get3A_3 = arith.constant 0 : index
    %get3A_4 = vector.load %arg2[%get3A_2, %get3A_3] : memref<512x256xf32, #tpu.memory_space<vmem>>, vector<512x256xf32>
    %sub3A = arith.subf %get3A_4, %get3A_1 : vector<512x256xf32>
    %add3A = arith.addf %get3A_1, %sub3A : vector<512x256xf32>
    %sub3A_5 = arith.subf %get3A_1, %add3A : vector<512x256xf32>
    %swap3A = arith.constant 0 : index
    %swap3A_6 = arith.constant 0 : index
    %swap3A_7 = vector.load %arg4[%swap3A, %swap3A_6] : memref<512x256xf32, #tpu.memory_space<vmem>>, vector<512x256xf32>
    tpu.vector_store %arg4[%swap3A, %swap3A_6], %sub3A_5 {strides = array<i32>} : memref<512x256xf32, #tpu.memory_space<vmem>>, vector<512x256xf32>,
    %get3A_8 = arith.constant 0 : index
    %get3A_9 = arith.constant 0 : index
    %get3A_10 = vector.load %arg3[%get3A_8, %get3A_9] : memref<512x256xf32, #tpu.memory_space<vmem>>, vector<512x256xf32>
    %add3A_11 = arith.addf %get3A_10, %add3A : vector<512x256xf32>
    %swap3A_12 = arith.constant 0 : index
    %swap3A_13 = arith.constant 0 : index
    %swap3A_14 = vector.load %arg5[%swap3A_12, %swap3A_13] : memref<512x256xf32, #tpu.memory_space<vmem>>, vector<512x256xf32>
    tpu.vector_store %arg5[%swap3A_12, %swap3A_13], %add3A_11 {strides = array<i32>} : memref<512x256xf32, #tpu.memory_space<vmem>>, vector<512x256xf32>,
    %swap3A_15 = arith.constant 0 : index
    %swap3A_16 = arith.constant 0 : index
    %swap3A_17 = vector.load %arg6[%swap3A_15, %swap3A_16] : memref<512x256xf32, #tpu.memory_space<vmem>>, vector<512x256xf32>
    tpu.vector_store %arg6[%swap3A_15, %swap3A_16], %add3A {strides = array<i32>} : memref<512x256xf32, #tpu.memory_space<vmem>>, vector<512x256xf32>,
    %mul3A = arith.mulf %sub3A, %sub3A : vector<512x256xf32>
    %reduce_sum3A = vector.shape_cast %mul3A : vector<512x256xf32> to vector<1x512x256xf32>
    %reduce_sum3A_18 = arith.constant dense<0.000000e+00> : vector<1xf32>
    %reduce_sum3A_19 = vector.multi_reduction <add>, %reduce_sum3A, %reduce_sum3A_18 [1, 2] : vector<1x512x256xf32> to vector<1xf32>
    %reduce_sum3A_20 = vector.shape_cast %reduce_sum3A_19 : vector<1xf32> to vector<1x1x1xf32>
    %reduce_sum3A_21 = vector.extract %reduce_sum3A_20[0, 0, 0] : f32 from vector<1x1x1xf32>
    %broadcast_in_dim3A = vector.broadcast %reduce_sum3A_21 : f32 to vector<1x1xf32>
    %eq3A = arith.constant 0 : i32
    %eq3A_22 = arith.cmpi eq, %arg0, %eq3A : i32
    %convert_element_type3A = arith.extui %eq3A_22 : i1 to i32
    %cond3A = arith.constant 0 : i32
    %cond3A_23 = arith.cmpi ne, %convert_element_type3A, %cond3A : i32
    scf.if %cond3A_23 {
      %swap3A_33 = arith.constant 0 : index
      %swap3A_34 = arith.constant 0 : index
      %swap3A_35 = vector.load %arg8[%swap3A_33, %swap3A_34] : memref<1x1xf32, #tpu.memory_space<vmem>>, vector<1x1xf32>
      tpu.vector_store %arg8[%swap3A_33, %swap3A_34], %broadcast_in_dim3A {strides = array<i32>} : memref<1x1xf32, #tpu.memory_space<vmem>>, vector<1x1xf32>,
    } else {
    }
    %gt3A = arith.constant 0 : i32
    %gt3A_24 = arith.cmpi sgt, %arg0, %gt3A : i32
    %convert_element_type3A_25 = arith.extui %gt3A_24 : i1 to i32
    %cond3A_26 = arith.constant 0 : i32
    %cond3A_27 = arith.cmpi ne, %convert_element_type3A_25, %cond3A_26 : i32
    scf.if %cond3A_27 {
      %get3A_33 = arith.constant 0 : index
      %get3A_34 = arith.constant 0 : index
      %get3A_35 = vector.load %arg8[%get3A_33, %get3A_34] : memref<1x1xf32, #tpu.memory_space<vmem>>, vector<1x1xf32>
      %add3A_36 = arith.addf %get3A_35, %broadcast_in_dim3A : vector<1x1xf32>
      %swap3A_37 = arith.constant 0 : index
      %swap3A_38 = arith.constant 0 : index
      %swap3A_39 = vector.load %arg8[%swap3A_37, %swap3A_38] : memref<1x1xf32, #tpu.memory_space<vmem>>, vector<1x1xf32>
      tpu.vector_store %arg8[%swap3A_37, %swap3A_38], %add3A_36 {strides = array<i32>} : memref<1x1xf32, #tpu.memory_space<vmem>>, vector<1x1xf32>,
    } else {
    }
    %eq3A_28 = arith.constant 15 : i32
    %eq3A_29 = arith.cmpi eq, %arg0, %eq3A_28 : i32
    %convert_element_type3A_30 = arith.extui %eq3A_29 : i1 to i32
    %cond3A_31 = arith.constant 0 : i32
    %cond3A_32 = arith.cmpi ne, %convert_element_type3A_30, %cond3A_31 : i32
    scf.if %cond3A_32 {
      %get3A_33 = arith.constant 0 : index
      %get3A_34 = arith.constant 0 : index
      %get3A_35 = vector.load %arg8[%get3A_33, %get3A_34] : memref<1x1xf32, #tpu.memory_space<vmem>>, vector<1x1xf32>
      %swap3A_36 = arith.constant 0 : index
      %swap3A_37 = arith.constant 0 : index
      %swap3A_38 = vector.load %arg7[%swap3A_36, %swap3A_37] : memref<1x1xf32, #tpu.memory_space<vmem>>, vector<1x1xf32>
      tpu.vector_store %arg7[%swap3A_36, %swap3A_37], %get3A_35 {strides = array<i32>} : memref<1x1xf32, #tpu.memory_space<vmem>>, vector<1x1xf32>,
    } else {
    }
    return
  }
  func.func @transform_0(%arg0: i32) -> (i32, i32) {
    %c0_i32 = arith.constant 0 : i32
    %c0_i32_0 = arith.constant 0 : i32
    return %arg0, %c0_i32 : i32, i32
  }
  func.func @transform_1(%arg0: i32) -> (i32, i32) {
    %c0_i32 = arith.constant 0 : i32
    %c0_i32_0 = arith.constant 0 : i32
    return %arg0, %c0_i32 : i32, i32
  }
  func.func @transform_2(%arg0: i32) -> (i32, i32) {
    %c0_i32 = arith.constant 0 : i32
    %c0_i32_0 = arith.constant 0 : i32
    return %arg0, %c0_i32 : i32, i32
  }
  func.func @transform_3(%arg0: i32) -> (i32, i32) {
    %c0_i32 = arith.constant 0 : i32
    %c0_i32_0 = arith.constant 0 : i32
    return %arg0, %c0_i32 : i32, i32
  }
  func.func @transform_4(%arg0: i32) -> (i32, i32) {
    %c0_i32 = arith.constant 0 : i32
    %c0_i32_0 = arith.constant 0 : i32
    return %arg0, %c0_i32 : i32, i32
  }
  func.func @transform_5(%arg0: i32) -> (i32, i32) {
    %c0_i32 = arith.constant 0 : i32
    %c0_i32_0 = arith.constant 0 : i32
    return %arg0, %c0_i32 : i32, i32
  }
  func.func @transform_6(%arg0: i32) -> (i32, i32) {
    %c0_i32 = arith.constant 0 : i32
    %c0_i32_0 = arith.constant 0 : i32
    %c0_i32_1 = arith.constant 0 : i32
    return %c0_i32, %c0_i32_0 : i32, i32
  }
}

module attributes {stable_mosaic.version = 14 : i64} {
  func.func @_final_body(%arg0: memref<4x2x8192xf32, #tpu.memory_space<vmem>>, %arg1: memref<4x1xf32, #tpu.memory_space<vmem>>, %arg2: memref<4x1xf32, #tpu.memory_space<vmem>>, %arg3: memref<1x1xf32, #tpu.memory_space<vmem>>) attributes {dimension_semantics = [], scalar_prefetch = 0 : i64, scratch_operands = 0 : i64, tpu.core_type = #tpu.core_type<tc>} {
    %get3A = arith.constant 0 : index
    %get3A_0 = arith.constant 0 : index
    %get3A_1 = arith.constant 0 : index
    %get3A_2 = vector.load %arg0[%get3A, %get3A_0, %get3A_1] : memref<4x2x8192xf32, #tpu.memory_space<vmem>>, vector<4x2x8192xf32>
    %slice3A = vector.extract_strided_slice %get3A_2 {offsets = [0, 0, 0], sizes = [4, 1, 8192], strides = [1, 1, 1]} : vector<4x2x8192xf32> to vector<4x1x8192xf32>
    %squeeze3A = vector.shape_cast %slice3A : vector<4x1x8192xf32> to vector<4x8192xf32>
    %slice3A_3 = vector.extract_strided_slice %get3A_2 {offsets = [0, 1, 0], sizes = [4, 1, 8192], strides = [1, 1, 1]} : vector<4x2x8192xf32> to vector<4x1x8192xf32>
    %squeeze3A_4 = vector.shape_cast %slice3A_3 : vector<4x1x8192xf32> to vector<4x8192xf32>
    %add3A = arith.addf %squeeze3A, %squeeze3A_4 : vector<4x8192xf32>
    %mul3A = arith.constant 1.22070313E-4 : f32
    %mul3A_5 = vector.broadcast %mul3A : f32 to vector<4x8192xf32>
    %mul3A_6 = arith.mulf %add3A, %mul3A_5 : vector<4x8192xf32>
    %add3A_7 = arith.constant 1.000000e-10 : f32
    %add3A_8 = vector.broadcast %add3A_7 : f32 to vector<4x8192xf32>
    %add3A_9 = arith.addf %mul3A_6, %add3A_8 : vector<4x8192xf32>
    %log3A = math.log %add3A_9 : vector<4x8192xf32>
    %mul3A_10 = arith.mulf %mul3A_6, %log3A : vector<4x8192xf32>
    %reduce_sum3A = arith.constant dense<0.000000e+00> : vector<4xf32>
    %reduce_sum3A_11 = vector.multi_reduction <add>, %mul3A_10, %reduce_sum3A [1] : vector<4x8192xf32> to vector<4xf32>
    %broadcast_in_dim3A = vector.shape_cast %reduce_sum3A_11 : vector<4xf32> to vector<4x1xf32>
    %neg3A = arith.constant 0.000000e+00 : f32
    %neg3A_12 = vector.broadcast %neg3A : f32 to vector<4x1xf32>
    %neg3A_13 = arith.subf %neg3A_12, %broadcast_in_dim3A : vector<4x1xf32>
    %exp3A = math.exp %neg3A_13 : vector<4x1xf32>
    %swap3A = arith.constant 0 : index
    %swap3A_14 = arith.constant 0 : index
    %swap3A_15 = vector.load %arg2[%swap3A, %swap3A_14] : memref<4x1xf32, #tpu.memory_space<vmem>>, vector<4x1xf32>
    tpu.vector_store %arg2[%swap3A, %swap3A_14], %exp3A {strides = array<i32>} : memref<4x1xf32, #tpu.memory_space<vmem>>, vector<4x1xf32>,
    %get3A_16 = arith.constant 0 : index
    %get3A_17 = arith.constant 0 : index
    %get3A_18 = vector.load %arg1[%get3A_16, %get3A_17] : memref<4x1xf32, #tpu.memory_space<vmem>>, vector<4x1xf32>
    %reduce_sum3A_19 = arith.constant dense<0.000000e+00> : vector<1xf32>
    %reduce_sum3A_20 = vector.multi_reduction <add>, %get3A_18, %reduce_sum3A_19 [0] : vector<4x1xf32> to vector<1xf32>
    %broadcast_in_dim3A_21 = vector.shape_cast %reduce_sum3A_20 : vector<1xf32> to vector<1x1xf32>
    %mul3A_22 = arith.constant 2.98023224E-8 : f32
    %mul3A_23 = vector.broadcast %mul3A_22 : f32 to vector<1x1xf32>
    %mul3A_24 = arith.mulf %broadcast_in_dim3A_21, %mul3A_23 : vector<1x1xf32>
    %swap3A_25 = arith.constant 0 : index
    %swap3A_26 = arith.constant 0 : index
    %swap3A_27 = vector.load %arg3[%swap3A_25, %swap3A_26] : memref<1x1xf32, #tpu.memory_space<vmem>>, vector<1x1xf32>
    tpu.vector_store %arg3[%swap3A_25, %swap3A_26], %mul3A_24 {strides = array<i32>} : memref<1x1xf32, #tpu.memory_space<vmem>>, vector<1x1xf32>,
    return
  }
}

</mosaic_0001>

<sc_bundles>
// kernel: kernel.15.cloned.1.call-start
scs
__scs_entry_jumppad:
0x0: {  	(pc) =	sbr.rel $0x88, $3  }
0x1: {  	(tag) =	ssettag $0x0;
	lr =	simm.s32 $0x1  }
0x2: {  	[smem:$0x3F9F] =	sst lr;
	_ =	strace $0xD0000000  }
0x3: {  	_ = 	snop  }
0x4: {  	_ = 	snop  }
0x5: {  	_ = 	snop  }
0x6: {  	_ = 	snop  }
0x7: {  	_ = 	snop  }
__scs_overlays_trampoline_lowered:
0x8: {  	[smem:$0x3FAE] =	sst s0  }
0x9: {  	[smem:$0x3FAF] =	sst s1  }
0xa: {  	[smem:$0x3FB0] =	sst s2  }
0xb: {  	[smem:$0x3FB1] =	sst s3  }
0xc: {  	[smem:$0x3FB2] =	sst s4  }
0xd: {  	[smem:$0x3FB3] =	sst s5  }
0xe: {  	[smem:$0x3FB4] =	sst s6  }
0xf: {  	[smem:$0x3FB5] =	sst s7  }
0x10: {  	[smem:$0x3FB6] =	sst s8  }
0x11: {  	[smem:$0x3FB7] =	sst s9;
	s0 =	simm.s32 @!p0 $0x0  }
0x12: {  	s1 =	sld [smem:$0x3F9D];
	s0 =	simm.s32 @p0 $0x1  }
0x13: {  	[smem:$0x3FB8] =	sst s0;
	s0 =	simm.s32 @!p1 $0x0  }
0x14: {  	s2 =	sld [smem:$0x3F9C];
	s0 =	simm.s32 @p1 $0x1  }
0x15: {  	[smem:$0x3FB9] =	sst s0;
	s0 =	simm.s32 @!p2 $0x0  }
0x16: {  	s3 =	sld [smem:$0x3FDB];
	s0 =	simm.s32 @p2 $0x1  }
0x17: {  	s4 =	simm.s32 $0x1BF5;
	[smem:$0x3FBB] =	sst s0  }
0x18: {  	s0 =	sld [smem:$0x3F9E];
	_ =	swait.ge [sflag:s4], $0x0  }
0x19: {  	s7 =	sld [smem:$0x3F9F]  }
0x1a: {  	s8 =	sadd.s32 $0xFFFFE003, lr  }
0x1b: {  	s9 =	sadd.s32 $0xFFFFFEF7, lr;
	s5 =	simm.s32 $0xFFFFFFFF;
	p2 =	slt.u32 s8, $0xFFFFF086  }
0x1c: {  	p1 =	slt.u32 s9, $0xF7A;
	s5 =	simm.s32 @!p2 $0x0  }
0x1d: {  	s5 =	simm.s32 @p1 $0x1;
	p0 =	seq.s32 s7, s2  }
0x1e: {  	s7 =	smul.u32 @!p0 $0xF7A, s2;
	p2 =	seq.s32 @!p0 s5, $0x0  }
0x1f: {  	s9 =	smul.u32 $0xF7A, s1;
	s8 =	simm.s32 @!p0 $0x1BF5;
	p2 =	por !p2, p0  }
0x20: {  	[sflag:s8] =	ssyncset.s32 @!p0 $0xFFFFF086;
	s6 =	sadd.s32 @!p0 s3, s7;
	s7 =	simm.s32 @!p0 $0x108  }
0x21: {  	s3 =	sadd.s32 s3, s9;
	s6 =	sadd.s32 @!p0 $0x88, s6;
	s7 =	simm.s32 @p2 $0x1082  }
0x22: {  	[simem:s7], [sflag:s8] =	dma.local @!p0 [hbm:s6], $0xF7A  }
0x23: {  	s9 =	sor.u32 $0xD0000000, s2;
	s6 =	simm.s32 $0x108;
	_ =	swait.ge @!p0 [sflag:s8], $0x0  }
0x24: {  	s3 =	sadd.s32 $0x88, s3;
	s6 =	simm.s32 @!p1 $0x1082;
	[sflag:s4] =	ssyncset.s32 $0xFFFFF086  }
0x25: {  	[simem:s6], [sflag:s4] =	dma.local [hbm:s3], $0xF7A  }
0x26: {  	[smem:$0x3F9F] =	sst s1;
	(tag) =	ssettag s2;
	_ =	strace s9  }
0x27: {  	s1 =	sld [smem:$0x3FAF]  }
0x28: {  	s2 =	sld [smem:$0x3FB0]  }
0x29: {  	s4 =	sld [smem:$0x3FB2]  }
0x2a: {  	p0 =	seq.s32 s5, $0x0;
	s5 =	sld [smem:$0x3FB3]  }
0x2b: {  	s6 =	sld [smem:$0x3FB4]  }
0x2c: {  	s7 =	sld [smem:$0x3FB5]  }
0x2d: {  	s3 =	simm.s32 $0x108;
	s8 =	sld [smem:$0x3FB6]  }
0x2e: {  	s3 =	simm.s32 @!p0 $0x1082;
	s9 =	sld [smem:$0x3FB7]  }
0x2f: {  	lr =	sadd.s32 s0, s3;
	s0 =	sld [smem:$0x3FAE]  }
0x30: {  	s3 =	sld [smem:$0x3FB1]  }
0x31: {  	[smem:$0x3FBA] =	sst s10  }
0x32: {  	s10 =	sld [smem:$0x3FB8];
	_ =	sdelay $0x3  }
0x33: {  	p0 =	seq.s32 s10, $0x1;
	s10 =	sld [smem:$0x3FBA];
	_ =	sdelay $0x3  }
0x34: {  	[smem:$0x3FBA] =	sst s10  }
0x35: {  	s10 =	sld [smem:$0x3FB9];
	_ =	sdelay $0x3  }
0x36: {  	p1 =	seq.s32 s10, $0x1;
	s10 =	sld [smem:$0x3FBA];
	_ =	sdelay $0x3  }
0x37: {  	[smem:$0x3FBA] =	sst s10  }
0x38: {  	s10 =	sld [smem:$0x3FBB]  }
0x39: {  	_ = 	snop;
	(pc) =	sbr.ind lr, $3  }
0x3a: {  	_ = 	snop  }
0x3b: {  	_ = 	snop  }
0x3c: {  	p2 =	seq.s32 s10, $0x1;
	s10 =	sld [smem:$0x3FBA]  }
0x3d: {  	_ =	shalt  }
0x3e: {  	_ =	shalt  }
0x3f: {  	_ =	shalt  }
0x40: {  	_ =	shalt  }
0x41: {  	_ =	shalt  }
0x42: {  	_ =	shalt  }
0x43: {  	_ =	shalt  }
0x44: {  	_ =	shalt  }
0x45: {  	_ =	shalt  }
0x46: {  	_ =	shalt  }
0x47: {  	_ =	shalt  }
0x48: {  	_ =	shalt  }
0x49: {  	_ =	shalt  }
0x4a: {  	_ =	shalt  }
0x4b: {  	_ =	shalt  }
0x4c: {  	_ =	shalt  }
0x4d: {  	_ =	shalt  }
0x4e: {  	_ =	shalt  }
0x4f: {  	_ =	shalt  }
0x50: {  	_ =	shalt  }
0x51: {  	_ =	shalt  }
0x52: {  	_ =	shalt  }
0x53: {  	_ =	shalt  }
0x54: {  	_ =	shalt  }
0x55: {  	_ =	shalt  }
0x56: {  	_ =	shalt  }
0x57: {  	_ =	shalt  }
0x58: {  	_ =	shalt  }
0x59: {  	_ =	shalt  }
0x5a: {  	_ =	shalt  }
0x5b: {  	_ =	shalt  }
0x5c: {  	_ =	shalt  }
0x5d: {  	_ =	shalt  }
0x5e: {  	_ =	shalt  }
0x5f: {  	_ =	shalt  }
0x60: {  	_ =	shalt  }
0x61: {  	_ =	shalt  }
0x62: {  	_ =	shalt  }
0x63: {  	_ =	shalt  }
0x64: {  	_ =	shalt  }
0x65: {  	_ =	shalt  }
0x66: {  	_ =	shalt  }
0x67: {  	_ =	shalt  }
0x68: {  	_ =	shalt  }
0x69: {  	_ =	shalt  }
0x6a: {  	_ =	shalt  }
0x6b: {  	_ =	shalt  }
0x6c: {  	_ =	shalt  }
0x6d: {  	_ =	shalt  }
0x6e: {  	_ =	shalt  }
0x6f: {  	_ =	shalt  }
0x70: {  	_ =	shalt  }
0x71: {  	_ =	shalt  }
0x72: {  	_ =	shalt  }
0x73: {  	_ =	shalt  }
0x74: {  	_ =	shalt  }
0x75: {  	_ =	shalt  }
0x76: {  	_ =	shalt  }
0x77: {  	_ =	shalt  }
0x78: {  	_ =	shalt  }
0x79: {  	_ =	shalt  }
0x7a: {  	_ =	shalt  }
0x7b: {  	_ =	shalt  }
0x7c: {  	_ =	shalt  }
0x7d: {  	_ =	shalt  }
0x7e: {  	_ =	shalt  }
0x7f: {  	_ =	shalt  }
0x80: {  	_ =	shalt  }
0x81: {  	_ =	shalt  }
0x82: {  	_ =	shalt  }
0x83: {  	_ =	shalt  }
0x84: {  	_ =	shalt  }
0x85: {  	_ =	shalt  }
0x86: {  	_ =	shalt  }
0x87: {  	_ =	shalt  }
.Lfunc_end0:
.L_simem_size_0:
called_computation_lowered:
.L_overlay_start_0:
0x88: {  	s2 =	sld [smem:$0x3FD9]  }
0x89: {  	s3 =	sld [smem:$0x3FFE];
	_ =	sdelay $0x1  }
0x8a: {  	s1 =	srdreg.scid  }
0x8b: {  	s0 =	sand.u32 $0x1, s1  }
0x8c: {  	s16 =	sshll.u32 s0, $0xA;
	s2 =	sadd.s32 s3, s2  }
0x8d: {  	s2 =	sadd.s32 s2, s16  }
0x8e: {  	[smem:$0x3FC6] =	sst s2  }
0x8f: {  	_ = 	snop  }
0x90: {  	(tm) =	ssettm $0x1  }
0x91: {  	s17 =	sld [smem:$0x3FFB];
	_ =	sdelay $0x3  }
0x92: {  	_ =	strace s17  }
0x93: {  	s2 =	sld [smem:$0x3FFC];
	_ =	sdelay $0x3  }
0x94: {  	_ =	strace s2  }
0x95: {  	s2 =	sld [smem:$0x3FFD];
	_ =	sdelay $0x3  }
0x96: {  	_ =	strace s2  }
0x97: {  	_ =	strace $0x8FFFFFFF  }
0x98: {  	s18 =	sld [smem:$0x3FDB];
	_ =	sdelay $0x1  }
0x99: {  	s19 =	simm.s32 $_scs_section_size  }
0x9a: {  	s4 =	simm.s32 $_size__tile_overlayer_lowered;
	s5 =	simm.s32 $_tile_overlayer_lowered  }
0x9b: {  	s22 =	simm.s32 $0x1BFF;
	s21 =	sshll.u32 s5, $0x1;
	s2 =	sadd.s32 s19, s18  }
0x9c: {  	s6 =	simm.s32 $0x0;
	s20 =	sshll.u32 s4, $0x1;
	s4 =	sadd.s32 s21, s2  }
0x9d: {  	[timem:s6], [sflag:s22] =	dma.local [hbm:s4], s20  }
0x9e: {  	_ =	swait.ge [sflag:s22], s20  }
0x9f: {  	s3 =	ssub.s32 $0x0, s20;
	[sflag:s22] =	ssyncset.done $0x0  }
0xa0: {  	[sflag:s22] =	ssyncadd.s32 s3;
	_ =	sdelay $0x1  }
0xa1: {  	s23 =	simm.s32 $0x1B8B  }
0xa2: {  	_ =	swait.ge [sflag:s23], $0x1  }
0xa3: {  	[sflag:s23] =	ssyncset.done $0x0  }
0xa4: {  	s25 =	simm.s32 $0x1B8E;
	s24 =	sld [smem:$0x3FFE];
	[sflag:s23] =	ssyncadd.s32 $0xFFFFFFFF  }
0xa5: {  	s26 =	simm.s32 $execute0_lowered;
	[smem:$0x3FD2] =	sst s25  }
0xa6: {  	s4 =	sshll.u32 s26, $0x1;
	_ =	strace $0x80000046;
	[dreg:$0x1] =	wrdreg $0xFFFFFFFF  }
0xa7: {  	s28 =	simm.s32 $_size_execute0_lowered;
	s2 =	sadd.s32 s2, s4;
	[dreg:$0x0] =	wrdreg $0x0  }
0xa8: {  	s4 =	sshll.u32 s28, $0x1;
	[dreg:$0x2] =	wrdreg s2  }
0xa9: {  	[dreg:$0x3] =	wrdreg s4  }
0xaa: {  	[dreg:$0x4] =	wrdreg $0xC0  }
0xab: {  	_ =	task [dreg:s6], $0x5FFFF  }
0xac: {  	[dreg:$0x1] =	wrdreg $0xFFFFFFFF  }
0xad: {  	[dreg:$0x0] =	wrdreg $0x60  }
0xae: {  	[dreg:$0x2] =	wrdreg s24  }
0xaf: {  	[dreg:$0x3] =	wrdreg $0x124000  }
0xb0: {  	[dreg:$0x4] =	wrdreg $0x9  }
0xb1: {  	_ =	task.clear_ibuf [dreg:s6], $0x5FFFF;
	_ =	strace $0x90000046  }
0xb2: {  	s29 =	simm.s32 $0x9;
	_ =	strace $0x80000048  }
0xb3: {  	_ =	swait.ge [sflag:s29], $0x1  }
0xb4: {  	[sflag:s29] =	ssyncadd.s32 $0xFFFFFFFF  }
0xb5: {  	_ =	strace $0x90000048  }
0xb6: {  	_ =	sfence  }
0xb7: {  	s30 =	sld [smem:$0x0];
	_ =	sdelay $0x2  }
0xb8: {  	s31 =	sshll.u32 s1, $0xD;
	s1 =	sshrl.u32 s1, $0x2  }
0xb9: {  	s3 =	sand.u32 $0x4000, s31;
	s1 =	sadd.s32 s1, s30  }
0xba: {  	s0 =	sor.u32 s3, s0;
	s1 =	sshll.u32 s1, $0x11  }
0xbb: {  	s0 =	sor.u32 s1, s0  }
0xbc: {  	s0 =	sadd.s32 $0x8F2B, s0  }
0xbd: {  	[sflag:s0] =	ssyncadd.remote.s32 $0x1  }
0xbe: {  	_ =	sfence.sel $0xFFFF  }
0xbf: {  	[dreg:$0x0] =	wrdreg $0xFFFFFFFF;
	(pc) =	sbr.abs _section_cstart, $3  }
0xc0: {  	[dreg:$0x1] =	wrdreg $0xFFFFFFFF  }
0xc1: {  	_ =	task.clear_ibuf [dreg:s6], $0x2FFFF;
	_ =	strace $0x9FFFFFFF  }
0xc2: {  	(tm) =	ssettm $0x7FFFFFFF  }
0xc3: {  	_ =	shalt  }
tec
execute0_lowered:
.L_overlay_start_1:
0x0: {  	(tag) =	ssettag $0x1  }
0x1: {  	s3 =	rddreg [dreg:$0x0]  }
0x2: {  	s1 =	rddreg [dreg:$0x1];
	s2 =	simm.s32 $0x0  }
0x3: {  	s16 =	simm.s32 $0x900;
	[smem:$0x7FF] =	sst s2  }
0x4: {  	s17 =	simm.s32 $0x1100;
	_ =	strace $0x80000047;
	[dreg:$0x7] =	wrdreg s16  }
0x5: {  	s18 =	simm.s32 $0x1900;
	[dreg:$0x8] =	wrdreg s17  }
0x6: {  	s19 =	simm.s32 $0x2100;
	[dreg:$0x9] =	wrdreg s18  }
0x7: {  	s0 =	srdreg.scid;
	s20 =	simm.s32 $0x2900;
	[dreg:$0xa] =	wrdreg s19  }
0x8: {  	s5 =	stileid.u32;
	s21 =	simm.s32 $0x3100;
	[dreg:$0xb] =	wrdreg s20  }
0x9: {  	s22 =	simm.s32 $0x3900;
	s23 =	simm.s32 $0x4100;
	[dreg:$0xc] =	wrdreg s21  }
0xa: {  	s25 =	simm.s32 $0x4900;
	s26 =	simm.s32 $0x5100;
	[dreg:$0xd] =	wrdreg s22  }
0xb: {  	s28 =	simm.s32 $0x5900;
	s29 =	simm.s32 $0x6100;
	[dreg:$0xe] =	wrdreg s23  }
0xc: {  	s30 =	simm.s32 $0x6900;
	s31 =	simm.s32 $0x7100;
	[dreg:$0xf] =	wrdreg s25  }
0xd: {  	s10 =	simm.s32 $0x9100;
	s11 =	simm.s32 $0x9900;
	[dreg:$0x10] =	wrdreg s26  }
0xe: {  	s12 =	simm.s32 $0xA100;
	s4 =	sand.u32 $0x1, s0;
	[dreg:$0x11] =	wrdreg s28  }
0xf: {  	s6 =	sshll.u32 s5, $0x9;
	p0 =	sne.s32 s5, $0x0;
	[dreg:$0x12] =	wrdreg s29  }
0x10: {  	s5 =	simm.s32 $0x2;
	s0 =	sshll.u32 s4, $0x8;
	[dreg:$0x13] =	wrdreg s30  }
0x11: {  	s9 =	sshll.u32 s4, $0x4;
	s4 =	ssub.s32 $0x2, s4;
	[dreg:$0x14] =	wrdreg s31  }
0x12: {  	s16 =	simm.s32 $0xC100;
	s17 =	simm.s32 $0xC900;
	s18 =	simm.s32 $0xD100  }
0x13: {  	s19 =	simm.s32 $0xD900;
	s20 =	simm.s32 $0xE100;
	s21 =	simm.s32 $0xE900  }
0x14: {  	s22 =	simm.s32 $0xF100;
	s23 =	simm.s32 $0xF900;
	s25 =	simm.s32 $0x10100  }
0x15: {  	s26 =	simm.s32 $0x1;
	s7 =	sor.u32 s0, s6;
	s6 =	sadd.s32 s6, s1  }
0x16: {  	s13 =	sadd.s32 s9, s3;
	s24 =	sshrl.u32 s4, $0x1;
	s9 =	simm.s32 $0x8900  }
0x17: {  	s8 =	sshrl.u32 s7, $0x3;
	s7 =	sshll.u32 s7, $0x5;
	[dreg:$0x4] =	wrdreg s6  }
0x18: {  	s15 =	sadd.s32 $0xC0A00, s13;
	s4 =	ssub.s32 s4, s24;
	s6 =	simm.s32 $0x100  }
0x19: {  	s13 =	simm.s32 $0xA900;
	s24 =	simm.s32 $0x10200;
	s8 =	sadd.s32 s8, s3  }
0x1a: {  	s7 =	sadd.s32 s7, s3;
	[dreg:$0x6] =	wrdreg s15;
	s3 =	sadd.s32 $0x600, s3  }
0x1b: {  	v2 =	vlaneseq.u32;
	vm0 =	vmmov $0xffff;
	s4 =	smax.u32 s4, $0x1;
	s15 =	simm.s32 $0xB900;
	s8 =	sadd.s32 $0x80600, s8  }
0x1c: {  	v3 =	vimm.f32 $1.000000000e+00;
	v4 =	vimm.f32 $0.0e+00;
	v1 =	vshrl.u32 v2, $0x3;
	s14 =	sadd.s32 $0x80A00, s7;
	s7 =	simm.s32 $0x7900;
	[dreg:$0x3] =	wrdreg s8  }
0x1d: {  	v0 =	vand.u32 $0x7, v2;
	v2 =	vor.u32 $0x8, v2;
	v1 =	vmul.u32 $0x8, v1;
	[dreg:$0x5] =	wrdreg s14;
	s8 =	simm.s32 $0x8100;
	s14 =	simm.s32 $0xB100  }
.LBB2_1:
0x1e: {  	s28 =	rddreg [dreg:$0x3]  }
0x1f: {  	[tilespmem:s2], [sflag:$0x2] =	stream.linear.gather [hbm4b:s28+s2], $0x100, $0x38;
	[tilespmem:$0x12600] =	vst v63  }
0x20: {  	_ =	swait.ge [sflag:s5], $0x100  }
0x21: {  	[sflag:s5] =	ssyncset.done $0x0  }
0x22: {  	[sflag:s5] =	ssyncadd.s32 $0xFFFFFF00  }
0x23: {  	v5 =	vld [tilespmem:$0x0];
	_ =	sdelay $0x4  }
0x24: {  	v6 =	vshll.u32 v5, $0x1  }
0x25: {  	v5 =	vand.u32 $0x7, v5;
	v6 =	vand.u32 $0xFFFFFFF0, v6  }
0x26: {  	v5 =	vor.u32 v5, v6  }
0x27: {  	v6 =	vperm.xlane v5, v0;
	_ =	sdelay $0x1  }
0x28: {  	v5 =	vperm.xlane v5, v2;
	v6 =	vadd.s32 v1, v6;
	_ =	sdelay $0x1  }
0x29: {  	v5 =	vadd.s32 v1, v5;
	_ =	sdelay $0x2  }
0x2a: {  	[tilespmem:s6], [sflag:$0x1] =	stream.indirect_vreg.gather [hbm4b:s3+s2], $0x80, v6, vm0, $0xb8;
	[tilespmem:$0x12600] =	vst v63  }
0x2b: {  	s30 =	rddreg [dreg:$0x7]  }
0x2c: {  	[tilespmem:s30], [sflag:$0x1] =	stream.indirect_vreg.gather [hbm4b:s3+s2], $0x80, v5, vm0, $0xb8;
	[tilespmem:$0x12600] =	vst v63  }
0x2d: {  	v5 =	vld [tilespmem:$0x10];
	_ =	sdelay $0x4  }
0x2e: {  	v6 =	vshll.u32 v5, $0x1  }
0x2f: {  	v5 =	vand.u32 $0x7, v5;
	v6 =	vand.u32 $0xFFFFFFF0, v6  }
0x30: {  	v5 =	vor.u32 v5, v6  }
0x31: {  	v6 =	vperm.xlane v5, v0;
	_ =	sdelay $0x1  }
0x32: {  	v5 =	vperm.xlane v5, v2;
	v6 =	vadd.s32 v1, v6;
	_ =	sdelay $0x1  }
0x33: {  	v5 =	vadd.s32 v1, v5;
	_ =	sdelay $0x1  }
0x34: {  	s31 =	rddreg [dreg:$0x8]  }
0x35: {  	[tilespmem:s31], [sflag:$0x1] =	stream.indirect_vreg.gather [hbm4b:s3+s2], $0x80, v6, vm0, $0xb8;
	[tilespmem:$0x12600] =	vst v63  }
0x36: {  	s29 =	rddreg [dreg:$0x9]  }
0x37: {  	[tilespmem:s29], [sflag:$0x1] =	stream.indirect_vreg.gather [hbm4b:s3+s2], $0x80, v5, vm0, $0xb8;
	[tilespmem:$0x12600] =	vst v63  }
0x38: {  	v5 =	vld [tilespmem:$0x20];
	_ =	sdelay $0x4  }
0x39: {  	v6 =	vshll.u32 v5, $0x1  }
0x3a: {  	v5 =	vand.u32 $0x7, v5;
	v6 =	vand.u32 $0xFFFFFFF0, v6  }
0x3b: {  	v5 =	vor.u32 v5, v6  }
0x3c: {  	v6 =	vperm.xlane v5, v0;
	_ =	sdelay $0x1  }
0x3d: {  	v5 =	vperm.xlane v5, v2;
	v6 =	vadd.s32 v1, v6;
	_ =	sdelay $0x1  }
0x3e: {  	v5 =	vadd.s32 v1, v5;
	_ =	sdelay $0x1  }
0x3f: {  	s0 =	rddreg [dreg:$0xa]  }
0x40: {  	[tilespmem:s0], [sflag:$0x1] =	stream.indirect_vreg.gather [hbm4b:s3+s2], $0x80, v6, vm0, $0xb8;
	[tilespmem:$0x12600] =	vst v63  }
0x41: {  	s30 =	rddreg [dreg:$0xb]  }
0x42: {  	[tilespmem:s30], [sflag:$0x1] =	stream.indirect_vreg.gather [hbm4b:s3+s2], $0x80, v5, vm0, $0xb8;
	[tilespmem:$0x12600] =	vst v63  }
0x43: {  	v5 =	vld [tilespmem:$0x30];
	_ =	sdelay $0x4  }
0x44: {  	v6 =	vshll.u32 v5, $0x1  }
0x45: {  	v5 =	vand.u32 $0x7, v5;
	v6 =	vand.u32 $0xFFFFFFF0, v6  }
0x46: {  	v5 =	vor.u32 v5, v6  }
0x47: {  	v6 =	vperm.xlane v5, v0;
	_ =	sdelay $0x1  }
0x48: {  	v5 =	vperm.xlane v5, v2;
	v6 =	vadd.s32 v1, v6;
	_ =	sdelay $0x1  }
0x49: {  	v5 =	vadd.s32 v1, v5;
	_ =	sdelay $0x1  }
0x4a: {  	s31 =	rddreg [dreg:$0xc]  }
0x4b: {  	[tilespmem:s31], [sflag:$0x1] =	stream.indirect_vreg.gather [hbm4b:s3+s2], $0x80, v6, vm0, $0xb8;
	[tilespmem:$0x12600] =	vst v63  }
0x4c: {  	s0 =	rddreg [dreg:$0xd]  }
0x4d: {  	[tilespmem:s0], [sflag:$0x1] =	stream.indirect_vreg.gather [hbm4b:s3+s2], $0x80, v5, vm0, $0xb8;
	[tilespmem:$0x12600] =	vst v63  }
0x4e: {  	v5 =	vld [tilespmem:$0x40];
	_ =	sdelay $0x4  }
0x4f: {  	v6 =	vshll.u32 v5, $0x1  }
0x50: {  	v5 =	vand.u32 $0x7, v5;
	v6 =	vand.u32 $0xFFFFFFF0, v6  }
0x51: {  	v5 =	vor.u32 v5, v6  }
0x52: {  	v6 =	vperm.xlane v5, v0;
	_ =	sdelay $0x1  }
0x53: {  	v5 =	vperm.xlane v5, v2;
	v6 =	vadd.s32 v1, v6;
	_ =	sdelay $0x1  }
0x54: {  	v5 =	vadd.s32 v1, v5;
	_ =	sdelay $0x1  }
0x55: {  	s30 =	rddreg [dreg:$0xe]  }
0x56: {  	[tilespmem:s30], [sflag:$0x1] =	stream.indirect_vreg.gather [hbm4b:s3+s2], $0x80, v6, vm0, $0xb8;
	[tilespmem:$0x12600] =	vst v63  }
0x57: {  	s31 =	rddreg [dreg:$0xf]  }
0x58: {  	[tilespmem:s31], [sflag:$0x1] =	stream.indirect_vreg.gather [hbm4b:s3+s2], $0x80, v5, vm0, $0xb8;
	[tilespmem:$0x12600] =	vst v63  }
0x59: {  	v5 =	vld [tilespmem:$0x50];
	_ =	sdelay $0x4  }
0x5a: {  	v6 =	vshll.u32 v5, $0x1  }
0x5b: {  	v5 =	vand.u32 $0x7, v5;
	v6 =	vand.u32 $0xFFFFFFF0, v6  }
0x5c: {  	v5 =	vor.u32 v5, v6  }
0x5d: {  	v6 =	vperm.xlane v5, v0;
	_ =	sdelay $0x1  }
0x5e: {  	v5 =	vperm.xlane v5, v2;
	v6 =	vadd.s32 v1, v6;
	_ =	sdelay $0x1  }
0x5f: {  	v5 =	vadd.s32 v1, v5;
	_ =	sdelay $0x1  }
0x60: {  	s0 =	rddreg [dreg:$0x10]  }
0x61: {  	[tilespmem:s0], [sflag:$0x1] =	stream.indirect_vreg.gather [hbm4b:s3+s2], $0x80, v6, vm0, $0xb8;
	[tilespmem:$0x12600] =	vst v63  }
0x62: {  	s30 =	rddreg [dreg:$0x11]  }
0x63: {  	[tilespmem:s30], [sflag:$0x1] =	stream.indirect_vreg.gather [hbm4b:s3+s2], $0x80, v5, vm0, $0xb8;
	[tilespmem:$0x12600] =	vst v63  }
0x64: {  	v5 =	vld [tilespmem:$0x60];
	_ =	sdelay $0x4  }
0x65: {  	v6 =	vshll.u32 v5, $0x1  }
0x66: {  	v5 =	vand.u32 $0x7, v5;
	v6 =	vand.u32 $0xFFFFFFF0, v6  }
0x67: {  	v5 =	vor.u32 v5, v6  }
0x68: {  	v6 =	vperm.xlane v5, v0;
	_ =	sdelay $0x1  }
0x69: {  	v5 =	vperm.xlane v5, v2;
	v6 =	vadd.s32 v1, v6;
	_ =	sdelay $0x1  }
0x6a: {  	v5 =	vadd.s32 v1, v5;
	_ =	sdelay $0x1  }
0x6b: {  	s31 =	rddreg [dreg:$0x12]  }
0x6c: {  	[tilespmem:s31], [sflag:$0x1] =	stream.indirect_vreg.gather [hbm4b:s3+s2], $0x80, v6, vm0, $0xb8;
	[tilespmem:$0x12600] =	vst v63  }
0x6d: {  	s0 =	rddreg [dreg:$0x13]  }
0x6e: {  	[tilespmem:s0], [sflag:$0x1] =	stream.indirect_vreg.gather [hbm4b:s3+s2], $0x80, v5, vm0, $0xb8;
	[tilespmem:$0x12600] =	vst v63  }
0x6f: {  	v5 =	vld [tilespmem:$0x70];
	_ =	sdelay $0x4  }
0x70: {  	v6 =	vshll.u32 v5, $0x1  }
0x71: {  	v5 =	vand.u32 $0x7, v5;
	v6 =	vand.u32 $0xFFFFFFF0, v6  }
0x72: {  	v5 =	vor.u32 v5, v6  }
0x73: {  	v6 =	vperm.xlane v5, v0;
	_ =	sdelay $0x1  }
0x74: {  	v5 =	vperm.xlane v5, v2;
	v6 =	vadd.s32 v1, v6;
	_ =	sdelay $0x1  }
0x75: {  	v5 =	vadd.s32 v1, v5;
	_ =	sdelay $0x1  }
0x76: {  	s29 =	rddreg [dreg:$0x14]  }
0x77: {  	[tilespmem:s29], [sflag:$0x1] =	stream.indirect_vreg.gather [hbm4b:s3+s2], $0x80, v6, vm0, $0xb8;
	[tilespmem:$0x12600] =	vst v63  }
0x78: {  	_ = 	snop  }
0x79: {  	[tilespmem:s7], [sflag:$0x1] =	stream.indirect_vreg.gather [hbm4b:s3+s2], $0x80, v5, vm0, $0xb8;
	[tilespmem:$0x12600] =	vst v63  }
0x7a: {  	v5 =	vld [tilespmem:$0x80];
	_ =	sdelay $0x4  }
0x7b: {  	v6 =	vshll.u32 v5, $0x1  }
0x7c: {  	v5 =	vand.u32 $0x7, v5;
	v6 =	vand.u32 $0xFFFFFFF0, v6  }
0x7d: {  	v5 =	vor.u32 v5, v6  }
0x7e: {  	v6 =	vperm.xlane v5, v0;
	_ =	sdelay $0x1  }
0x7f: {  	v5 =	vperm.xlane v5, v2;
	v6 =	vadd.s32 v1, v6;
	_ =	sdelay $0x1  }
0x80: {  	v5 =	vadd.s32 v1, v5;
	_ =	sdelay $0x2  }
0x81: {  	[tilespmem:s8], [sflag:$0x1] =	stream.indirect_vreg.gather [hbm4b:s3+s2], $0x80, v6, vm0, $0xb8;
	[tilespmem:$0x12600] =	vst v63  }
0x82: {  	_ = 	snop  }
0x83: {  	[tilespmem:s9], [sflag:$0x1] =	stream.indirect_vreg.gather [hbm4b:s3+s2], $0x80, v5, vm0, $0xb8;
	[tilespmem:$0x12600] =	vst v63  }
0x84: {  	v5 =	vld [tilespmem:$0x90];
	_ =	sdelay $0x4  }
0x85: {  	v6 =	vshll.u32 v5, $0x1  }
0x86: {  	v5 =	vand.u32 $0x7, v5;
	v6 =	vand.u32 $0xFFFFFFF0, v6  }
0x87: {  	v5 =	vor.u32 v5, v6  }
0x88: {  	v6 =	vperm.xlane v5, v0;
	_ =	sdelay $0x1  }
0x89: {  	v5 =	vperm.xlane v5, v2;
	v6 =	vadd.s32 v1, v6;
	_ =	sdelay $0x1  }
0x8a: {  	v5 =	vadd.s32 v1, v5;
	_ =	sdelay $0x2  }
0x8b: {  	[tilespmem:s10], [sflag:$0x1] =	stream.indirect_vreg.gather [hbm4b:s3+s2], $0x80, v6, vm0, $0xb8;
	[tilespmem:$0x12600] =	vst v63  }
0x8c: {  	_ = 	snop  }
0x8d: {  	[tilespmem:s11], [sflag:$0x1] =	stream.indirect_vreg.gather [hbm4b:s3+s2], $0x80, v5, vm0, $0xb8;
	[tilespmem:$0x12600] =	vst v63  }
0x8e: {  	v5 =	vld [tilespmem:$0xA0];
	_ =	sdelay $0x4  }
0x8f: {  	v6 =	vshll.u32 v5, $0x1  }
0x90: {  	v5 =	vand.u32 $0x7, v5;
	v6 =	vand.u32 $0xFFFFFFF0, v6  }
0x91: {  	v5 =	vor.u32 v5, v6  }
0x92: {  	v6 =	vperm.xlane v5, v0;
	_ =	sdelay $0x1  }
0x93: {  	v5 =	vperm.xlane v5, v2;
	v6 =	vadd.s32 v1, v6;
	_ =	sdelay $0x1  }
0x94: {  	v5 =	vadd.s32 v1, v5;
	_ =	sdelay $0x2  }
0x95: {  	[tilespmem:s12], [sflag:$0x1] =	stream.indirect_vreg.gather [hbm4b:s3+s2], $0x80, v6, vm0, $0xb8;
	[tilespmem:$0x12600] =	vst v63  }
0x96: {  	_ = 	snop  }
0x97: {  	[tilespmem:s13], [sflag:$0x1] =	stream.indirect_vreg.gather [hbm4b:s3+s2], $0x80, v5, vm0, $0xb8;
	[tilespmem:$0x12600] =	vst v63  }
0x98: {  	v5 =	vld [tilespmem:$0xB0];
	_ =	sdelay $0x4  }
0x99: {  	v6 =	vshll.u32 v5, $0x1  }
0x9a: {  	v5 =	vand.u32 $0x7, v5;
	v6 =	vand.u32 $0xFFFFFFF0, v6  }
0x9b: {  	v5 =	vor.u32 v5, v6  }
0x9c: {  	v6 =	vperm.xlane v5, v0;
	_ =	sdelay $0x1  }
0x9d: {  	v5 =	vperm.xlane v5, v2;
	v6 =	vadd.s32 v1, v6;
	_ =	sdelay $0x1  }
0x9e: {  	v5 =	vadd.s32 v1, v5;
	_ =	sdelay $0x2  }
0x9f: {  	[tilespmem:s14], [sflag:$0x1] =	stream.indirect_vreg.gather [hbm4b:s3+s2], $0x80, v6, vm0, $0xb8;
	[tilespmem:$0x12600] =	vst v63  }
0xa0: {  	_ = 	snop  }
0xa1: {  	[tilespmem:s15], [sflag:$0x1] =	stream.indirect_vreg.gather [hbm4b:s3+s2], $0x80, v5, vm0, $0xb8;
	[tilespmem:$0x12600] =	vst v63  }
0xa2: {  	v5 =	vld [tilespmem:$0xC0];
	_ =	sdelay $0x4  }
0xa3: {  	v6 =	vshll.u32 v5, $0x1  }
0xa4: {  	v5 =	vand.u32 $0x7, v5;
	v6 =	vand.u32 $0xFFFFFFF0, v6  }
0xa5: {  	v5 =	vor.u32 v5, v6  }
0xa6: {  	v6 =	vperm.xlane v5, v0;
	_ =	sdelay $0x1  }
0xa7: {  	v5 =	vperm.xlane v5, v2;
	v6 =	vadd.s32 v1, v6;
	_ =	sdelay $0x1  }
0xa8: {  	v5 =	vadd.s32 v1, v5;
	_ =	sdelay $0x2  }
0xa9: {  	[tilespmem:s16], [sflag:$0x1] =	stream.indirect_vreg.gather [hbm4b:s3+s2], $0x80, v6, vm0, $0xb8;
	[tilespmem:$0x12600] =	vst v63  }
0xaa: {  	_ = 	snop  }
0xab: {  	[tilespmem:s17], [sflag:$0x1] =	stream.indirect_vreg.gather [hbm4b:s3+s2], $0x80, v5, vm0, $0xb8;
	[tilespmem:$0x12600] =	vst v63  }
0xac: {  	v5 =	vld [tilespmem:$0xD0];
	_ =	sdelay $0x4  }
0xad: {  	v6 =	vshll.u32 v5, $0x1  }
0xae: {  	v5 =	vand.u32 $0x7, v5;
	v6 =	vand.u32 $0xFFFFFFF0, v6  }
0xaf: {  	v5 =	vor.u32 v5, v6  }
0xb0: {  	v6 =	vperm.xlane v5, v0;
	_ =	sdelay $0x1  }
0xb1: {  	v5 =	vperm.xlane v5, v2;
	v6 =	vadd.s32 v1, v6;
	_ =	sdelay $0x1  }
0xb2: {  	v5 =	vadd.s32 v1, v5;
	_ =	sdelay $0x2  }
0xb3: {  	[tilespmem:s18], [sflag:$0x1] =	stream.indirect_vreg.gather [hbm4b:s3+s2], $0x80, v6, vm0, $0xb8;
	[tilespmem:$0x12600] =	vst v63  }
0xb4: {  	_ = 	snop  }
0xb5: {  	[tilespmem:s19], [sflag:$0x1] =	stream.indirect_vreg.gather [hbm4b:s3+s2], $0x80, v5, vm0, $0xb8;
	[tilespmem:$0x12600] =	vst v63  }
0xb6: {  	v5 =	vld [tilespmem:$0xE0];
	_ =	sdelay $0x4  }
0xb7: {  	v6 =	vshll.u32 v5, $0x1  }
0xb8: {  	v5 =	vand.u32 $0x7, v5;
	v6 =	vand.u32 $0xFFFFFFF0, v6  }
0xb9: {  	v5 =	vor.u32 v5, v6  }
0xba: {  	v6 =	vperm.xlane v5, v0;
	_ =	sdelay $0x1  }
0xbb: {  	v5 =	vperm.xlane v5, v2;
	v6 =	vadd.s32 v1, v6;
	_ =	sdelay $0x1  }
0xbc: {  	v5 =	vadd.s32 v1, v5;
	_ =	sdelay $0x2  }
0xbd: {  	[tilespmem:s20], [sflag:$0x1] =	stream.indirect_vreg.gather [hbm4b:s3+s2], $0x80, v6, vm0, $0xb8;
	[tilespmem:$0x12600] =	vst v63  }
0xbe: {  	_ = 	snop  }
0xbf: {  	[tilespmem:s21], [sflag:$0x1] =	stream.indirect_vreg.gather [hbm4b:s3+s2], $0x80, v5, vm0, $0xb8;
	[tilespmem:$0x12600] =	vst v63  }
0xc0: {  	v5 =	vld [tilespmem:$0xF0];
	_ =	sdelay $0x4  }
0xc1: {  	v6 =	vshll.u32 v5, $0x1  }
0xc2: {  	v5 =	vand.u32 $0x7, v5;
	v6 =	vand.u32 $0xFFFFFFF0, v6  }
0xc3: {  	v5 =	vor.u32 v5, v6  }
0xc4: {  	v6 =	vperm.xlane v5, v0;
	_ =	sdelay $0x1  }
0xc5: {  	v5 =	vperm.xlane v5, v2;
	v6 =	vadd.s32 v1, v6;
	_ =	sdelay $0x1  }
0xc6: {  	v5 =	vadd.s32 v1, v5;
	_ =	sdelay $0x2  }
0xc7: {  	[tilespmem:s22], [sflag:$0x1] =	stream.indirect_vreg.gather [hbm4b:s3+s2], $0x80, v6, vm0, $0xb8;
	[tilespmem:$0x12600] =	vst v63  }
0xc8: {  	_ = 	snop  }
0xc9: {  	[tilespmem:s23], [sflag:$0x1] =	stream.indirect_vreg.gather [hbm4b:s3+s2], $0x80, v5, vm0, $0xb8;
	[tilespmem:$0x12600] =	vst v63  }
0xca: {  	[tilespmem:$0x10100] =	vst v3  }
0xcb: {  	[tilespmem:$0x10110] =	vst v3  }
0xcc: {  	[tilespmem:$0x10120] =	vst v3  }
0xcd: {  	[tilespmem:$0x10130] =	vst v3  }
0xce: {  	[tilespmem:$0x10140] =	vst v3  }
0xcf: {  	[tilespmem:$0x10150] =	vst v3  }
0xd0: {  	[tilespmem:$0x10160] =	vst v3  }
0xd1: {  	[tilespmem:$0x10170] =	vst v3  }
0xd2: {  	[tilespmem:$0x10180] =	vst v3  }
0xd3: {  	[tilespmem:$0x10190] =	vst v3  }
0xd4: {  	[tilespmem:$0x101A0] =	vst v3  }
0xd5: {  	[tilespmem:$0x101B0] =	vst v3  }
0xd6: {  	[tilespmem:$0x101C0] =	vst v3  }
0xd7: {  	[tilespmem:$0x101D0] =	vst v3  }
0xd8: {  	[tilespmem:$0x101E0] =	vst v3  }
0xd9: {  	[tilespmem:$0x101F0] =	vst v3  }
0xda: {  	[tilespmem:$0x10200] =	vst v4  }
0xdb: {  	[tilespmem:$0x10210] =	vst v4  }
0xdc: {  	[tilespmem:$0x10220] =	vst v4  }
0xdd: {  	[tilespmem:$0x10230] =	vst v4  }
0xde: {  	[tilespmem:$0x10240] =	vst v4  }
0xdf: {  	[tilespmem:$0x10250] =	vst v4  }
0xe0: {  	[tilespmem:$0x10260] =	vst v4  }
0xe1: {  	[tilespmem:$0x10270] =	vst v4  }
0xe2: {  	[tilespmem:$0x10280] =	vst v4  }
0xe3: {  	[tilespmem:$0x10290] =	vst v4  }
0xe4: {  	[tilespmem:$0x102A0] =	vst v4  }
0xe5: {  	[tilespmem:$0x102B0] =	vst v4  }
0xe6: {  	[tilespmem:$0x102C0] =	vst v4  }
0xe7: {  	[tilespmem:$0x102D0] =	vst v4  }
0xe8: {  	[tilespmem:$0x102E0] =	vst v4  }
0xe9: {  	[tilespmem:$0x102F0] =	vst v4  }
0xea: {  	[tilespmem:$0x10300] =	vst v4  }
0xeb: {  	[tilespmem:$0x10310] =	vst v4  }
0xec: {  	[tilespmem:$0x10320] =	vst v4  }
0xed: {  	[tilespmem:$0x10330] =	vst v4  }
0xee: {  	[tilespmem:$0x10340] =	vst v4  }
0xef: {  	[tilespmem:$0x10350] =	vst v4  }
0xf0: {  	[tilespmem:$0x10360] =	vst v4  }
0xf1: {  	[tilespmem:$0x10370] =	vst v4  }
0xf2: {  	[tilespmem:$0x10380] =	vst v4  }
0xf3: {  	[tilespmem:$0x10390] =	vst v4  }
0xf4: {  	[tilespmem:$0x103A0] =	vst v4  }
0xf5: {  	[tilespmem:$0x103B0] =	vst v4  }
0xf6: {  	[tilespmem:$0x103C0] =	vst v4  }
0xf7: {  	[tilespmem:$0x103D0] =	vst v4  }
0xf8: {  	[tilespmem:$0x103E0] =	vst v4  }
0xf9: {  	s30 =	rddreg [dreg:$0x4];
	[tilespmem:$0x103F0] =	vst v4  }
0xfa: {  	[spmem:s30] =	stream.linear.scatter [tilespmem:s24], [sflag:$0x2], $0x200, $0x38;
	[tilespmem:$0x12600] =	vst v63  }
0xfb: {  	_ =	swait.ge [sflag:s5], $0x200  }
0xfc: {  	[sflag:s5] =	ssyncset.done $0x0  }
0xfd: {  	[sflag:s5] =	ssyncadd.s32 $0xFFFFFE00  }
0xfe: {  	[bflag:$0x0] =	sbarrier.arrive $0xFFFF  }
0xff: {  	[spmem:s1] =	stream.indirect.scatter.add.f32 [tilespmem:s25], [sflag:$0x2], $0x1, s2, s6, $0xb8;
	[tilespmem:$0x12600] =	vst v63  }
0x100: {  	_ =	swait.ge [sflag:s5], $0x100  }
0x101: {  	[sflag:s5] =	ssyncset.done $0x0  }
0x102: {  	[sflag:s5] =	ssyncadd.s32 $0xFFFFFF00  }
0x103: {  	[bflag:$0x0] =	sbarrier.arrive $0xFFFF  }
0x104: {  	_ =	swait.ge [sflag:s26], $0x10000  }
0x105: {  	[sflag:s26] =	ssyncset.done $0x0  }
0x106: {  	s31 =	rddreg [dreg:$0x5];
	[sflag:s26] =	ssyncadd.s32 $0xFFFF0000  }
0x107: {  	[hbm4b:s31+s2] =	stream.linear.scatter [tilespmem:s6], [sflag:$0x2], $0x10000, $0x38;
	[tilespmem:$0x12600] =	vst v63  }
0x108: {  	_ =	swait.ge [sflag:s5], $0x10000  }
0x109: {  	s4 =	sadd.s32 $0xFFFFFFFF, s4;
	[sflag:s5] =	ssyncset.done $0x0  }
0x10a: {  	s28 =	simm.s32 @!p0 $0x10400;
	s29 =	simm.s32 @!p0 $0x2;
	[sflag:s5] =	ssyncadd.s32 $0xFFFF0000  }
0x10b: {  	[tilespmem:s28], [sflag:$0x2] =	stream.linear.gather @!p0 [spmem:s1], $0x2000, $0x38;
	[tilespmem:$0x12600] =	vst v63  }
0x10c: {  	p1 =	sne.s32 s4, $0x0;
	_ =	swait.ge @!p0 [sflag:s29], $0x2000  }
0x10d: {  	s0 =	simm.s32 @!p0 $0x100;
	s31 =	simm.s32 @!p0 $0x80;
	[sflag:s29] =	ssyncset.done @!p0 $0x0  }
.Ltmp0:
0x10e: {  	s30 =	rddreg [dreg:$0x6];
	[sflag:s29] =	ssyncadd.s32 @!p0 $0xFFFFE000;
	(pc) =	sbr.rel @p1 .LBB2_1-.Ltmp0, $4  }
0x10f: {  	[hbm4b:s30+s31] =	stream.strided.scatter @!p0 [tilespmem:s28], [sflag:$0x2], $0x2000, s0, s31, $0x38;
	[tilespmem:$0x12600] =	vst v63  }
0x110: {  	_ =	swait.ge @!p0 [sflag:s29], $0x2000  }
0x111: {  	[sflag:s29] =	ssyncset.done @!p0 $0x0  }
0x112: {  	[sflag:s29] =	ssyncadd.s32 @!p0 $0xFFFFE000  }
0x113: {  	_ =	sfence.sel $0x180000  }
0x114: {  	[bflag:$0x0] =	sbarrier.arrive $0xFFFF  }
0x115: {  	_ =	strace $0x90000047  }
0x116: {  	[bflag:$0x2] =	sbarrier.arrive $0xFFFF  }
0x117: {  	s0 =	rddreg [dreg:$0x2]  }
0x118: {  	s0 =	sadd.s32 @!p0 $0x100000, s0  }
0x119: {  	[sflag:s0] =	ssyncadd.tile.s32 @!p0 $0x1;
	_ =	shalt  }
.Lfunc_end2:
_tile_overlayer_lowered:
.L_overlay_start_2:
0x11a: {  	(tag) =	ssettag $0x2  }
0x11b: {  	s0 =	rddreg [dreg:$0x0];
	s2 =	stileid.u32  }
0x11c: {  	s1 =	rddreg [dreg:$0x1];
	p0 =	sne.s32 s2, $0x0  }
0x11d: {  	s3 =	rddreg [dreg:$0x2];
	[bflag:$0x3] =	sbarrier.arrive $0xFFFF;
	s2 =	simm.s32 @!p0 $0x1C02  }
0x11e: {  	[timem:s3], [sflag:s2] =	dma.local @!p0 [hbm:s0], s1  }
0x11f: {  	s0 =	simm.s32 @!p0 $0x2  }
0x120: {  	_ =	swait.ge @!p0 [sflag:s0], s1  }
0x121: {  	s1 =	ssub.s32 @!p0 $0x0, s1;
	[sflag:s0] =	ssyncset.done @!p0 $0x0  }
0x122: {  	[sflag:s0] =	ssyncadd.s32 @!p0 s1  }
0x123: {  	[bflag:$0x3] =	sbarrier.arrive $0xFFFF  }
0x124: {  	_ =	shalt  }

// kernel: kernel.18.cloned.1.call-start
scs
__scs_entry_jumppad:
0x0: {  	(pc) =	sbr.rel $0x88, $3  }
0x1: {  	(tag) =	ssettag $0x0;
	lr =	simm.s32 $0x1  }
0x2: {  	[smem:$0x3F9F] =	sst lr;
	_ =	strace $0xD0000000  }
0x3: {  	_ = 	snop  }
0x4: {  	_ = 	snop  }
0x5: {  	_ = 	snop  }
0x6: {  	_ = 	snop  }
0x7: {  	_ = 	snop  }
__scs_overlays_trampoline_lowered:
0x8: {  	[smem:$0x3FAE] =	sst s0  }
0x9: {  	[smem:$0x3FAF] =	sst s1  }
0xa: {  	[smem:$0x3FB0] =	sst s2  }
0xb: {  	[smem:$0x3FB1] =	sst s3  }
0xc: {  	[smem:$0x3FB2] =	sst s4  }
0xd: {  	[smem:$0x3FB3] =	sst s5  }
0xe: {  	[smem:$0x3FB4] =	sst s6  }
0xf: {  	[smem:$0x3FB5] =	sst s7  }
0x10: {  	[smem:$0x3FB6] =	sst s8  }
0x11: {  	[smem:$0x3FB7] =	sst s9;
	s0 =	simm.s32 @!p0 $0x0  }
0x12: {  	s1 =	sld [smem:$0x3F9D];
	s0 =	simm.s32 @p0 $0x1  }
0x13: {  	[smem:$0x3FB8] =	sst s0;
	s0 =	simm.s32 @!p1 $0x0  }
0x14: {  	s2 =	sld [smem:$0x3F9C];
	s0 =	simm.s32 @p1 $0x1  }
0x15: {  	[smem:$0x3FB9] =	sst s0;
	s0 =	simm.s32 @!p2 $0x0  }
0x16: {  	s3 =	sld [smem:$0x3FDB];
	s0 =	simm.s32 @p2 $0x1  }
0x17: {  	s4 =	simm.s32 $0x1BF5;
	[smem:$0x3FBB] =	sst s0  }
0x18: {  	s0 =	sld [smem:$0x3F9E];
	_ =	swait.ge [sflag:s4], $0x0  }
0x19: {  	s7 =	sld [smem:$0x3F9F]  }
0x1a: {  	s8 =	sadd.s32 $0xFFFFE003, lr  }
0x1b: {  	s9 =	sadd.s32 $0xFFFFFEF7, lr;
	s5 =	simm.s32 $0xFFFFFFFF;
	p2 =	slt.u32 s8, $0xFFFFF086  }
0x1c: {  	p1 =	slt.u32 s9, $0xF7A;
	s5 =	simm.s32 @!p2 $0x0  }
0x1d: {  	s5 =	simm.s32 @p1 $0x1;
	p0 =	seq.s32 s7, s2  }
0x1e: {  	s7 =	smul.u32 @!p0 $0xF7A, s2;
	p2 =	seq.s32 @!p0 s5, $0x0  }
0x1f: {  	s9 =	smul.u32 $0xF7A, s1;
	s8 =	simm.s32 @!p0 $0x1BF5;
	p2 =	por !p2, p0  }
0x20: {  	[sflag:s8] =	ssyncset.s32 @!p0 $0xFFFFF086;
	s6 =	sadd.s32 @!p0 s3, s7;
	s7 =	simm.s32 @!p0 $0x108  }
0x21: {  	s3 =	sadd.s32 s3, s9;
	s6 =	sadd.s32 @!p0 $0x88, s6;
	s7 =	simm.s32 @p2 $0x1082  }
0x22: {  	[simem:s7], [sflag:s8] =	dma.local @!p0 [hbm:s6], $0xF7A  }
0x23: {  	s9 =	sor.u32 $0xD0000000, s2;
	s6 =	simm.s32 $0x108;
	_ =	swait.ge @!p0 [sflag:s8], $0x0  }
0x24: {  	s3 =	sadd.s32 $0x88, s3;
	s6 =	simm.s32 @!p1 $0x1082;
	[sflag:s4] =	ssyncset.s32 $0xFFFFF086  }
0x25: {  	[simem:s6], [sflag:s4] =	dma.local [hbm:s3], $0xF7A  }
0x26: {  	[smem:$0x3F9F] =	sst s1;
	(tag) =	ssettag s2;
	_ =	strace s9  }
0x27: {  	s1 =	sld [smem:$0x3FAF]  }
0x28: {  	s2 =	sld [smem:$0x3FB0]  }
0x29: {  	s4 =	sld [smem:$0x3FB2]  }
0x2a: {  	p0 =	seq.s32 s5, $0x0;
	s5 =	sld [smem:$0x3FB3]  }
0x2b: {  	s6 =	sld [smem:$0x3FB4]  }
0x2c: {  	s7 =	sld [smem:$0x3FB5]  }
0x2d: {  	s3 =	simm.s32 $0x108;
	s8 =	sld [smem:$0x3FB6]  }
0x2e: {  	s3 =	simm.s32 @!p0 $0x1082;
	s9 =	sld [smem:$0x3FB7]  }
0x2f: {  	lr =	sadd.s32 s0, s3;
	s0 =	sld [smem:$0x3FAE]  }
0x30: {  	s3 =	sld [smem:$0x3FB1]  }
0x31: {  	[smem:$0x3FBA] =	sst s10  }
0x32: {  	s10 =	sld [smem:$0x3FB8];
	_ =	sdelay $0x3  }
0x33: {  	p0 =	seq.s32 s10, $0x1;
	s10 =	sld [smem:$0x3FBA];
	_ =	sdelay $0x3  }
0x34: {  	[smem:$0x3FBA] =	sst s10  }
0x35: {  	s10 =	sld [smem:$0x3FB9];
	_ =	sdelay $0x3  }
0x36: {  	p1 =	seq.s32 s10, $0x1;
	s10 =	sld [smem:$0x3FBA];
	_ =	sdelay $0x3  }
0x37: {  	[smem:$0x3FBA] =	sst s10  }
0x38: {  	s10 =	sld [smem:$0x3FBB]  }
0x39: {  	_ = 	snop;
	(pc) =	sbr.ind lr, $3  }
0x3a: {  	_ = 	snop  }
0x3b: {  	_ = 	snop  }
0x3c: {  	p2 =	seq.s32 s10, $0x1;
	s10 =	sld [smem:$0x3FBA]  }
0x3d: {  	_ =	shalt  }
0x3e: {  	_ =	shalt  }
0x3f: {  	_ =	shalt  }
0x40: {  	_ =	shalt  }
0x41: {  	_ =	shalt  }
0x42: {  	_ =	shalt  }
0x43: {  	_ =	shalt  }
0x44: {  	_ =	shalt  }
0x45: {  	_ =	shalt  }
0x46: {  	_ =	shalt  }
0x47: {  	_ =	shalt  }
0x48: {  	_ =	shalt  }
0x49: {  	_ =	shalt  }
0x4a: {  	_ =	shalt  }
0x4b: {  	_ =	shalt  }
0x4c: {  	_ =	shalt  }
0x4d: {  	_ =	shalt  }
0x4e: {  	_ =	shalt  }
0x4f: {  	_ =	shalt  }
0x50: {  	_ =	shalt  }
0x51: {  	_ =	shalt  }
0x52: {  	_ =	shalt  }
0x53: {  	_ =	shalt  }
0x54: {  	_ =	shalt  }
0x55: {  	_ =	shalt  }
0x56: {  	_ =	shalt  }
0x57: {  	_ =	shalt  }
0x58: {  	_ =	shalt  }
0x59: {  	_ =	shalt  }
0x5a: {  	_ =	shalt  }
0x5b: {  	_ =	shalt  }
0x5c: {  	_ =	shalt  }
0x5d: {  	_ =	shalt  }
0x5e: {  	_ =	shalt  }
0x5f: {  	_ =	shalt  }
0x60: {  	_ =	shalt  }
0x61: {  	_ =	shalt  }
0x62: {  	_ =	shalt  }
0x63: {  	_ =	shalt  }
0x64: {  	_ =	shalt  }
0x65: {  	_ =	shalt  }
0x66: {  	_ =	shalt  }
0x67: {  	_ =	shalt  }
0x68: {  	_ =	shalt  }
0x69: {  	_ =	shalt  }
0x6a: {  	_ =	shalt  }
0x6b: {  	_ =	shalt  }
0x6c: {  	_ =	shalt  }
0x6d: {  	_ =	shalt  }
0x6e: {  	_ =	shalt  }
0x6f: {  	_ =	shalt  }
0x70: {  	_ =	shalt  }
0x71: {  	_ =	shalt  }
0x72: {  	_ =	shalt  }
0x73: {  	_ =	shalt  }
0x74: {  	_ =	shalt  }
0x75: {  	_ =	shalt  }
0x76: {  	_ =	shalt  }
0x77: {  	_ =	shalt  }
0x78: {  	_ =	shalt  }
0x79: {  	_ =	shalt  }
0x7a: {  	_ =	shalt  }
0x7b: {  	_ =	shalt  }
0x7c: {  	_ =	shalt  }
0x7d: {  	_ =	shalt  }
0x7e: {  	_ =	shalt  }
0x7f: {  	_ =	shalt  }
0x80: {  	_ =	shalt  }
0x81: {  	_ =	shalt  }
0x82: {  	_ =	shalt  }
0x83: {  	_ =	shalt  }
0x84: {  	_ =	shalt  }
0x85: {  	_ =	shalt  }
0x86: {  	_ =	shalt  }
0x87: {  	_ =	shalt  }
.Lfunc_end0:
.L_simem_size_0:
called_computation.1_lowered:
.L_overlay_start_0:
0x88: {  	s2 =	sld [smem:$0x3FD9]  }
0x89: {  	s3 =	sld [smem:$0x3FFE];
	_ =	sdelay $0x1  }
0x8a: {  	s1 =	srdreg.scid  }
0x8b: {  	s0 =	sand.u32 $0x1, s1  }
0x8c: {  	s16 =	sshll.u32 s0, $0xA;
	s2 =	sadd.s32 s3, s2  }
0x8d: {  	s2 =	sadd.s32 s2, s16  }
0x8e: {  	[smem:$0x3FC6] =	sst s2  }
0x8f: {  	_ = 	snop  }
0x90: {  	(tm) =	ssettm $0x1  }
0x91: {  	s17 =	sld [smem:$0x3FFB];
	_ =	sdelay $0x3  }
0x92: {  	_ =	strace s17  }
0x93: {  	s2 =	sld [smem:$0x3FFC];
	_ =	sdelay $0x3  }
0x94: {  	_ =	strace s2  }
0x95: {  	s2 =	sld [smem:$0x3FFD];
	_ =	sdelay $0x3  }
0x96: {  	_ =	strace s2  }
0x97: {  	_ =	strace $0x8FFFFFFF  }
0x98: {  	s18 =	sld [smem:$0x3FDB];
	_ =	sdelay $0x1  }
0x99: {  	s19 =	simm.s32 $_scs_section_size  }
0x9a: {  	s4 =	simm.s32 $_size__tile_overlayer_lowered;
	s5 =	simm.s32 $_tile_overlayer_lowered  }
0x9b: {  	s22 =	simm.s32 $0x1BFF;
	s21 =	sshll.u32 s5, $0x1;
	s2 =	sadd.s32 s19, s18  }
0x9c: {  	s6 =	simm.s32 $0x0;
	s20 =	sshll.u32 s4, $0x1;
	s4 =	sadd.s32 s21, s2  }
0x9d: {  	[timem:s6], [sflag:s22] =	dma.local [hbm:s4], s20  }
0x9e: {  	_ =	swait.ge [sflag:s22], s20  }
0x9f: {  	s3 =	ssub.s32 $0x0, s20;
	[sflag:s22] =	ssyncset.done $0x0  }
0xa0: {  	[sflag:s22] =	ssyncadd.s32 s3;
	_ =	sdelay $0x1  }
0xa1: {  	s23 =	simm.s32 $0x1B8B  }
0xa2: {  	_ =	swait.ge [sflag:s23], $0x1  }
0xa3: {  	[sflag:s23] =	ssyncset.done $0x0  }
0xa4: {  	s25 =	simm.s32 $0x1B8E;
	s24 =	sld [smem:$0x3FFE];
	[sflag:s23] =	ssyncadd.s32 $0xFFFFFFFF  }
0xa5: {  	s26 =	simm.s32 $execute0_lowered;
	[smem:$0x3FD2] =	sst s25  }
0xa6: {  	s4 =	sshll.u32 s26, $0x1;
	_ =	strace $0x80000049;
	[dreg:$0x1] =	wrdreg $0xFFFFFFFF  }
0xa7: {  	s28 =	simm.s32 $_size_execute0_lowered;
	s2 =	sadd.s32 s2, s4;
	[dreg:$0x0] =	wrdreg $0x0  }
0xa8: {  	s4 =	sshll.u32 s28, $0x1;
	[dreg:$0x2] =	wrdreg s2  }
0xa9: {  	[dreg:$0x3] =	wrdreg s4  }
0xaa: {  	[dreg:$0x4] =	wrdreg $0xC0  }
0xab: {  	_ =	task [dreg:s6], $0x5FFFF  }
0xac: {  	[dreg:$0x1] =	wrdreg $0xFFFFFFFF  }
0xad: {  	[dreg:$0x0] =	wrdreg $0x60  }
0xae: {  	[dreg:$0x2] =	wrdreg s24  }
0xaf: {  	[dreg:$0x3] =	wrdreg $0x124000  }
0xb0: {  	[dreg:$0x4] =	wrdreg $0x9  }
0xb1: {  	_ =	task.clear_ibuf [dreg:s6], $0x5FFFF;
	_ =	strace $0x90000049  }
0xb2: {  	s29 =	simm.s32 $0x9;
	_ =	strace $0x8000004B  }
0xb3: {  	_ =	swait.ge [sflag:s29], $0x1  }
0xb4: {  	[sflag:s29] =	ssyncadd.s32 $0xFFFFFFFF  }
0xb5: {  	_ =	strace $0x9000004B  }
0xb6: {  	_ =	sfence  }
0xb7: {  	s30 =	sld [smem:$0x0];
	_ =	sdelay $0x2  }
0xb8: {  	s31 =	sshll.u32 s1, $0xD;
	s1 =	sshrl.u32 s1, $0x2  }
0xb9: {  	s3 =	sand.u32 $0x4000, s31;
	s1 =	sadd.s32 s1, s30  }
0xba: {  	s0 =	sor.u32 s3, s0;
	s1 =	sshll.u32 s1, $0x11  }
0xbb: {  	s0 =	sor.u32 s1, s0  }
0xbc: {  	s0 =	sadd.s32 $0x8F2B, s0  }
0xbd: {  	[sflag:s0] =	ssyncadd.remote.s32 $0x1  }
0xbe: {  	_ =	sfence.sel $0xFFFF  }
0xbf: {  	[dreg:$0x0] =	wrdreg $0xFFFFFFFF;
	(pc) =	sbr.abs _section_cstart, $3  }
0xc0: {  	[dreg:$0x1] =	wrdreg $0xFFFFFFFF  }
0xc1: {  	_ =	task.clear_ibuf [dreg:s6], $0x2FFFF;
	_ =	strace $0x9FFFFFFF  }
0xc2: {  	(tm) =	ssettm $0x7FFFFFFF  }
0xc3: {  	_ =	shalt  }
tec
execute0_lowered:
.L_overlay_start_1:
0x0: {  	(tag) =	ssettag $0x1  }
0x1: {  	s3 =	rddreg [dreg:$0x0]  }
0x2: {  	s1 =	rddreg [dreg:$0x1];
	s2 =	simm.s32 $0x0  }
0x3: {  	s16 =	simm.s32 $0x900;
	[smem:$0x7FF] =	sst s2  }
0x4: {  	s17 =	simm.s32 $0x1100;
	_ =	strace $0x8000004A;
	[dreg:$0x7] =	wrdreg s16  }
0x5: {  	s18 =	simm.s32 $0x1900;
	[dreg:$0x8] =	wrdreg s17  }
0x6: {  	s19 =	simm.s32 $0x2100;
	[dreg:$0x9] =	wrdreg s18  }
0x7: {  	s0 =	srdreg.scid;
	s20 =	simm.s32 $0x2900;
	[dreg:$0xa] =	wrdreg s19  }
0x8: {  	s5 =	stileid.u32;
	s21 =	simm.s32 $0x3100;
	[dreg:$0xb] =	wrdreg s20  }
0x9: {  	s22 =	simm.s32 $0x3900;
	s23 =	simm.s32 $0x4100;
	[dreg:$0xc] =	wrdreg s21  }
0xa: {  	s25 =	simm.s32 $0x4900;
	s26 =	simm.s32 $0x5100;
	[dreg:$0xd] =	wrdreg s22  }
0xb: {  	s28 =	simm.s32 $0x5900;
	s29 =	simm.s32 $0x6100;
	[dreg:$0xe] =	wrdreg s23  }
0xc: {  	s30 =	simm.s32 $0x6900;
	s31 =	simm.s32 $0x7100;
	[dreg:$0xf] =	wrdreg s25  }
0xd: {  	s10 =	simm.s32 $0x9100;
	s11 =	simm.s32 $0x9900;
	[dreg:$0x10] =	wrdreg s26  }
0xe: {  	s12 =	simm.s32 $0xA100;
	s4 =	sand.u32 $0x1, s0;
	[dreg:$0x11] =	wrdreg s28  }
0xf: {  	s6 =	sshll.u32 s5, $0x9;
	p0 =	sne.s32 s5, $0x0;
	[dreg:$0x12] =	wrdreg s29  }
0x10: {  	s5 =	simm.s32 $0x2;
	s0 =	sshll.u32 s4, $0x8;
	[dreg:$0x13] =	wrdreg s30  }
0x11: {  	s9 =	sshll.u32 s4, $0x4;
	s4 =	ssub.s32 $0x2, s4;
	[dreg:$0x14] =	wrdreg s31  }
0x12: {  	s16 =	simm.s32 $0xC100;
	s17 =	simm.s32 $0xC900;
	s18 =	simm.s32 $0xD100  }
0x13: {  	s19 =	simm.s32 $0xD900;
	s20 =	simm.s32 $0xE100;
	s21 =	simm.s32 $0xE900  }
0x14: {  	s22 =	simm.s32 $0xF100;
	s23 =	simm.s32 $0xF900;
	s25 =	simm.s32 $0x10100  }
0x15: {  	s26 =	simm.s32 $0x1;
	s7 =	sor.u32 s0, s6;
	s6 =	sadd.s32 s6, s1  }
0x16: {  	s13 =	sadd.s32 s9, s3;
	s24 =	sshrl.u32 s4, $0x1;
	s9 =	simm.s32 $0x8900  }
0x17: {  	s8 =	sshrl.u32 s7, $0x3;
	s7 =	sshll.u32 s7, $0x5;
	[dreg:$0x4] =	wrdreg s6  }
0x18: {  	s15 =	sadd.s32 $0x141200, s13;
	s4 =	ssub.s32 s4, s24;
	s6 =	simm.s32 $0x100  }
0x19: {  	s13 =	simm.s32 $0xA900;
	s24 =	simm.s32 $0x10200;
	s8 =	sadd.s32 s8, s3  }
0x1a: {  	s7 =	sadd.s32 s7, s3;
	[dreg:$0x6] =	wrdreg s15;
	s3 =	sadd.s32 $0x40600, s3  }
0x1b: {  	v2 =	vlaneseq.u32;
	vm0 =	vmmov $0xffff;
	s4 =	smax.u32 s4, $0x1;
	s15 =	simm.s32 $0xB900;
	s8 =	sadd.s32 $0xC0600, s8  }
0x1c: {  	v3 =	vimm.f32 $1.000000000e+00;
	v4 =	vimm.f32 $0.0e+00;
	v1 =	vshrl.u32 v2, $0x3;
	s14 =	sadd.s32 $0x101200, s7;
	s7 =	simm.s32 $0x7900;
	[dreg:$0x3] =	wrdreg s8  }
0x1d: {  	v0 =	vand.u32 $0x7, v2;
	v2 =	vor.u32 $0x8, v2;
	v1 =	vmul.u32 $0x8, v1;
	[dreg:$0x5] =	wrdreg s14;
	s8 =	simm.s32 $0x8100;
	s14 =	simm.s32 $0xB100  }
.LBB2_1:
0x1e: {  	s28 =	rddreg [dreg:$0x3]  }
0x1f: {  	[tilespmem:s2], [sflag:$0x2] =	stream.linear.gather [hbm4b:s28+s2], $0x100, $0x38;
	[tilespmem:$0x12600] =	vst v63  }
0x20: {  	_ =	swait.ge [sflag:s5], $0x100  }
0x21: {  	[sflag:s5] =	ssyncset.done $0x0  }
0x22: {  	[sflag:s5] =	ssyncadd.s32 $0xFFFFFF00  }
0x23: {  	v5 =	vld [tilespmem:$0x0];
	_ =	sdelay $0x4  }
0x24: {  	v6 =	vshll.u32 v5, $0x1  }
0x25: {  	v5 =	vand.u32 $0x7, v5;
	v6 =	vand.u32 $0xFFFFFFF0, v6  }
0x26: {  	v5 =	vor.u32 v5, v6  }
0x27: {  	v6 =	vperm.xlane v5, v0;
	_ =	sdelay $0x1  }
0x28: {  	v5 =	vperm.xlane v5, v2;
	v6 =	vadd.s32 v1, v6;
	_ =	sdelay $0x1  }
0x29: {  	v5 =	vadd.s32 v1, v5;
	_ =	sdelay $0x2  }
0x2a: {  	[tilespmem:s6], [sflag:$0x1] =	stream.indirect_vreg.gather [hbm4b:s3+s2], $0x80, v6, vm0, $0xb8;
	[tilespmem:$0x12600] =	vst v63  }
0x2b: {  	s30 =	rddreg [dreg:$0x7]  }
0x2c: {  	[tilespmem:s30], [sflag:$0x1] =	stream.indirect_vreg.gather [hbm4b:s3+s2], $0x80, v5, vm0, $0xb8;
	[tilespmem:$0x12600] =	vst v63  }
0x2d: {  	v5 =	vld [tilespmem:$0x10];
	_ =	sdelay $0x4  }
0x2e: {  	v6 =	vshll.u32 v5, $0x1  }
0x2f: {  	v5 =	vand.u32 $0x7, v5;
	v6 =	vand.u32 $0xFFFFFFF0, v6  }
0x30: {  	v5 =	vor.u32 v5, v6  }
0x31: {  	v6 =	vperm.xlane v5, v0;
	_ =	sdelay $0x1  }
0x32: {  	v5 =	vperm.xlane v5, v2;
	v6 =	vadd.s32 v1, v6;
	_ =	sdelay $0x1  }
0x33: {  	v5 =	vadd.s32 v1, v5;
	_ =	sdelay $0x1  }
0x34: {  	s31 =	rddreg [dreg:$0x8]  }
0x35: {  	[tilespmem:s31], [sflag:$0x1] =	stream.indirect_vreg.gather [hbm4b:s3+s2], $0x80, v6, vm0, $0xb8;
	[tilespmem:$0x12600] =	vst v63  }
0x36: {  	s29 =	rddreg [dreg:$0x9]  }
0x37: {  	[tilespmem:s29], [sflag:$0x1] =	stream.indirect_vreg.gather [hbm4b:s3+s2], $0x80, v5, vm0, $0xb8;
	[tilespmem:$0x12600] =	vst v63  }
0x38: {  	v5 =	vld [tilespmem:$0x20];
	_ =	sdelay $0x4  }
0x39: {  	v6 =	vshll.u32 v5, $0x1  }
0x3a: {  	v5 =	vand.u32 $0x7, v5;
	v6 =	vand.u32 $0xFFFFFFF0, v6  }
0x3b: {  	v5 =	vor.u32 v5, v6  }
0x3c: {  	v6 =	vperm.xlane v5, v0;
	_ =	sdelay $0x1  }
0x3d: {  	v5 =	vperm.xlane v5, v2;
	v6 =	vadd.s32 v1, v6;
	_ =	sdelay $0x1  }
0x3e: {  	v5 =	vadd.s32 v1, v5;
	_ =	sdelay $0x1  }
0x3f: {  	s0 =	rddreg [dreg:$0xa]  }
0x40: {  	[tilespmem:s0], [sflag:$0x1] =	stream.indirect_vreg.gather [hbm4b:s3+s2], $0x80, v6, vm0, $0xb8;
	[tilespmem:$0x12600] =	vst v63  }
0x41: {  	s30 =	rddreg [dreg:$0xb]  }
0x42: {  	[tilespmem:s30], [sflag:$0x1] =	stream.indirect_vreg.gather [hbm4b:s3+s2], $0x80, v5, vm0, $0xb8;
	[tilespmem:$0x12600] =	vst v63  }
0x43: {  	v5 =	vld [tilespmem:$0x30];
	_ =	sdelay $0x4  }
0x44: {  	v6 =	vshll.u32 v5, $0x1  }
0x45: {  	v5 =	vand.u32 $0x7, v5;
	v6 =	vand.u32 $0xFFFFFFF0, v6  }
0x46: {  	v5 =	vor.u32 v5, v6  }
0x47: {  	v6 =	vperm.xlane v5, v0;
	_ =	sdelay $0x1  }
0x48: {  	v5 =	vperm.xlane v5, v2;
	v6 =	vadd.s32 v1, v6;
	_ =	sdelay $0x1  }
0x49: {  	v5 =	vadd.s32 v1, v5;
	_ =	sdelay $0x1  }
0x4a: {  	s31 =	rddreg [dreg:$0xc]  }
0x4b: {  	[tilespmem:s31], [sflag:$0x1] =	stream.indirect_vreg.gather [hbm4b:s3+s2], $0x80, v6, vm0, $0xb8;
	[tilespmem:$0x12600] =	vst v63  }
0x4c: {  	s0 =	rddreg [dreg:$0xd]  }
0x4d: {  	[tilespmem:s0], [sflag:$0x1] =	stream.indirect_vreg.gather [hbm4b:s3+s2], $0x80, v5, vm0, $0xb8;
	[tilespmem:$0x12600] =	vst v63  }
0x4e: {  	v5 =	vld [tilespmem:$0x40];
	_ =	sdelay $0x4  }
0x4f: {  	v6 =	vshll.u32 v5, $0x1  }
0x50: {  	v5 =	vand.u32 $0x7, v5;
	v6 =	vand.u32 $0xFFFFFFF0, v6  }
0x51: {  	v5 =	vor.u32 v5, v6  }
0x52: {  	v6 =	vperm.xlane v5, v0;
	_ =	sdelay $0x1  }
0x53: {  	v5 =	vperm.xlane v5, v2;
	v6 =	vadd.s32 v1, v6;
	_ =	sdelay $0x1  }
0x54: {  	v5 =	vadd.s32 v1, v5;
	_ =	sdelay $0x1  }
0x55: {  	s30 =	rddreg [dreg:$0xe]  }
0x56: {  	[tilespmem:s30], [sflag:$0x1] =	stream.indirect_vreg.gather [hbm4b:s3+s2], $0x80, v6, vm0, $0xb8;
	[tilespmem:$0x12600] =	vst v63  }
0x57: {  	s31 =	rddreg [dreg:$0xf]  }
0x58: {  	[tilespmem:s31], [sflag:$0x1] =	stream.indirect_vreg.gather [hbm4b:s3+s2], $0x80, v5, vm0, $0xb8;
	[tilespmem:$0x12600] =	vst v63  }
0x59: {  	v5 =	vld [tilespmem:$0x50];
	_ =	sdelay $0x4  }
0x5a: {  	v6 =	vshll.u32 v5, $0x1  }
0x5b: {  	v5 =	vand.u32 $0x7, v5;
	v6 =	vand.u32 $0xFFFFFFF0, v6  }
0x5c: {  	v5 =	vor.u32 v5, v6  }
0x5d: {  	v6 =	vperm.xlane v5, v0;
	_ =	sdelay $0x1  }
0x5e: {  	v5 =	vperm.xlane v5, v2;
	v6 =	vadd.s32 v1, v6;
	_ =	sdelay $0x1  }
0x5f: {  	v5 =	vadd.s32 v1, v5;
	_ =	sdelay $0x1  }
0x60: {  	s0 =	rddreg [dreg:$0x10]  }
0x61: {  	[tilespmem:s0], [sflag:$0x1] =	stream.indirect_vreg.gather [hbm4b:s3+s2], $0x80, v6, vm0, $0xb8;
	[tilespmem:$0x12600] =	vst v63  }
0x62: {  	s30 =	rddreg [dreg:$0x11]  }
0x63: {  	[tilespmem:s30], [sflag:$0x1] =	stream.indirect_vreg.gather [hbm4b:s3+s2], $0x80, v5, vm0, $0xb8;
	[tilespmem:$0x12600] =	vst v63  }
0x64: {  	v5 =	vld [tilespmem:$0x60];
	_ =	sdelay $0x4  }
0x65: {  	v6 =	vshll.u32 v5, $0x1  }
0x66: {  	v5 =	vand.u32 $0x7, v5;
	v6 =	vand.u32 $0xFFFFFFF0, v6  }
0x67: {  	v5 =	vor.u32 v5, v6  }
0x68: {  	v6 =	vperm.xlane v5, v0;
	_ =	sdelay $0x1  }
0x69: {  	v5 =	vperm.xlane v5, v2;
	v6 =	vadd.s32 v1, v6;
	_ =	sdelay $0x1  }
0x6a: {  	v5 =	vadd.s32 v1, v5;
	_ =	sdelay $0x1  }
0x6b: {  	s31 =	rddreg [dreg:$0x12]  }
0x6c: {  	[tilespmem:s31], [sflag:$0x1] =	stream.indirect_vreg.gather [hbm4b:s3+s2], $0x80, v6, vm0, $0xb8;
	[tilespmem:$0x12600] =	vst v63  }
0x6d: {  	s0 =	rddreg [dreg:$0x13]  }
0x6e: {  	[tilespmem:s0], [sflag:$0x1] =	stream.indirect_vreg.gather [hbm4b:s3+s2], $0x80, v5, vm0, $0xb8;
	[tilespmem:$0x12600] =	vst v63  }
0x6f: {  	v5 =	vld [tilespmem:$0x70];
	_ =	sdelay $0x4  }
0x70: {  	v6 =	vshll.u32 v5, $0x1  }
0x71: {  	v5 =	vand.u32 $0x7, v5;
	v6 =	vand.u32 $0xFFFFFFF0, v6  }
0x72: {  	v5 =	vor.u32 v5, v6  }
0x73: {  	v6 =	vperm.xlane v5, v0;
	_ =	sdelay $0x1  }
0x74: {  	v5 =	vperm.xlane v5, v2;
	v6 =	vadd.s32 v1, v6;
	_ =	sdelay $0x1  }
0x75: {  	v5 =	vadd.s32 v1, v5;
	_ =	sdelay $0x1  }
0x76: {  	s29 =	rddreg [dreg:$0x14]  }
0x77: {  	[tilespmem:s29], [sflag:$0x1] =	stream.indirect_vreg.gather [hbm4b:s3+s2], $0x80, v6, vm0, $0xb8;
	[tilespmem:$0x12600] =	vst v63  }
0x78: {  	_ = 	snop  }
0x79: {  	[tilespmem:s7], [sflag:$0x1] =	stream.indirect_vreg.gather [hbm4b:s3+s2], $0x80, v5, vm0, $0xb8;
	[tilespmem:$0x12600] =	vst v63  }
0x7a: {  	v5 =	vld [tilespmem:$0x80];
	_ =	sdelay $0x4  }
0x7b: {  	v6 =	vshll.u32 v5, $0x1  }
0x7c: {  	v5 =	vand.u32 $0x7, v5;
	v6 =	vand.u32 $0xFFFFFFF0, v6  }
0x7d: {  	v5 =	vor.u32 v5, v6  }
0x7e: {  	v6 =	vperm.xlane v5, v0;
	_ =	sdelay $0x1  }
0x7f: {  	v5 =	vperm.xlane v5, v2;
	v6 =	vadd.s32 v1, v6;
	_ =	sdelay $0x1  }
0x80: {  	v5 =	vadd.s32 v1, v5;
	_ =	sdelay $0x2  }
0x81: {  	[tilespmem:s8], [sflag:$0x1] =	stream.indirect_vreg.gather [hbm4b:s3+s2], $0x80, v6, vm0, $0xb8;
	[tilespmem:$0x12600] =	vst v63  }
0x82: {  	_ = 	snop  }
0x83: {  	[tilespmem:s9], [sflag:$0x1] =	stream.indirect_vreg.gather [hbm4b:s3+s2], $0x80, v5, vm0, $0xb8;
	[tilespmem:$0x12600] =	vst v63  }
0x84: {  	v5 =	vld [tilespmem:$0x90];
	_ =	sdelay $0x4  }
0x85: {  	v6 =	vshll.u32 v5, $0x1  }
0x86: {  	v5 =	vand.u32 $0x7, v5;
	v6 =	vand.u32 $0xFFFFFFF0, v6  }
0x87: {  	v5 =	vor.u32 v5, v6  }
0x88: {  	v6 =	vperm.xlane v5, v0;
	_ =	sdelay $0x1  }
0x89: {  	v5 =	vperm.xlane v5, v2;
	v6 =	vadd.s32 v1, v6;
	_ =	sdelay $0x1  }
0x8a: {  	v5 =	vadd.s32 v1, v5;
	_ =	sdelay $0x2  }
0x8b: {  	[tilespmem:s10], [sflag:$0x1] =	stream.indirect_vreg.gather [hbm4b:s3+s2], $0x80, v6, vm0, $0xb8;
	[tilespmem:$0x12600] =	vst v63  }
0x8c: {  	_ = 	snop  }
0x8d: {  	[tilespmem:s11], [sflag:$0x1] =	stream.indirect_vreg.gather [hbm4b:s3+s2], $0x80, v5, vm0, $0xb8;
	[tilespmem:$0x12600] =	vst v63  }
0x8e: {  	v5 =	vld [tilespmem:$0xA0];
	_ =	sdelay $0x4  }
0x8f: {  	v6 =	vshll.u32 v5, $0x1  }
0x90: {  	v5 =	vand.u32 $0x7, v5;
	v6 =	vand.u32 $0xFFFFFFF0, v6  }
0x91: {  	v5 =	vor.u32 v5, v6  }
0x92: {  	v6 =	vperm.xlane v5, v0;
	_ =	sdelay $0x1  }
0x93: {  	v5 =	vperm.xlane v5, v2;
	v6 =	vadd.s32 v1, v6;
	_ =	sdelay $0x1  }
0x94: {  	v5 =	vadd.s32 v1, v5;
	_ =	sdelay $0x2  }
0x95: {  	[tilespmem:s12], [sflag:$0x1] =	stream.indirect_vreg.gather [hbm4b:s3+s2], $0x80, v6, vm0, $0xb8;
	[tilespmem:$0x12600] =	vst v63  }
0x96: {  	_ = 	snop  }
0x97: {  	[tilespmem:s13], [sflag:$0x1] =	stream.indirect_vreg.gather [hbm4b:s3+s2], $0x80, v5, vm0, $0xb8;
	[tilespmem:$0x12600] =	vst v63  }
0x98: {  	v5 =	vld [tilespmem:$0xB0];
	_ =	sdelay $0x4  }
0x99: {  	v6 =	vshll.u32 v5, $0x1  }
0x9a: {  	v5 =	vand.u32 $0x7, v5;
	v6 =	vand.u32 $0xFFFFFFF0, v6  }
0x9b: {  	v5 =	vor.u32 v5, v6  }
0x9c: {  	v6 =	vperm.xlane v5, v0;
	_ =	sdelay $0x1  }
0x9d: {  	v5 =	vperm.xlane v5, v2;
	v6 =	vadd.s32 v1, v6;
	_ =	sdelay $0x1  }
0x9e: {  	v5 =	vadd.s32 v1, v5;
	_ =	sdelay $0x2  }
0x9f: {  	[tilespmem:s14], [sflag:$0x1] =	stream.indirect_vreg.gather [hbm4b:s3+s2], $0x80, v6, vm0, $0xb8;
	[tilespmem:$0x12600] =	vst v63  }
0xa0: {  	_ = 	snop  }
0xa1: {  	[tilespmem:s15], [sflag:$0x1] =	stream.indirect_vreg.gather [hbm4b:s3+s2], $0x80, v5, vm0, $0xb8;
	[tilespmem:$0x12600] =	vst v63  }
0xa2: {  	v5 =	vld [tilespmem:$0xC0];
	_ =	sdelay $0x4  }
0xa3: {  	v6 =	vshll.u32 v5, $0x1  }
0xa4: {  	v5 =	vand.u32 $0x7, v5;
	v6 =	vand.u32 $0xFFFFFFF0, v6  }
0xa5: {  	v5 =	vor.u32 v5, v6  }
0xa6: {  	v6 =	vperm.xlane v5, v0;
	_ =	sdelay $0x1  }
0xa7: {  	v5 =	vperm.xlane v5, v2;
	v6 =	vadd.s32 v1, v6;
	_ =	sdelay $0x1  }
0xa8: {  	v5 =	vadd.s32 v1, v5;
	_ =	sdelay $0x2  }
0xa9: {  	[tilespmem:s16], [sflag:$0x1] =	stream.indirect_vreg.gather [hbm4b:s3+s2], $0x80, v6, vm0, $0xb8;
	[tilespmem:$0x12600] =	vst v63  }
0xaa: {  	_ = 	snop  }
0xab: {  	[tilespmem:s17], [sflag:$0x1] =	stream.indirect_vreg.gather [hbm4b:s3+s2], $0x80, v5, vm0, $0xb8;
	[tilespmem:$0x12600] =	vst v63  }
0xac: {  	v5 =	vld [tilespmem:$0xD0];
	_ =	sdelay $0x4  }
0xad: {  	v6 =	vshll.u32 v5, $0x1  }
0xae: {  	v5 =	vand.u32 $0x7, v5;
	v6 =	vand.u32 $0xFFFFFFF0, v6  }
0xaf: {  	v5 =	vor.u32 v5, v6  }
0xb0: {  	v6 =	vperm.xlane v5, v0;
	_ =	sdelay $0x1  }
0xb1: {  	v5 =	vperm.xlane v5, v2;
	v6 =	vadd.s32 v1, v6;
	_ =	sdelay $0x1  }
0xb2: {  	v5 =	vadd.s32 v1, v5;
	_ =	sdelay $0x2  }
0xb3: {  	[tilespmem:s18], [sflag:$0x1] =	stream.indirect_vreg.gather [hbm4b:s3+s2], $0x80, v6, vm0, $0xb8;
	[tilespmem:$0x12600] =	vst v63  }
0xb4: {  	_ = 	snop  }
0xb5: {  	[tilespmem:s19], [sflag:$0x1] =	stream.indirect_vreg.gather [hbm4b:s3+s2], $0x80, v5, vm0, $0xb8;
	[tilespmem:$0x12600] =	vst v63  }
0xb6: {  	v5 =	vld [tilespmem:$0xE0];
	_ =	sdelay $0x4  }
0xb7: {  	v6 =	vshll.u32 v5, $0x1  }
0xb8: {  	v5 =	vand.u32 $0x7, v5;
	v6 =	vand.u32 $0xFFFFFFF0, v6  }
0xb9: {  	v5 =	vor.u32 v5, v6  }
0xba: {  	v6 =	vperm.xlane v5, v0;
	_ =	sdelay $0x1  }
0xbb: {  	v5 =	vperm.xlane v5, v2;
	v6 =	vadd.s32 v1, v6;
	_ =	sdelay $0x1  }
0xbc: {  	v5 =	vadd.s32 v1, v5;
	_ =	sdelay $0x2  }
0xbd: {  	[tilespmem:s20], [sflag:$0x1] =	stream.indirect_vreg.gather [hbm4b:s3+s2], $0x80, v6, vm0, $0xb8;
	[tilespmem:$0x12600] =	vst v63  }
0xbe: {  	_ = 	snop  }
0xbf: {  	[tilespmem:s21], [sflag:$0x1] =	stream.indirect_vreg.gather [hbm4b:s3+s2], $0x80, v5, vm0, $0xb8;
	[tilespmem:$0x12600] =	vst v63  }
0xc0: {  	v5 =	vld [tilespmem:$0xF0];
	_ =	sdelay $0x4  }
0xc1: {  	v6 =	vshll.u32 v5, $0x1  }
0xc2: {  	v5 =	vand.u32 $0x7, v5;
	v6 =	vand.u32 $0xFFFFFFF0, v6  }
0xc3: {  	v5 =	vor.u32 v5, v6  }
0xc4: {  	v6 =	vperm.xlane v5, v0;
	_ =	sdelay $0x1  }
0xc5: {  	v5 =	vperm.xlane v5, v2;
	v6 =	vadd.s32 v1, v6;
	_ =	sdelay $0x1  }
0xc6: {  	v5 =	vadd.s32 v1, v5;
	_ =	sdelay $0x2  }
0xc7: {  	[tilespmem:s22], [sflag:$0x1] =	stream.indirect_vreg.gather [hbm4b:s3+s2], $0x80, v6, vm0, $0xb8;
	[tilespmem:$0x12600] =	vst v63  }
0xc8: {  	_ = 	snop  }
0xc9: {  	[tilespmem:s23], [sflag:$0x1] =	stream.indirect_vreg.gather [hbm4b:s3+s2], $0x80, v5, vm0, $0xb8;
	[tilespmem:$0x12600] =	vst v63  }
0xca: {  	[tilespmem:$0x10100] =	vst v3  }
0xcb: {  	[tilespmem:$0x10110] =	vst v3  }
0xcc: {  	[tilespmem:$0x10120] =	vst v3  }
0xcd: {  	[tilespmem:$0x10130] =	vst v3  }
0xce: {  	[tilespmem:$0x10140] =	vst v3  }
0xcf: {  	[tilespmem:$0x10150] =	vst v3  }
0xd0: {  	[tilespmem:$0x10160] =	vst v3  }
0xd1: {  	[tilespmem:$0x10170] =	vst v3  }
0xd2: {  	[tilespmem:$0x10180] =	vst v3  }
0xd3: {  	[tilespmem:$0x10190] =	vst v3  }
0xd4: {  	[tilespmem:$0x101A0] =	vst v3  }
0xd5: {  	[tilespmem:$0x101B0] =	vst v3  }
0xd6: {  	[tilespmem:$0x101C0] =	vst v3  }
0xd7: {  	[tilespmem:$0x101D0] =	vst v3  }
0xd8: {  	[tilespmem:$0x101E0] =	vst v3  }
0xd9: {  	[tilespmem:$0x101F0] =	vst v3  }
0xda: {  	[tilespmem:$0x10200] =	vst v4  }
0xdb: {  	[tilespmem:$0x10210] =	vst v4  }
0xdc: {  	[tilespmem:$0x10220] =	vst v4  }
0xdd: {  	[tilespmem:$0x10230] =	vst v4  }
0xde: {  	[tilespmem:$0x10240] =	vst v4  }
0xdf: {  	[tilespmem:$0x10250] =	vst v4  }
0xe0: {  	[tilespmem:$0x10260] =	vst v4  }
0xe1: {  	[tilespmem:$0x10270] =	vst v4  }
0xe2: {  	[tilespmem:$0x10280] =	vst v4  }
0xe3: {  	[tilespmem:$0x10290] =	vst v4  }
0xe4: {  	[tilespmem:$0x102A0] =	vst v4  }
0xe5: {  	[tilespmem:$0x102B0] =	vst v4  }
0xe6: {  	[tilespmem:$0x102C0] =	vst v4  }
0xe7: {  	[tilespmem:$0x102D0] =	vst v4  }
0xe8: {  	[tilespmem:$0x102E0] =	vst v4  }
0xe9: {  	[tilespmem:$0x102F0] =	vst v4  }
0xea: {  	[tilespmem:$0x10300] =	vst v4  }
0xeb: {  	[tilespmem:$0x10310] =	vst v4  }
0xec: {  	[tilespmem:$0x10320] =	vst v4  }
0xed: {  	[tilespmem:$0x10330] =	vst v4  }
0xee: {  	[tilespmem:$0x10340] =	vst v4  }
0xef: {  	[tilespmem:$0x10350] =	vst v4  }
0xf0: {  	[tilespmem:$0x10360] =	vst v4  }
0xf1: {  	[tilespmem:$0x10370] =	vst v4  }
0xf2: {  	[tilespmem:$0x10380] =	vst v4  }
0xf3: {  	[tilespmem:$0x10390] =	vst v4  }
0xf4: {  	[tilespmem:$0x103A0] =	vst v4  }
0xf5: {  	[tilespmem:$0x103B0] =	vst v4  }
0xf6: {  	[tilespmem:$0x103C0] =	vst v4  }
0xf7: {  	[tilespmem:$0x103D0] =	vst v4  }
0xf8: {  	[tilespmem:$0x103E0] =	vst v4  }
0xf9: {  	s30 =	rddreg [dreg:$0x4];
	[tilespmem:$0x103F0] =	vst v4  }
0xfa: {  	[spmem:s30] =	stream.linear.scatter [tilespmem:s24], [sflag:$0x2], $0x200, $0x38;
	[tilespmem:$0x12600] =	vst v63  }
0xfb: {  	_ =	swait.ge [sflag:s5], $0x200  }
0xfc: {  	[sflag:s5] =	ssyncset.done $0x0  }
0xfd: {  	[sflag:s5] =	ssyncadd.s32 $0xFFFFFE00  }
0xfe: {  	[bflag:$0x0] =	sbarrier.arrive $0xFFFF  }
0xff: {  	[spmem:s1] =	stream.indirect.scatter.add.f32 [tilespmem:s25], [sflag:$0x2], $0x1, s2, s6, $0xb8;
	[tilespmem:$0x12600] =	vst v63  }
0x100: {  	_ =	swait.ge [sflag:s5], $0x100  }
0x101: {  	[sflag:s5] =	ssyncset.done $0x0  }
0x102: {  	[sflag:s5] =	ssyncadd.s32 $0xFFFFFF00  }
0x103: {  	[bflag:$0x0] =	sbarrier.arrive $0xFFFF  }
0x104: {  	_ =	swait.ge [sflag:s26], $0x10000  }
0x105: {  	[sflag:s26] =	ssyncset.done $0x0  }
0x106: {  	s31 =	rddreg [dreg:$0x5];
	[sflag:s26] =	ssyncadd.s32 $0xFFFF0000  }
0x107: {  	[hbm4b:s31+s2] =	stream.linear.scatter [tilespmem:s6], [sflag:$0x2], $0x10000, $0x38;
	[tilespmem:$0x12600] =	vst v63  }
0x108: {  	_ =	swait.ge [sflag:s5], $0x10000  }
0x109: {  	s4 =	sadd.s32 $0xFFFFFFFF, s4;
	[sflag:s5] =	ssyncset.done $0x0  }
0x10a: {  	s28 =	simm.s32 @!p0 $0x10400;
	s29 =	simm.s32 @!p0 $0x2;
	[sflag:s5] =	ssyncadd.s32 $0xFFFF0000  }
0x10b: {  	[tilespmem:s28], [sflag:$0x2] =	stream.linear.gather @!p0 [spmem:s1], $0x2000, $0x38;
	[tilespmem:$0x12600] =	vst v63  }
0x10c: {  	p1 =	sne.s32 s4, $0x0;
	_ =	swait.ge @!p0 [sflag:s29], $0x2000  }
0x10d: {  	s0 =	simm.s32 @!p0 $0x100;
	s31 =	simm.s32 @!p0 $0x80;
	[sflag:s29] =	ssyncset.done @!p0 $0x0  }
.Ltmp0:
0x10e: {  	s30 =	rddreg [dreg:$0x6];
	[sflag:s29] =	ssyncadd.s32 @!p0 $0xFFFFE000;
	(pc) =	sbr.rel @p1 .LBB2_1-.Ltmp0, $4  }
0x10f: {  	[hbm4b:s30+s31] =	stream.strided.scatter @!p0 [tilespmem:s28], [sflag:$0x2], $0x2000, s0, s31, $0x38;
	[tilespmem:$0x12600] =	vst v63  }
0x110: {  	_ =	swait.ge @!p0 [sflag:s29], $0x2000  }
0x111: {  	[sflag:s29] =	ssyncset.done @!p0 $0x0  }
0x112: {  	[sflag:s29] =	ssyncadd.s32 @!p0 $0xFFFFE000  }
0x113: {  	_ =	sfence.sel $0x180000  }
0x114: {  	[bflag:$0x0] =	sbarrier.arrive $0xFFFF  }
0x115: {  	_ =	strace $0x9000004A  }
0x116: {  	[bflag:$0x2] =	sbarrier.arrive $0xFFFF  }
0x117: {  	s0 =	rddreg [dreg:$0x2]  }
0x118: {  	s0 =	sadd.s32 @!p0 $0x100000, s0  }
0x119: {  	[sflag:s0] =	ssyncadd.tile.s32 @!p0 $0x1;
	_ =	shalt  }
.Lfunc_end2:
_tile_overlayer_lowered:
.L_overlay_start_2:
0x11a: {  	(tag) =	ssettag $0x2  }
0x11b: {  	s0 =	rddreg [dreg:$0x0];
	s2 =	stileid.u32  }
0x11c: {  	s1 =	rddreg [dreg:$0x1];
	p0 =	sne.s32 s2, $0x0  }
0x11d: {  	s3 =	rddreg [dreg:$0x2];
	[bflag:$0x3] =	sbarrier.arrive $0xFFFF;
	s2 =	simm.s32 @!p0 $0x1C02  }
0x11e: {  	[timem:s3], [sflag:s2] =	dma.local @!p0 [hbm:s0], s1  }
0x11f: {  	s0 =	simm.s32 @!p0 $0x2  }
0x120: {  	_ =	swait.ge @!p0 [sflag:s0], s1  }
0x121: {  	s1 =	ssub.s32 @!p0 $0x0, s1;
	[sflag:s0] =	ssyncset.done @!p0 $0x0  }
0x122: {  	[sflag:s0] =	ssyncadd.s32 @!p0 s1  }
0x123: {  	[bflag:$0x3] =	sbarrier.arrive $0xFFFF  }
0x124: {  	_ =	shalt  }

// kernel: kernel.21.cloned.1.call-start
scs
__scs_entry_jumppad:
0x0: {  	(pc) =	sbr.rel $0x88, $3  }
0x1: {  	(tag) =	ssettag $0x0;
	lr =	simm.s32 $0x1  }
0x2: {  	[smem:$0x3F9F] =	sst lr;
	_ =	strace $0xD0000000  }
0x3: {  	_ = 	snop  }
0x4: {  	_ = 	snop  }
0x5: {  	_ = 	snop  }
0x6: {  	_ = 	snop  }
0x7: {  	_ = 	snop  }
__scs_overlays_trampoline_lowered:
0x8: {  	[smem:$0x3FAE] =	sst s0  }
0x9: {  	[smem:$0x3FAF] =	sst s1  }
0xa: {  	[smem:$0x3FB0] =	sst s2  }
0xb: {  	[smem:$0x3FB1] =	sst s3  }
0xc: {  	[smem:$0x3FB2] =	sst s4  }
0xd: {  	[smem:$0x3FB3] =	sst s5  }
0xe: {  	[smem:$0x3FB4] =	sst s6  }
0xf: {  	[smem:$0x3FB5] =	sst s7  }
0x10: {  	[smem:$0x3FB6] =	sst s8  }
0x11: {  	[smem:$0x3FB7] =	sst s9;
	s0 =	simm.s32 @!p0 $0x0  }
0x12: {  	s1 =	sld [smem:$0x3F9D];
	s0 =	simm.s32 @p0 $0x1  }
0x13: {  	[smem:$0x3FB8] =	sst s0;
	s0 =	simm.s32 @!p1 $0x0  }
0x14: {  	s2 =	sld [smem:$0x3F9C];
	s0 =	simm.s32 @p1 $0x1  }
0x15: {  	[smem:$0x3FB9] =	sst s0;
	s0 =	simm.s32 @!p2 $0x0  }
0x16: {  	s3 =	sld [smem:$0x3FDB];
	s0 =	simm.s32 @p2 $0x1  }
0x17: {  	s4 =	simm.s32 $0x1BF5;
	[smem:$0x3FBB] =	sst s0  }
0x18: {  	s0 =	sld [smem:$0x3F9E];
	_ =	swait.ge [sflag:s4], $0x0  }
0x19: {  	s7 =	sld [smem:$0x3F9F]  }
0x1a: {  	s8 =	sadd.s32 $0xFFFFE003, lr  }
0x1b: {  	s9 =	sadd.s32 $0xFFFFFEF7, lr;
	s5 =	simm.s32 $0xFFFFFFFF;
	p2 =	slt.u32 s8, $0xFFFFF086  }
0x1c: {  	p1 =	slt.u32 s9, $0xF7A;
	s5 =	simm.s32 @!p2 $0x0  }
0x1d: {  	s5 =	simm.s32 @p1 $0x1;
	p0 =	seq.s32 s7, s2  }
0x1e: {  	s7 =	smul.u32 @!p0 $0xF7A, s2;
	p2 =	seq.s32 @!p0 s5, $0x0  }
0x1f: {  	s9 =	smul.u32 $0xF7A, s1;
	s8 =	simm.s32 @!p0 $0x1BF5;
	p2 =	por !p2, p0  }
0x20: {  	[sflag:s8] =	ssyncset.s32 @!p0 $0xFFFFF086;
	s6 =	sadd.s32 @!p0 s3, s7;
	s7 =	simm.s32 @!p0 $0x108  }
0x21: {  	s3 =	sadd.s32 s3, s9;
	s6 =	sadd.s32 @!p0 $0x88, s6;
	s7 =	simm.s32 @p2 $0x1082  }
0x22: {  	[simem:s7], [sflag:s8] =	dma.local @!p0 [hbm:s6], $0xF7A  }
0x23: {  	s9 =	sor.u32 $0xD0000000, s2;
	s6 =	simm.s32 $0x108;
	_ =	swait.ge @!p0 [sflag:s8], $0x0  }
0x24: {  	s3 =	sadd.s32 $0x88, s3;
	s6 =	simm.s32 @!p1 $0x1082;
	[sflag:s4] =	ssyncset.s32 $0xFFFFF086  }
0x25: {  	[simem:s6], [sflag:s4] =	dma.local [hbm:s3], $0xF7A  }
0x26: {  	[smem:$0x3F9F] =	sst s1;
	(tag) =	ssettag s2;
	_ =	strace s9  }
0x27: {  	s1 =	sld [smem:$0x3FAF]  }
0x28: {  	s2 =	sld [smem:$0x3FB0]  }
0x29: {  	s4 =	sld [smem:$0x3FB2]  }
0x2a: {  	p0 =	seq.s32 s5, $0x0;
	s5 =	sld [smem:$0x3FB3]  }
0x2b: {  	s6 =	sld [smem:$0x3FB4]  }
0x2c: {  	s7 =	sld [smem:$0x3FB5]  }
0x2d: {  	s3 =	simm.s32 $0x108;
	s8 =	sld [smem:$0x3FB6]  }
0x2e: {  	s3 =	simm.s32 @!p0 $0x1082;
	s9 =	sld [smem:$0x3FB7]  }
0x2f: {  	lr =	sadd.s32 s0, s3;
	s0 =	sld [smem:$0x3FAE]  }
0x30: {  	s3 =	sld [smem:$0x3FB1]  }
0x31: {  	[smem:$0x3FBA] =	sst s10  }
0x32: {  	s10 =	sld [smem:$0x3FB8];
	_ =	sdelay $0x3  }
0x33: {  	p0 =	seq.s32 s10, $0x1;
	s10 =	sld [smem:$0x3FBA];
	_ =	sdelay $0x3  }
0x34: {  	[smem:$0x3FBA] =	sst s10  }
0x35: {  	s10 =	sld [smem:$0x3FB9];
	_ =	sdelay $0x3  }
0x36: {  	p1 =	seq.s32 s10, $0x1;
	s10 =	sld [smem:$0x3FBA];
	_ =	sdelay $0x3  }
0x37: {  	[smem:$0x3FBA] =	sst s10  }
0x38: {  	s10 =	sld [smem:$0x3FBB]  }
0x39: {  	_ = 	snop;
	(pc) =	sbr.ind lr, $3  }
0x3a: {  	_ = 	snop  }
0x3b: {  	_ = 	snop  }
0x3c: {  	p2 =	seq.s32 s10, $0x1;
	s10 =	sld [smem:$0x3FBA]  }
0x3d: {  	_ =	shalt  }
0x3e: {  	_ =	shalt  }
0x3f: {  	_ =	shalt  }
0x40: {  	_ =	shalt  }
0x41: {  	_ =	shalt  }
0x42: {  	_ =	shalt  }
0x43: {  	_ =	shalt  }
0x44: {  	_ =	shalt  }
0x45: {  	_ =	shalt  }
0x46: {  	_ =	shalt  }
0x47: {  	_ =	shalt  }
0x48: {  	_ =	shalt  }
0x49: {  	_ =	shalt  }
0x4a: {  	_ =	shalt  }
0x4b: {  	_ =	shalt  }
0x4c: {  	_ =	shalt  }
0x4d: {  	_ =	shalt  }
0x4e: {  	_ =	shalt  }
0x4f: {  	_ =	shalt  }
0x50: {  	_ =	shalt  }
0x51: {  	_ =	shalt  }
0x52: {  	_ =	shalt  }
0x53: {  	_ =	shalt  }
0x54: {  	_ =	shalt  }
0x55: {  	_ =	shalt  }
0x56: {  	_ =	shalt  }
0x57: {  	_ =	shalt  }
0x58: {  	_ =	shalt  }
0x59: {  	_ =	shalt  }
0x5a: {  	_ =	shalt  }
0x5b: {  	_ =	shalt  }
0x5c: {  	_ =	shalt  }
0x5d: {  	_ =	shalt  }
0x5e: {  	_ =	shalt  }
0x5f: {  	_ =	shalt  }
0x60: {  	_ =	shalt  }
0x61: {  	_ =	shalt  }
0x62: {  	_ =	shalt  }
0x63: {  	_ =	shalt  }
0x64: {  	_ =	shalt  }
0x65: {  	_ =	shalt  }
0x66: {  	_ =	shalt  }
0x67: {  	_ =	shalt  }
0x68: {  	_ =	shalt  }
0x69: {  	_ =	shalt  }
0x6a: {  	_ =	shalt  }
0x6b: {  	_ =	shalt  }
0x6c: {  	_ =	shalt  }
0x6d: {  	_ =	shalt  }
0x6e: {  	_ =	shalt  }
0x6f: {  	_ =	shalt  }
0x70: {  	_ =	shalt  }
0x71: {  	_ =	shalt  }
0x72: {  	_ =	shalt  }
0x73: {  	_ =	shalt  }
0x74: {  	_ =	shalt  }
0x75: {  	_ =	shalt  }
0x76: {  	_ =	shalt  }
0x77: {  	_ =	shalt  }
0x78: {  	_ =	shalt  }
0x79: {  	_ =	shalt  }
0x7a: {  	_ =	shalt  }
0x7b: {  	_ =	shalt  }
0x7c: {  	_ =	shalt  }
0x7d: {  	_ =	shalt  }
0x7e: {  	_ =	shalt  }
0x7f: {  	_ =	shalt  }
0x80: {  	_ =	shalt  }
0x81: {  	_ =	shalt  }
0x82: {  	_ =	shalt  }
0x83: {  	_ =	shalt  }
0x84: {  	_ =	shalt  }
0x85: {  	_ =	shalt  }
0x86: {  	_ =	shalt  }
0x87: {  	_ =	shalt  }
.Lfunc_end0:
.L_simem_size_0:
called_computation.2_lowered:
.L_overlay_start_0:
0x88: {  	s2 =	sld [smem:$0x3FD9]  }
0x89: {  	s3 =	sld [smem:$0x3FFE];
	_ =	sdelay $0x1  }
0x8a: {  	s1 =	srdreg.scid  }
0x8b: {  	s0 =	sand.u32 $0x1, s1  }
0x8c: {  	s14 =	sshll.u32 s0, $0xA;
	s2 =	sadd.s32 s3, s2  }
0x8d: {  	s2 =	sadd.s32 s2, s14  }
0x8e: {  	[smem:$0x3FC6] =	sst s2  }
0x8f: {  	_ = 	snop  }
0x90: {  	s2 =	sld [smem:$0x3FD0];
	_ =	sdelay $0x2  }
0x91: {  	s15 =	simm.s32 $0xA;
	s4 =	simm.s32 $0x10  }
0x92: {  	[smem:s4], [sflag:s15] =	dma.local [hbm:s2], $0x1  }
0x93: {  	_ =	swait.eq [sflag:s15], $0x1  }
0x94: {  	[sflag:s15] =	ssyncset.done $0x0  }
0x95: {  	[sflag:s15] =	ssyncadd.s32 $0xFFFFFFFF  }
0x96: {  	s16 =	sld [smem:$0x12];
	(tm) =	ssettm $0x1  }
0x97: {  	s17 =	sld [smem:$0x3FFB];
	_ =	sdelay $0x3  }
0x98: {  	_ =	strace s17  }
0x99: {  	s3 =	sld [smem:$0x3FFC];
	_ =	sdelay $0x3  }
0x9a: {  	_ =	strace s3  }
0x9b: {  	s3 =	sld [smem:$0x3FFD];
	_ =	sdelay $0x3  }
0x9c: {  	_ =	strace s3  }
0x9d: {  	_ =	strace $0x8FFFFFFF  }
0x9e: {  	s18 =	sld [smem:$0x3FDB];
	_ =	sdelay $0x1  }
0x9f: {  	s19 =	simm.s32 $_scs_section_size  }
0xa0: {  	s5 =	simm.s32 $_size__tile_overlayer_lowered;
	s6 =	simm.s32 $_tile_overlayer_lowered  }
0xa1: {  	s22 =	simm.s32 $0x1BFF;
	s21 =	sshll.u32 s6, $0x1;
	s3 =	sadd.s32 s19, s18  }
0xa2: {  	s7 =	simm.s32 $0x0;
	s20 =	sshll.u32 s5, $0x1;
	s5 =	sadd.s32 s21, s3  }
0xa3: {  	[timem:s7], [sflag:s22] =	dma.local [hbm:s5], s20  }
0xa4: {  	_ =	swait.ge [sflag:s22], s20  }
0xa5: {  	s4 =	ssub.s32 $0x0, s20;
	[sflag:s22] =	ssyncset.done $0x0  }
0xa6: {  	[sflag:s22] =	ssyncadd.s32 s4;
	_ =	sdelay $0x1  }
0xa7: {  	s23 =	simm.s32 $0x1B8B  }
0xa8: {  	_ =	swait.ge [sflag:s23], $0x1  }
0xa9: {  	[sflag:s23] =	ssyncset.done $0x0  }
0xaa: {  	s25 =	simm.s32 $0x1B8E;
	s24 =	sld [smem:$0x3FFE];
	[sflag:s23] =	ssyncadd.s32 $0xFFFFFFFF  }
0xab: {  	s26 =	simm.s32 $execute0_lowered;
	[smem:$0x3FD2] =	sst s25  }
0xac: {  	s5 =	sshll.u32 s26, $0x1;
	_ =	strace $0x8000004C;
	[dreg:$0x1] =	wrdreg $0xFFFFFFFF  }
0xad: {  	s28 =	simm.s32 $_size_execute0_lowered;
	s3 =	sadd.s32 s3, s5;
	[dreg:$0x0] =	wrdreg $0x0  }
0xae: {  	s5 =	sshll.u32 s28, $0x1;
	[dreg:$0x2] =	wrdreg s3  }
0xaf: {  	[dreg:$0x3] =	wrdreg s5  }
0xb0: {  	[dreg:$0x4] =	wrdreg $0xC0  }
0xb1: {  	_ =	task [dreg:s7], $0x5FFFF  }
0xb2: {  	[dreg:$0x1] =	wrdreg $0xFFFFFFFF  }
0xb3: {  	[dreg:$0x0] =	wrdreg $0x60  }
0xb4: {  	[dreg:$0x2] =	wrdreg s16  }
0xb5: {  	[dreg:$0x3] =	wrdreg s24  }
0xb6: {  	[dreg:$0x4] =	wrdreg $0x124000  }
0xb7: {  	[dreg:$0x5] =	wrdreg $0x9  }
0xb8: {  	_ =	task.clear_ibuf [dreg:s7], $0x6FFFF;
	_ =	strace $0x9000004C  }
0xb9: {  	s29 =	simm.s32 $0x9;
	_ =	strace $0x8000004E  }
0xba: {  	_ =	swait.ge [sflag:s29], $0x1  }
0xbb: {  	[sflag:s29] =	ssyncadd.s32 $0xFFFFFFFF  }
0xbc: {  	_ =	strace $0x9000004E  }
0xbd: {  	_ =	sfence  }
0xbe: {  	s30 =	sld [smem:$0x0];
	_ =	sdelay $0x2  }
0xbf: {  	s31 =	sshll.u32 s1, $0xD;
	s1 =	sshrl.u32 s1, $0x2  }
0xc0: {  	s3 =	sand.u32 $0x4000, s31;
	s1 =	sadd.s32 s1, s30  }
0xc1: {  	s0 =	sor.u32 s3, s0;
	s1 =	sshll.u32 s1, $0x11  }
0xc2: {  	s0 =	sor.u32 s1, s0  }
0xc3: {  	s0 =	sadd.s32 $0x8F2B, s0  }
0xc4: {  	[sflag:s0] =	ssyncadd.remote.s32 $0x1  }
0xc5: {  	_ =	sfence.sel $0xFFFF  }
0xc6: {  	[dreg:$0x0] =	wrdreg $0xFFFFFFFF;
	(pc) =	sbr.abs _section_cstart, $3  }
0xc7: {  	[dreg:$0x1] =	wrdreg $0xFFFFFFFF  }
0xc8: {  	_ =	task.clear_ibuf [dreg:s7], $0x2FFFF;
	_ =	strace $0x9FFFFFFF  }
0xc9: {  	(tm) =	ssettm $0x7FFFFFFF  }
tec
execute0_lowered:
.L_overlay_start_1:
0x0: {  	(tag) =	ssettag $0x1  }
0x1: {  	s0 =	rddreg [dreg:$0x0]  }
0x2: {  	s6 =	rddreg [dreg:$0x1]  }
0x3: {  	s2 =	rddreg [dreg:$0x2];
	s3 =	simm.s32 $0x0  }
0x4: {  	s16 =	simm.s32 $0x900;
	[smem:$0x7FF] =	sst s3  }
0x5: {  	s17 =	simm.s32 $0x1100;
	_ =	strace $0x8000004D;
	[dreg:$0x8] =	wrdreg s16  }
0x6: {  	s1 =	srdreg.scid;
	s18 =	simm.s32 $0x1900;
	[dreg:$0x9] =	wrdreg s17  }
0x7: {  	s5 =	stileid.u32;
	s19 =	simm.s32 $0x2100;
	[dreg:$0xa] =	wrdreg s18  }
0x8: {  	s20 =	simm.s32 $0x2900;
	s21 =	simm.s32 $0x3100;
	[dreg:$0xb] =	wrdreg s19  }
0x9: {  	s22 =	simm.s32 $0x3900;
	s23 =	simm.s32 $0x4100;
	[dreg:$0xc] =	wrdreg s20  }
0xa: {  	s25 =	simm.s32 $0x4900;
	s26 =	simm.s32 $0x5100;
	[dreg:$0xd] =	wrdreg s21  }
0xb: {  	s28 =	simm.s32 $0x5900;
	s29 =	simm.s32 $0x6100;
	[dreg:$0xe] =	wrdreg s22  }
0xc: {  	s30 =	simm.s32 $0x6900;
	s31 =	simm.s32 $0x7100;
	[dreg:$0xf] =	wrdreg s23  }
0xd: {  	s11 =	simm.s32 $0x9900;
	s12 =	simm.s32 $0xA100;
	[dreg:$0x10] =	wrdreg s25  }
0xe: {  	s13 =	simm.s32 $0xA900;
	s14 =	simm.s32 $0xB100;
	[dreg:$0x11] =	wrdreg s26  }
0xf: {  	s4 =	sand.u32 $0x1, s1;
	s7 =	sshll.u32 s5, $0x9;
	[dreg:$0x12] =	wrdreg s28  }
0x10: {  	p0 =	sne.s32 s5, $0x0;
	s5 =	simm.s32 $0x2;
	[dreg:$0x13] =	wrdreg s29  }
0x11: {  	s1 =	sshll.u32 s4, $0x8;
	s10 =	sshll.u32 s4, $0x4;
	[dreg:$0x14] =	wrdreg s30  }
0x12: {  	s4 =	ssub.s32 $0x2, s4;
	[dreg:$0x15] =	wrdreg s31;
	s16 =	simm.s32 $0xC100  }
0x13: {  	s17 =	simm.s32 $0xC900;
	s18 =	simm.s32 $0xD100;
	s19 =	simm.s32 $0xD900  }
0x14: {  	s20 =	simm.s32 $0xE100;
	s21 =	simm.s32 $0xE900;
	s22 =	simm.s32 $0xF100  }
0x15: {  	s23 =	simm.s32 $0xF900;
	s25 =	simm.s32 $0x10100;
	s26 =	simm.s32 $0x1  }
0x16: {  	s8 =	sor.u32 s1, s7;
	s7 =	sadd.s32 s7, s2;
	s24 =	sshrl.u32 s4, $0x1  }
0x17: {  	s9 =	sshrl.u32 s8, $0x3;
	s8 =	sshll.u32 s8, $0x5;
	[dreg:$0x5] =	wrdreg s7  }
0x18: {  	s4 =	ssub.s32 s4, s24;
	s7 =	simm.s32 $0x7900;
	s9 =	sadd.s32 s9, s6  }
0x19: {  	s24 =	simm.s32 $0x10200;
	s8 =	sadd.s32 s8, s6;
	s9 =	sadd.s32 $0x80600, s9  }
0x1a: {  	s6 =	sadd.s32 s10, s6;
	s15 =	sadd.s32 $0x80A00, s8;
	[dreg:$0x4] =	wrdreg s9  }
0x1b: {  	v2 =	vlaneseq.u32;
	vm0 =	vmmov $0xffff;
	s4 =	smax.u32 s4, $0x1;
	s6 =	sadd.s32 $0x141A00, s6;
	[dreg:$0x6] =	wrdreg s15  }
0x1c: {  	v3 =	vimm.f32 $1.000000000e+00;
	v4 =	vimm.f32 $0.0e+00;
	v1 =	vshrl.u32 v2, $0x3;
	s10 =	simm.s32 $0x9100;
	s8 =	simm.s32 $0x8100;
	[dreg:$0x7] =	wrdreg s6  }
0x1d: {  	v0 =	vand.u32 $0x7, v2;
	v2 =	vor.u32 $0x8, v2;
	v1 =	vmul.u32 $0x8, v1;
	s6 =	simm.s32 $0x100;
	s9 =	simm.s32 $0x8900;
	s15 =	simm.s32 $0xB900  }
.LBB2_1:
0x1e: {  	s28 =	rddreg [dreg:$0x4]  }
0x1f: {  	[tilespmem:s3], [sflag:$0x2] =	stream.linear.gather [hbm4b:s28+s3], $0x100, $0x38;
	[tilespmem:$0x12600] =	vst v63  }
0x20: {  	_ =	swait.ge [sflag:s5], $0x100  }
0x21: {  	[sflag:s5] =	ssyncset.done $0x0  }
0x22: {  	[sflag:s5] =	ssyncadd.s32 $0xFFFFFF00  }
0x23: {  	v5 =	vld [tilespmem:$0x0];
	_ =	sdelay $0x4  }
0x24: {  	v6 =	vshll.u32 v5, $0x1  }
0x25: {  	v5 =	vand.u32 $0x7, v5;
	v6 =	vand.u32 $0xFFFFFFF0, v6  }
0x26: {  	v5 =	vor.u32 v5, v6  }
0x27: {  	v6 =	vperm.xlane v5, v0;
	_ =	sdelay $0x1  }
0x28: {  	v5 =	vperm.xlane v5, v2;
	v6 =	vadd.s32 v1, v6;
	_ =	sdelay $0x1  }
0x29: {  	v5 =	vadd.s32 v1, v5;
	_ =	sdelay $0x2  }
0x2a: {  	[tilespmem:s6], [sflag:$0x1] =	stream.indirect_vreg.gather [hbm4b:s0+s3], $0x80, v6, vm0, $0xb8;
	[tilespmem:$0x12600] =	vst v63  }
0x2b: {  	s30 =	rddreg [dreg:$0x8]  }
0x2c: {  	[tilespmem:s30], [sflag:$0x1] =	stream.indirect_vreg.gather [hbm4b:s0+s3], $0x80, v5, vm0, $0xb8;
	[tilespmem:$0x12600] =	vst v63  }
0x2d: {  	v5 =	vld [tilespmem:$0x10];
	_ =	sdelay $0x4  }
0x2e: {  	v6 =	vshll.u32 v5, $0x1  }
0x2f: {  	v5 =	vand.u32 $0x7, v5;
	v6 =	vand.u32 $0xFFFFFFF0, v6  }
0x30: {  	v5 =	vor.u32 v5, v6  }
0x31: {  	v6 =	vperm.xlane v5, v0;
	_ =	sdelay $0x1  }
0x32: {  	v5 =	vperm.xlane v5, v2;
	v6 =	vadd.s32 v1, v6;
	_ =	sdelay $0x1  }
0x33: {  	v5 =	vadd.s32 v1, v5;
	_ =	sdelay $0x1  }
0x34: {  	s31 =	rddreg [dreg:$0x9]  }
0x35: {  	[tilespmem:s31], [sflag:$0x1] =	stream.indirect_vreg.gather [hbm4b:s0+s3], $0x80, v6, vm0, $0xb8;
	[tilespmem:$0x12600] =	vst v63  }
0x36: {  	s29 =	rddreg [dreg:$0xa]  }
0x37: {  	[tilespmem:s29], [sflag:$0x1] =	stream.indirect_vreg.gather [hbm4b:s0+s3], $0x80, v5, vm0, $0xb8;
	[tilespmem:$0x12600] =	vst v63  }
0x38: {  	v5 =	vld [tilespmem:$0x20];
	_ =	sdelay $0x4  }
0x39: {  	v6 =	vshll.u32 v5, $0x1  }
0x3a: {  	v5 =	vand.u32 $0x7, v5;
	v6 =	vand.u32 $0xFFFFFFF0, v6  }
0x3b: {  	v5 =	vor.u32 v5, v6  }
0x3c: {  	v6 =	vperm.xlane v5, v0;
	_ =	sdelay $0x1  }
0x3d: {  	v5 =	vperm.xlane v5, v2;
	v6 =	vadd.s32 v1, v6;
	_ =	sdelay $0x1  }
0x3e: {  	v5 =	vadd.s32 v1, v5;
	_ =	sdelay $0x1  }
0x3f: {  	s1 =	rddreg [dreg:$0xb]  }
0x40: {  	[tilespmem:s1], [sflag:$0x1] =	stream.indirect_vreg.gather [hbm4b:s0+s3], $0x80, v6, vm0, $0xb8;
	[tilespmem:$0x12600] =	vst v63  }
0x41: {  	s30 =	rddreg [dreg:$0xc]  }
0x42: {  	[tilespmem:s30], [sflag:$0x1] =	stream.indirect_vreg.gather [hbm4b:s0+s3], $0x80, v5, vm0, $0xb8;
	[tilespmem:$0x12600] =	vst v63  }
0x43: {  	v5 =	vld [tilespmem:$0x30];
	_ =	sdelay $0x4  }
0x44: {  	v6 =	vshll.u32 v5, $0x1  }
0x45: {  	v5 =	vand.u32 $0x7, v5;
	v6 =	vand.u32 $0xFFFFFFF0, v6  }
0x46: {  	v5 =	vor.u32 v5, v6  }
0x47: {  	v6 =	vperm.xlane v5, v0;
	_ =	sdelay $0x1  }
0x48: {  	v5 =	vperm.xlane v5, v2;
	v6 =	vadd.s32 v1, v6;
	_ =	sdelay $0x1  }
0x49: {  	v5 =	vadd.s32 v1, v5;
	_ =	sdelay $0x1  }
0x4a: {  	s31 =	rddreg [dreg:$0xd]  }
0x4b: {  	[tilespmem:s31], [sflag:$0x1] =	stream.indirect_vreg.gather [hbm4b:s0+s3], $0x80, v6, vm0, $0xb8;
	[tilespmem:$0x12600] =	vst v63  }
0x4c: {  	s1 =	rddreg [dreg:$0xe]  }
0x4d: {  	[tilespmem:s1], [sflag:$0x1] =	stream.indirect_vreg.gather [hbm4b:s0+s3], $0x80, v5, vm0, $0xb8;
	[tilespmem:$0x12600] =	vst v63  }
0x4e: {  	v5 =	vld [tilespmem:$0x40];
	_ =	sdelay $0x4  }
0x4f: {  	v6 =	vshll.u32 v5, $0x1  }
0x50: {  	v5 =	vand.u32 $0x7, v5;
	v6 =	vand.u32 $0xFFFFFFF0, v6  }
0x51: {  	v5 =	vor.u32 v5, v6  }
0x52: {  	v6 =	vperm.xlane v5, v0;
	_ =	sdelay $0x1  }
0x53: {  	v5 =	vperm.xlane v5, v2;
	v6 =	vadd.s32 v1, v6;
	_ =	sdelay $0x1  }
0x54: {  	v5 =	vadd.s32 v1, v5;
	_ =	sdelay $0x1  }
0x55: {  	s30 =	rddreg [dreg:$0xf]  }
0x56: {  	[tilespmem:s30], [sflag:$0x1] =	stream.indirect_vreg.gather [hbm4b:s0+s3], $0x80, v6, vm0, $0xb8;
	[tilespmem:$0x12600] =	vst v63  }
0x57: {  	s31 =	rddreg [dreg:$0x10]  }
0x58: {  	[tilespmem:s31], [sflag:$0x1] =	stream.indirect_vreg.gather [hbm4b:s0+s3], $0x80, v5, vm0, $0xb8;
	[tilespmem:$0x12600] =	vst v63  }
0x59: {  	v5 =	vld [tilespmem:$0x50];
	_ =	sdelay $0x4  }
0x5a: {  	v6 =	vshll.u32 v5, $0x1  }
0x5b: {  	v5 =	vand.u32 $0x7, v5;
	v6 =	vand.u32 $0xFFFFFFF0, v6  }
0x5c: {  	v5 =	vor.u32 v5, v6  }
0x5d: {  	v6 =	vperm.xlane v5, v0;
	_ =	sdelay $0x1  }
0x5e: {  	v5 =	vperm.xlane v5, v2;
	v6 =	vadd.s32 v1, v6;
	_ =	sdelay $0x1  }
0x5f: {  	v5 =	vadd.s32 v1, v5;
	_ =	sdelay $0x1  }
0x60: {  	s1 =	rddreg [dreg:$0x11]  }
0x61: {  	[tilespmem:s1], [sflag:$0x1] =	stream.indirect_vreg.gather [hbm4b:s0+s3], $0x80, v6, vm0, $0xb8;
	[tilespmem:$0x12600] =	vst v63  }
0x62: {  	s30 =	rddreg [dreg:$0x12]  }
0x63: {  	[tilespmem:s30], [sflag:$0x1] =	stream.indirect_vreg.gather [hbm4b:s0+s3], $0x80, v5, vm0, $0xb8;
	[tilespmem:$0x12600] =	vst v63  }
0x64: {  	v5 =	vld [tilespmem:$0x60];
	_ =	sdelay $0x4  }
0x65: {  	v6 =	vshll.u32 v5, $0x1  }
0x66: {  	v5 =	vand.u32 $0x7, v5;
	v6 =	vand.u32 $0xFFFFFFF0, v6  }
0x67: {  	v5 =	vor.u32 v5, v6  }
0x68: {  	v6 =	vperm.xlane v5, v0;
	_ =	sdelay $0x1  }
0x69: {  	v5 =	vperm.xlane v5, v2;
	v6 =	vadd.s32 v1, v6;
	_ =	sdelay $0x1  }
0x6a: {  	v5 =	vadd.s32 v1, v5;
	_ =	sdelay $0x1  }
0x6b: {  	s31 =	rddreg [dreg:$0x13]  }
0x6c: {  	[tilespmem:s31], [sflag:$0x1] =	stream.indirect_vreg.gather [hbm4b:s0+s3], $0x80, v6, vm0, $0xb8;
	[tilespmem:$0x12600] =	vst v63  }
0x6d: {  	s1 =	rddreg [dreg:$0x14]  }
0x6e: {  	[tilespmem:s1], [sflag:$0x1] =	stream.indirect_vreg.gather [hbm4b:s0+s3], $0x80, v5, vm0, $0xb8;
	[tilespmem:$0x12600] =	vst v63  }
0x6f: {  	v5 =	vld [tilespmem:$0x70];
	_ =	sdelay $0x4  }
0x70: {  	v6 =	vshll.u32 v5, $0x1  }
0x71: {  	v5 =	vand.u32 $0x7, v5;
	v6 =	vand.u32 $0xFFFFFFF0, v6  }
0x72: {  	v5 =	vor.u32 v5, v6  }
0x73: {  	v6 =	vperm.xlane v5, v0;
	_ =	sdelay $0x1  }
0x74: {  	v5 =	vperm.xlane v5, v2;
	v6 =	vadd.s32 v1, v6;
	_ =	sdelay $0x1  }
0x75: {  	v5 =	vadd.s32 v1, v5;
	_ =	sdelay $0x1  }
0x76: {  	s29 =	rddreg [dreg:$0x15]  }
0x77: {  	[tilespmem:s29], [sflag:$0x1] =	stream.indirect_vreg.gather [hbm4b:s0+s3], $0x80, v6, vm0, $0xb8;
	[tilespmem:$0x12600] =	vst v63  }
0x78: {  	_ = 	snop  }
0x79: {  	[tilespmem:s7], [sflag:$0x1] =	stream.indirect_vreg.gather [hbm4b:s0+s3], $0x80, v5, vm0, $0xb8;
	[tilespmem:$0x12600] =	vst v63  }
0x7a: {  	v5 =	vld [tilespmem:$0x80];
	_ =	sdelay $0x4  }
0x7b: {  	v6 =	vshll.u32 v5, $0x1  }
0x7c: {  	v5 =	vand.u32 $0x7, v5;
	v6 =	vand.u32 $0xFFFFFFF0, v6  }
0x7d: {  	v5 =	vor.u32 v5, v6  }
0x7e: {  	v6 =	vperm.xlane v5, v0;
	_ =	sdelay $0x1  }
0x7f: {  	v5 =	vperm.xlane v5, v2;
	v6 =	vadd.s32 v1, v6;
	_ =	sdelay $0x1  }
0x80: {  	v5 =	vadd.s32 v1, v5;
	_ =	sdelay $0x2  }
0x81: {  	[tilespmem:s8], [sflag:$0x1] =	stream.indirect_vreg.gather [hbm4b:s0+s3], $0x80, v6, vm0, $0xb8;
	[tilespmem:$0x12600] =	vst v63  }
0x82: {  	_ = 	snop  }
0x83: {  	[tilespmem:s9], [sflag:$0x1] =	stream.indirect_vreg.gather [hbm4b:s0+s3], $0x80, v5, vm0, $0xb8;
	[tilespmem:$0x12600] =	vst v63  }
0x84: {  	v5 =	vld [tilespmem:$0x90];
	_ =	sdelay $0x4  }
0x85: {  	v6 =	vshll.u32 v5, $0x1  }
0x86: {  	v5 =	vand.u32 $0x7, v5;
	v6 =	vand.u32 $0xFFFFFFF0, v6  }
0x87: {  	v5 =	vor.u32 v5, v6  }
0x88: {  	v6 =	vperm.xlane v5, v0;
	_ =	sdelay $0x1  }
0x89: {  	v5 =	vperm.xlane v5, v2;
	v6 =	vadd.s32 v1, v6;
	_ =	sdelay $0x1  }
0x8a: {  	v5 =	vadd.s32 v1, v5;
	_ =	sdelay $0x2  }
0x8b: {  	[tilespmem:s10], [sflag:$0x1] =	stream.indirect_vreg.gather [hbm4b:s0+s3], $0x80, v6, vm0, $0xb8;
	[tilespmem:$0x12600] =	vst v63  }
0x8c: {  	_ = 	snop  }
0x8d: {  	[tilespmem:s11], [sflag:$0x1] =	stream.indirect_vreg.gather [hbm4b:s0+s3], $0x80, v5, vm0, $0xb8;
	[tilespmem:$0x12600] =	vst v63  }
0x8e: {  	v5 =	vld [tilespmem:$0xA0];
	_ =	sdelay $0x4  }
0x8f: {  	v6 =	vshll.u32 v5, $0x1  }
0x90: {  	v5 =	vand.u32 $0x7, v5;
	v6 =	vand.u32 $0xFFFFFFF0, v6  }
0x91: {  	v5 =	vor.u32 v5, v6  }
0x92: {  	v6 =	vperm.xlane v5, v0;
	_ =	sdelay $0x1  }
0x93: {  	v5 =	vperm.xlane v5, v2;
	v6 =	vadd.s32 v1, v6;
	_ =	sdelay $0x1  }
0x94: {  	v5 =	vadd.s32 v1, v5;
	_ =	sdelay $0x2  }
0x95: {  	[tilespmem:s12], [sflag:$0x1] =	stream.indirect_vreg.gather [hbm4b:s0+s3], $0x80, v6, vm0, $0xb8;
	[tilespmem:$0x12600] =	vst v63  }
0x96: {  	_ = 	snop  }
0x97: {  	[tilespmem:s13], [sflag:$0x1] =	stream.indirect_vreg.gather [hbm4b:s0+s3], $0x80, v5, vm0, $0xb8;
	[tilespmem:$0x12600] =	vst v63  }
0x98: {  	v5 =	vld [tilespmem:$0xB0];
	_ =	sdelay $0x4  }
0x99: {  	v6 =	vshll.u32 v5, $0x1  }
0x9a: {  	v5 =	vand.u32 $0x7, v5;
	v6 =	vand.u32 $0xFFFFFFF0, v6  }
0x9b: {  	v5 =	vor.u32 v5, v6  }
0x9c: {  	v6 =	vperm.xlane v5, v0;
	_ =	sdelay $0x1  }
0x9d: {  	v5 =	vperm.xlane v5, v2;
	v6 =	vadd.s32 v1, v6;
	_ =	sdelay $0x1  }
0x9e: {  	v5 =	vadd.s32 v1, v5;
	_ =	sdelay $0x2  }
0x9f: {  	[tilespmem:s14], [sflag:$0x1] =	stream.indirect_vreg.gather [hbm4b:s0+s3], $0x80, v6, vm0, $0xb8;
	[tilespmem:$0x12600] =	vst v63  }
0xa0: {  	_ = 	snop  }
0xa1: {  	[tilespmem:s15], [sflag:$0x1] =	stream.indirect_vreg.gather [hbm4b:s0+s3], $0x80, v5, vm0, $0xb8;
	[tilespmem:$0x12600] =	vst v63  }
0xa2: {  	v5 =	vld [tilespmem:$0xC0];
	_ =	sdelay $0x4  }
0xa3: {  	v6 =	vshll.u32 v5, $0x1  }
0xa4: {  	v5 =	vand.u32 $0x7, v5;
	v6 =	vand.u32 $0xFFFFFFF0, v6  }
0xa5: {  	v5 =	vor.u32 v5, v6  }
0xa6: {  	v6 =	vperm.xlane v5, v0;
	_ =	sdelay $0x1  }
0xa7: {  	v5 =	vperm.xlane v5, v2;
	v6 =	vadd.s32 v1, v6;
	_ =	sdelay $0x1  }
0xa8: {  	v5 =	vadd.s32 v1, v5;
	_ =	sdelay $0x2  }
0xa9: {  	[tilespmem:s16], [sflag:$0x1] =	stream.indirect_vreg.gather [hbm4b:s0+s3], $0x80, v6, vm0, $0xb8;
	[tilespmem:$0x12600] =	vst v63  }
0xaa: {  	_ = 	snop  }
0xab: {  	[tilespmem:s17], [sflag:$0x1] =	stream.indirect_vreg.gather [hbm4b:s0+s3], $0x80, v5, vm0, $0xb8;
	[tilespmem:$0x12600] =	vst v63  }
0xac: {  	v5 =	vld [tilespmem:$0xD0];
	_ =	sdelay $0x4  }
0xad: {  	v6 =	vshll.u32 v5, $0x1  }
0xae: {  	v5 =	vand.u32 $0x7, v5;
	v6 =	vand.u32 $0xFFFFFFF0, v6  }
0xaf: {  	v5 =	vor.u32 v5, v6  }
0xb0: {  	v6 =	vperm.xlane v5, v0;
	_ =	sdelay $0x1  }
0xb1: {  	v5 =	vperm.xlane v5, v2;
	v6 =	vadd.s32 v1, v6;
	_ =	sdelay $0x1  }
0xb2: {  	v5 =	vadd.s32 v1, v5;
	_ =	sdelay $0x2  }
0xb3: {  	[tilespmem:s18], [sflag:$0x1] =	stream.indirect_vreg.gather [hbm4b:s0+s3], $0x80, v6, vm0, $0xb8;
	[tilespmem:$0x12600] =	vst v63  }
0xb4: {  	_ = 	snop  }
0xb5: {  	[tilespmem:s19], [sflag:$0x1] =	stream.indirect_vreg.gather [hbm4b:s0+s3], $0x80, v5, vm0, $0xb8;
	[tilespmem:$0x12600] =	vst v63  }
0xb6: {  	v5 =	vld [tilespmem:$0xE0];
	_ =	sdelay $0x4  }
0xb7: {  	v6 =	vshll.u32 v5, $0x1  }
0xb8: {  	v5 =	vand.u32 $0x7, v5;
	v6 =	vand.u32 $0xFFFFFFF0, v6  }
0xb9: {  	v5 =	vor.u32 v5, v6  }
0xba: {  	v6 =	vperm.xlane v5, v0;
	_ =	sdelay $0x1  }
0xbb: {  	v5 =	vperm.xlane v5, v2;
	v6 =	vadd.s32 v1, v6;
	_ =	sdelay $0x1  }
0xbc: {  	v5 =	vadd.s32 v1, v5;
	_ =	sdelay $0x2  }
0xbd: {  	[tilespmem:s20], [sflag:$0x1] =	stream.indirect_vreg.gather [hbm4b:s0+s3], $0x80, v6, vm0, $0xb8;
	[tilespmem:$0x12600] =	vst v63  }
0xbe: {  	_ = 	snop  }
0xbf: {  	[tilespmem:s21], [sflag:$0x1] =	stream.indirect_vreg.gather [hbm4b:s0+s3], $0x80, v5, vm0, $0xb8;
	[tilespmem:$0x12600] =	vst v63  }
0xc0: {  	v5 =	vld [tilespmem:$0xF0];
	_ =	sdelay $0x4  }
0xc1: {  	v6 =	vshll.u32 v5, $0x1  }
0xc2: {  	v5 =	vand.u32 $0x7, v5;
	v6 =	vand.u32 $0xFFFFFFF0, v6  }
0xc3: {  	v5 =	vor.u32 v5, v6  }
0xc4: {  	v6 =	vperm.xlane v5, v0;
	_ =	sdelay $0x1  }
0xc5: {  	v5 =	vperm.xlane v5, v2;
	v6 =	vadd.s32 v1, v6;
	_ =	sdelay $0x1  }
0xc6: {  	v5 =	vadd.s32 v1, v5;
	_ =	sdelay $0x2  }
0xc7: {  	[tilespmem:s22], [sflag:$0x1] =	stream.indirect_vreg.gather [hbm4b:s0+s3], $0x80, v6, vm0, $0xb8;
	[tilespmem:$0x12600] =	vst v63  }
0xc8: {  	_ = 	snop  }
0xc9: {  	[tilespmem:s23], [sflag:$0x1] =	stream.indirect_vreg.gather [hbm4b:s0+s3], $0x80, v5, vm0, $0xb8;
	[tilespmem:$0x12600] =	vst v63  }
0xca: {  	[tilespmem:$0x10100] =	vst v3  }
0xcb: {  	[tilespmem:$0x10110] =	vst v3  }
0xcc: {  	[tilespmem:$0x10120] =	vst v3  }
0xcd: {  	[tilespmem:$0x10130] =	vst v3  }
0xce: {  	[tilespmem:$0x10140] =	vst v3  }
0xcf: {  	[tilespmem:$0x10150] =	vst v3  }
0xd0: {  	[tilespmem:$0x10160] =	vst v3  }
0xd1: {  	[tilespmem:$0x10170] =	vst v3  }
0xd2: {  	[tilespmem:$0x10180] =	vst v3  }
0xd3: {  	[tilespmem:$0x10190] =	vst v3  }
0xd4: {  	[tilespmem:$0x101A0] =	vst v3  }
0xd5: {  	[tilespmem:$0x101B0] =	vst v3  }
0xd6: {  	[tilespmem:$0x101C0] =	vst v3  }
0xd7: {  	[tilespmem:$0x101D0] =	vst v3  }
0xd8: {  	[tilespmem:$0x101E0] =	vst v3  }
0xd9: {  	[tilespmem:$0x101F0] =	vst v3  }
0xda: {  	[tilespmem:$0x10200] =	vst v4  }
0xdb: {  	[tilespmem:$0x10210] =	vst v4  }
0xdc: {  	[tilespmem:$0x10220] =	vst v4  }
0xdd: {  	[tilespmem:$0x10230] =	vst v4  }
0xde: {  	[tilespmem:$0x10240] =	vst v4  }
0xdf: {  	[tilespmem:$0x10250] =	vst v4  }
0xe0: {  	[tilespmem:$0x10260] =	vst v4  }
0xe1: {  	[tilespmem:$0x10270] =	vst v4  }
0xe2: {  	[tilespmem:$0x10280] =	vst v4  }
0xe3: {  	[tilespmem:$0x10290] =	vst v4  }
0xe4: {  	[tilespmem:$0x102A0] =	vst v4  }
0xe5: {  	[tilespmem:$0x102B0] =	vst v4  }
0xe6: {  	[tilespmem:$0x102C0] =	vst v4  }
0xe7: {  	[tilespmem:$0x102D0] =	vst v4  }
0xe8: {  	[tilespmem:$0x102E0] =	vst v4  }
0xe9: {  	[tilespmem:$0x102F0] =	vst v4  }
0xea: {  	[tilespmem:$0x10300] =	vst v4  }
0xeb: {  	[tilespmem:$0x10310] =	vst v4  }
0xec: {  	[tilespmem:$0x10320] =	vst v4  }
0xed: {  	[tilespmem:$0x10330] =	vst v4  }
0xee: {  	[tilespmem:$0x10340] =	vst v4  }
0xef: {  	[tilespmem:$0x10350] =	vst v4  }
0xf0: {  	[tilespmem:$0x10360] =	vst v4  }
0xf1: {  	[tilespmem:$0x10370] =	vst v4  }
0xf2: {  	[tilespmem:$0x10380] =	vst v4  }
0xf3: {  	[tilespmem:$0x10390] =	vst v4  }
0xf4: {  	[tilespmem:$0x103A0] =	vst v4  }
0xf5: {  	[tilespmem:$0x103B0] =	vst v4  }
0xf6: {  	[tilespmem:$0x103C0] =	vst v4  }
0xf7: {  	[tilespmem:$0x103D0] =	vst v4  }
0xf8: {  	[tilespmem:$0x103E0] =	vst v4  }
0xf9: {  	s30 =	rddreg [dreg:$0x5];
	[tilespmem:$0x103F0] =	vst v4  }
0xfa: {  	[spmem:s30] =	stream.linear.scatter [tilespmem:s24], [sflag:$0x2], $0x200, $0x38;
	[tilespmem:$0x12600] =	vst v63  }
0xfb: {  	_ =	swait.ge [sflag:s5], $0x200  }
0xfc: {  	[sflag:s5] =	ssyncset.done $0x0  }
0xfd: {  	[sflag:s5] =	ssyncadd.s32 $0xFFFFFE00  }
0xfe: {  	[bflag:$0x0] =	sbarrier.arrive $0xFFFF  }
0xff: {  	[spmem:s2] =	stream.indirect.scatter.add.f32 [tilespmem:s25], [sflag:$0x2], $0x1, s3, s6, $0xb8;
	[tilespmem:$0x12600] =	vst v63  }
0x100: {  	_ =	swait.ge [sflag:s5], $0x100  }
0x101: {  	[sflag:s5] =	ssyncset.done $0x0  }
0x102: {  	[sflag:s5] =	ssyncadd.s32 $0xFFFFFF00  }
0x103: {  	[bflag:$0x0] =	sbarrier.arrive $0xFFFF  }
0x104: {  	_ =	swait.ge [sflag:s26], $0x10000  }
0x105: {  	[sflag:s26] =	ssyncset.done $0x0  }
0x106: {  	s31 =	rddreg [dreg:$0x6];
	[sflag:s26] =	ssyncadd.s32 $0xFFFF0000  }
0x107: {  	[hbm4b:s31+s3] =	stream.linear.scatter [tilespmem:s6], [sflag:$0x2], $0x10000, $0x38;
	[tilespmem:$0x12600] =	vst v63  }
0x108: {  	_ =	swait.ge [sflag:s5], $0x10000  }
0x109: {  	s4 =	sadd.s32 $0xFFFFFFFF, s4;
	[sflag:s5] =	ssyncset.done $0x0  }
0x10a: {  	s28 =	simm.s32 @!p0 $0x10400;
	s29 =	simm.s32 @!p0 $0x2;
	[sflag:s5] =	ssyncadd.s32 $0xFFFF0000  }
0x10b: {  	[tilespmem:s28], [sflag:$0x2] =	stream.linear.gather @!p0 [spmem:s2], $0x2000, $0x38;
	[tilespmem:$0x12600] =	vst v63  }
0x10c: {  	p1 =	sne.s32 s4, $0x0;
	_ =	swait.ge @!p0 [sflag:s29], $0x2000  }
0x10d: {  	s1 =	simm.s32 @!p0 $0x100;
	s31 =	simm.s32 @!p0 $0x80;
	[sflag:s29] =	ssyncset.done @!p0 $0x0  }
.Ltmp0:
0x10e: {  	s30 =	rddreg [dreg:$0x7];
	[sflag:s29] =	ssyncadd.s32 @!p0 $0xFFFFE000;
	(pc) =	sbr.rel @p1 .LBB2_1-.Ltmp0, $4  }
0x10f: {  	[hbm4b:s30+s31] =	stream.strided.scatter @!p0 [tilespmem:s28], [sflag:$0x2], $0x2000, s1, s31, $0x38;
	[tilespmem:$0x12600] =	vst v63  }
0x110: {  	_ =	swait.ge @!p0 [sflag:s29], $0x2000  }
0x111: {  	[sflag:s29] =	ssyncset.done @!p0 $0x0  }
0x112: {  	[sflag:s29] =	ssyncadd.s32 @!p0 $0xFFFFE000  }
0x113: {  	_ =	sfence.sel $0x180000  }
0x114: {  	[bflag:$0x0] =	sbarrier.arrive $0xFFFF  }
0x115: {  	_ =	strace $0x9000004D  }
0x116: {  	[bflag:$0x2] =	sbarrier.arrive $0xFFFF  }
0x117: {  	s0 =	rddreg [dreg:$0x3]  }
0x118: {  	s0 =	sadd.s32 @!p0 $0x100000, s0  }
0x119: {  	[sflag:s0] =	ssyncadd.tile.s32 @!p0 $0x1;
	_ =	shalt  }
.Lfunc_end2:
_tile_overlayer_lowered:
.L_overlay_start_2:
0x11a: {  	(tag) =	ssettag $0x2  }
0x11b: {  	s0 =	rddreg [dreg:$0x0];
	s2 =	stileid.u32  }
0x11c: {  	s1 =	rddreg [dreg:$0x1];
	p0 =	sne.s32 s2, $0x0  }
0x11d: {  	s3 =	rddreg [dreg:$0x2];
	[bflag:$0x3] =	sbarrier.arrive $0xFFFF;
	s2 =	simm.s32 @!p0 $0x1C02  }
0x11e: {  	[timem:s3], [sflag:s2] =	dma.local @!p0 [hbm:s0], s1  }
0x11f: {  	s0 =	simm.s32 @!p0 $0x2  }
0x120: {  	_ =	swait.ge @!p0 [sflag:s0], s1  }
0x121: {  	s1 =	ssub.s32 @!p0 $0x0, s1;
	[sflag:s0] =	ssyncset.done @!p0 $0x0  }
0x122: {  	[sflag:s0] =	ssyncadd.s32 @!p0 s1  }
0x123: {  	[bflag:$0x3] =	sbarrier.arrive $0xFFFF  }
0x124: {  	_ =	shalt  }

// kernel: kernel.24.cloned.1.call-start
scs
__scs_entry_jumppad:
0x0: {  	(pc) =	sbr.rel $0x88, $3  }
0x1: {  	(tag) =	ssettag $0x0;
	lr =	simm.s32 $0x1  }
0x2: {  	[smem:$0x3F9F] =	sst lr;
	_ =	strace $0xD0000000  }
0x3: {  	_ = 	snop  }
0x4: {  	_ = 	snop  }
0x5: {  	_ = 	snop  }
0x6: {  	_ = 	snop  }
0x7: {  	_ = 	snop  }
__scs_overlays_trampoline_lowered:
0x8: {  	[smem:$0x3FAE] =	sst s0  }
0x9: {  	[smem:$0x3FAF] =	sst s1  }
0xa: {  	[smem:$0x3FB0] =	sst s2  }
0xb: {  	[smem:$0x3FB1] =	sst s3  }
0xc: {  	[smem:$0x3FB2] =	sst s4  }
0xd: {  	[smem:$0x3FB3] =	sst s5  }
0xe: {  	[smem:$0x3FB4] =	sst s6  }
0xf: {  	[smem:$0x3FB5] =	sst s7  }
0x10: {  	[smem:$0x3FB6] =	sst s8  }
0x11: {  	[smem:$0x3FB7] =	sst s9;
	s0 =	simm.s32 @!p0 $0x0  }
0x12: {  	s1 =	sld [smem:$0x3F9D];
	s0 =	simm.s32 @p0 $0x1  }
0x13: {  	[smem:$0x3FB8] =	sst s0;
	s0 =	simm.s32 @!p1 $0x0  }
0x14: {  	s2 =	sld [smem:$0x3F9C];
	s0 =	simm.s32 @p1 $0x1  }
0x15: {  	[smem:$0x3FB9] =	sst s0;
	s0 =	simm.s32 @!p2 $0x0  }
0x16: {  	s3 =	sld [smem:$0x3FDB];
	s0 =	simm.s32 @p2 $0x1  }
0x17: {  	s4 =	simm.s32 $0x1BF5;
	[smem:$0x3FBB] =	sst s0  }
0x18: {  	s0 =	sld [smem:$0x3F9E];
	_ =	swait.ge [sflag:s4], $0x0  }
0x19: {  	s7 =	sld [smem:$0x3F9F]  }
0x1a: {  	s8 =	sadd.s32 $0xFFFFE003, lr  }
0x1b: {  	s9 =	sadd.s32 $0xFFFFFEF7, lr;
	s5 =	simm.s32 $0xFFFFFFFF;
	p2 =	slt.u32 s8, $0xFFFFF086  }
0x1c: {  	p1 =	slt.u32 s9, $0xF7A;
	s5 =	simm.s32 @!p2 $0x0  }
0x1d: {  	s5 =	simm.s32 @p1 $0x1;
	p0 =	seq.s32 s7, s2  }
0x1e: {  	s7 =	smul.u32 @!p0 $0xF7A, s2;
	p2 =	seq.s32 @!p0 s5, $0x0  }
0x1f: {  	s9 =	smul.u32 $0xF7A, s1;
	s8 =	simm.s32 @!p0 $0x1BF5;
	p2 =	por !p2, p0  }
0x20: {  	[sflag:s8] =	ssyncset.s32 @!p0 $0xFFFFF086;
	s6 =	sadd.s32 @!p0 s3, s7;
	s7 =	simm.s32 @!p0 $0x108  }
0x21: {  	s3 =	sadd.s32 s3, s9;
	s6 =	sadd.s32 @!p0 $0x88, s6;
	s7 =	simm.s32 @p2 $0x1082  }
0x22: {  	[simem:s7], [sflag:s8] =	dma.local @!p0 [hbm:s6], $0xF7A  }
0x23: {  	s9 =	sor.u32 $0xD0000000, s2;
	s6 =	simm.s32 $0x108;
	_ =	swait.ge @!p0 [sflag:s8], $0x0  }
0x24: {  	s3 =	sadd.s32 $0x88, s3;
	s6 =	simm.s32 @!p1 $0x1082;
	[sflag:s4] =	ssyncset.s32 $0xFFFFF086  }
0x25: {  	[simem:s6], [sflag:s4] =	dma.local [hbm:s3], $0xF7A  }
0x26: {  	[smem:$0x3F9F] =	sst s1;
	(tag) =	ssettag s2;
	_ =	strace s9  }
0x27: {  	s1 =	sld [smem:$0x3FAF]  }
0x28: {  	s2 =	sld [smem:$0x3FB0]  }
0x29: {  	s4 =	sld [smem:$0x3FB2]  }
0x2a: {  	p0 =	seq.s32 s5, $0x0;
	s5 =	sld [smem:$0x3FB3]  }
0x2b: {  	s6 =	sld [smem:$0x3FB4]  }
0x2c: {  	s7 =	sld [smem:$0x3FB5]  }
0x2d: {  	s3 =	simm.s32 $0x108;
	s8 =	sld [smem:$0x3FB6]  }
0x2e: {  	s3 =	simm.s32 @!p0 $0x1082;
	s9 =	sld [smem:$0x3FB7]  }
0x2f: {  	lr =	sadd.s32 s0, s3;
	s0 =	sld [smem:$0x3FAE]  }
0x30: {  	s3 =	sld [smem:$0x3FB1]  }
0x31: {  	[smem:$0x3FBA] =	sst s10  }
0x32: {  	s10 =	sld [smem:$0x3FB8];
	_ =	sdelay $0x3  }
0x33: {  	p0 =	seq.s32 s10, $0x1;
	s10 =	sld [smem:$0x3FBA];
	_ =	sdelay $0x3  }
0x34: {  	[smem:$0x3FBA] =	sst s10  }
0x35: {  	s10 =	sld [smem:$0x3FB9];
	_ =	sdelay $0x3  }
0x36: {  	p1 =	seq.s32 s10, $0x1;
	s10 =	sld [smem:$0x3FBA];
	_ =	sdelay $0x3  }
0x37: {  	[smem:$0x3FBA] =	sst s10  }
0x38: {  	s10 =	sld [smem:$0x3FBB]  }
0x39: {  	_ = 	snop;
	(pc) =	sbr.ind lr, $3  }
0x3a: {  	_ = 	snop  }
0x3b: {  	_ = 	snop  }
0x3c: {  	p2 =	seq.s32 s10, $0x1;
	s10 =	sld [smem:$0x3FBA]  }
0x3d: {  	_ =	shalt  }
0x3e: {  	_ =	shalt  }
0x3f: {  	_ =	shalt  }
0x40: {  	_ =	shalt  }
0x41: {  	_ =	shalt  }
0x42: {  	_ =	shalt  }
0x43: {  	_ =	shalt  }
0x44: {  	_ =	shalt  }
0x45: {  	_ =	shalt  }
0x46: {  	_ =	shalt  }
0x47: {  	_ =	shalt  }
0x48: {  	_ =	shalt  }
0x49: {  	_ =	shalt  }
0x4a: {  	_ =	shalt  }
0x4b: {  	_ =	shalt  }
0x4c: {  	_ =	shalt  }
0x4d: {  	_ =	shalt  }
0x4e: {  	_ =	shalt  }
0x4f: {  	_ =	shalt  }
0x50: {  	_ =	shalt  }
0x51: {  	_ =	shalt  }
0x52: {  	_ =	shalt  }
0x53: {  	_ =	shalt  }
0x54: {  	_ =	shalt  }
0x55: {  	_ =	shalt  }
0x56: {  	_ =	shalt  }
0x57: {  	_ =	shalt  }
0x58: {  	_ =	shalt  }
0x59: {  	_ =	shalt  }
0x5a: {  	_ =	shalt  }
0x5b: {  	_ =	shalt  }
0x5c: {  	_ =	shalt  }
0x5d: {  	_ =	shalt  }
0x5e: {  	_ =	shalt  }
0x5f: {  	_ =	shalt  }
0x60: {  	_ =	shalt  }
0x61: {  	_ =	shalt  }
0x62: {  	_ =	shalt  }
0x63: {  	_ =	shalt  }
0x64: {  	_ =	shalt  }
0x65: {  	_ =	shalt  }
0x66: {  	_ =	shalt  }
0x67: {  	_ =	shalt  }
0x68: {  	_ =	shalt  }
0x69: {  	_ =	shalt  }
0x6a: {  	_ =	shalt  }
0x6b: {  	_ =	shalt  }
0x6c: {  	_ =	shalt  }
0x6d: {  	_ =	shalt  }
0x6e: {  	_ =	shalt  }
0x6f: {  	_ =	shalt  }
0x70: {  	_ =	shalt  }
0x71: {  	_ =	shalt  }
0x72: {  	_ =	shalt  }
0x73: {  	_ =	shalt  }
0x74: {  	_ =	shalt  }
0x75: {  	_ =	shalt  }
0x76: {  	_ =	shalt  }
0x77: {  	_ =	shalt  }
0x78: {  	_ =	shalt  }
0x79: {  	_ =	shalt  }
0x7a: {  	_ =	shalt  }
0x7b: {  	_ =	shalt  }
0x7c: {  	_ =	shalt  }
0x7d: {  	_ =	shalt  }
0x7e: {  	_ =	shalt  }
0x7f: {  	_ =	shalt  }
0x80: {  	_ =	shalt  }
0x81: {  	_ =	shalt  }
0x82: {  	_ =	shalt  }
0x83: {  	_ =	shalt  }
0x84: {  	_ =	shalt  }
0x85: {  	_ =	shalt  }
0x86: {  	_ =	shalt  }
0x87: {  	_ =	shalt  }
.Lfunc_end0:
.L_simem_size_0:
called_computation.3_lowered:
.L_overlay_start_0:
0x88: {  	s2 =	sld [smem:$0x3FD9]  }
0x89: {  	s3 =	sld [smem:$0x3FFE];
	_ =	sdelay $0x1  }
0x8a: {  	s1 =	srdreg.scid  }
0x8b: {  	s0 =	sand.u32 $0x1, s1  }
0x8c: {  	s14 =	sshll.u32 s0, $0xA;
	s2 =	sadd.s32 s3, s2  }
0x8d: {  	s2 =	sadd.s32 s2, s14  }
0x8e: {  	[smem:$0x3FC6] =	sst s2  }
0x8f: {  	_ = 	snop  }
0x90: {  	s2 =	sld [smem:$0x3FD0];
	_ =	sdelay $0x2  }
0x91: {  	s15 =	simm.s32 $0xA;
	s4 =	simm.s32 $0x10  }
0x92: {  	[smem:s4], [sflag:s15] =	dma.local [hbm:s2], $0x1  }
0x93: {  	_ =	swait.eq [sflag:s15], $0x1  }
0x94: {  	[sflag:s15] =	ssyncset.done $0x0  }
0x95: {  	[sflag:s15] =	ssyncadd.s32 $0xFFFFFFFF  }
0x96: {  	s16 =	sld [smem:$0x10];
	(tm) =	ssettm $0x1  }
0x97: {  	s17 =	sld [smem:$0x3FFB];
	_ =	sdelay $0x3  }
0x98: {  	_ =	strace s17  }
0x99: {  	s3 =	sld [smem:$0x3FFC];
	_ =	sdelay $0x3  }
0x9a: {  	_ =	strace s3  }
0x9b: {  	s3 =	sld [smem:$0x3FFD];
	_ =	sdelay $0x3  }
0x9c: {  	_ =	strace s3  }
0x9d: {  	_ =	strace $0x8FFFFFFF  }
0x9e: {  	s18 =	sld [smem:$0x3FDB];
	_ =	sdelay $0x1  }
0x9f: {  	s19 =	simm.s32 $_scs_section_size  }
0xa0: {  	s5 =	simm.s32 $_size__tile_overlayer_lowered;
	s6 =	simm.s32 $_tile_overlayer_lowered  }
0xa1: {  	s22 =	simm.s32 $0x1BFF;
	s21 =	sshll.u32 s6, $0x1;
	s3 =	sadd.s32 s19, s18  }
0xa2: {  	s7 =	simm.s32 $0x0;
	s20 =	sshll.u32 s5, $0x1;
	s5 =	sadd.s32 s21, s3  }
0xa3: {  	[timem:s7], [sflag:s22] =	dma.local [hbm:s5], s20  }
0xa4: {  	_ =	swait.ge [sflag:s22], s20  }
0xa5: {  	s4 =	ssub.s32 $0x0, s20;
	[sflag:s22] =	ssyncset.done $0x0  }
0xa6: {  	[sflag:s22] =	ssyncadd.s32 s4;
	_ =	sdelay $0x1  }
0xa7: {  	s23 =	simm.s32 $0x1B8B  }
0xa8: {  	_ =	swait.ge [sflag:s23], $0x1  }
0xa9: {  	[sflag:s23] =	ssyncset.done $0x0  }
0xaa: {  	s25 =	simm.s32 $0x1B8E;
	s24 =	sld [smem:$0x3FFE];
	[sflag:s23] =	ssyncadd.s32 $0xFFFFFFFF  }
0xab: {  	s26 =	simm.s32 $execute0_lowered;
	[smem:$0x3FD2] =	sst s25  }
0xac: {  	s5 =	sshll.u32 s26, $0x1;
	_ =	strace $0x8000004F;
	[dreg:$0x1] =	wrdreg $0xFFFFFFFF  }
0xad: {  	s28 =	simm.s32 $_size_execute0_lowered;
	s3 =	sadd.s32 s3, s5;
	[dreg:$0x0] =	wrdreg $0x0  }
0xae: {  	s5 =	sshll.u32 s28, $0x1;
	[dreg:$0x2] =	wrdreg s3  }
0xaf: {  	[dreg:$0x3] =	wrdreg s5  }
0xb0: {  	[dreg:$0x4] =	wrdreg $0xC0  }
0xb1: {  	_ =	task [dreg:s7], $0x5FFFF  }
0xb2: {  	[dreg:$0x1] =	wrdreg $0xFFFFFFFF  }
0xb3: {  	[dreg:$0x0] =	wrdreg $0x60  }
0xb4: {  	[dreg:$0x2] =	wrdreg s16  }
0xb5: {  	[dreg:$0x3] =	wrdreg s24  }
0xb6: {  	[dreg:$0x4] =	wrdreg $0x124000  }
0xb7: {  	[dreg:$0x5] =	wrdreg $0x9  }
0xb8: {  	_ =	task.clear_ibuf [dreg:s7], $0x6FFFF;
	_ =	strace $0x9000004F  }
0xb9: {  	s29 =	simm.s32 $0x9;
	_ =	strace $0x80000051  }
0xba: {  	_ =	swait.ge [sflag:s29], $0x1  }
0xbb: {  	[sflag:s29] =	ssyncadd.s32 $0xFFFFFFFF  }
0xbc: {  	_ =	strace $0x90000051  }
0xbd: {  	_ =	sfence  }
0xbe: {  	s30 =	sld [smem:$0x0];
	_ =	sdelay $0x2  }
0xbf: {  	s31 =	sshll.u32 s1, $0xD;
	s1 =	sshrl.u32 s1, $0x2  }
0xc0: {  	s3 =	sand.u32 $0x4000, s31;
	s1 =	sadd.s32 s1, s30  }
0xc1: {  	s0 =	sor.u32 s3, s0;
	s1 =	sshll.u32 s1, $0x11  }
0xc2: {  	s0 =	sor.u32 s1, s0  }
0xc3: {  	s0 =	sadd.s32 $0x8F2B, s0  }
0xc4: {  	[sflag:s0] =	ssyncadd.remote.s32 $0x1  }
0xc5: {  	_ =	sfence.sel $0xFFFF  }
0xc6: {  	[dreg:$0x0] =	wrdreg $0xFFFFFFFF;
	(pc) =	sbr.abs _section_cstart, $3  }
0xc7: {  	[dreg:$0x1] =	wrdreg $0xFFFFFFFF  }
0xc8: {  	_ =	task.clear_ibuf [dreg:s7], $0x2FFFF;
	_ =	strace $0x9FFFFFFF  }
0xc9: {  	(tm) =	ssettm $0x7FFFFFFF  }
tec
execute0_lowered:
.L_overlay_start_1:
0x0: {  	(tag) =	ssettag $0x1  }
0x1: {  	s0 =	rddreg [dreg:$0x0]  }
0x2: {  	s6 =	rddreg [dreg:$0x1]  }
0x3: {  	s2 =	rddreg [dreg:$0x2];
	s3 =	simm.s32 $0x0  }
0x4: {  	s16 =	simm.s32 $0x900;
	[smem:$0x7FF] =	sst s3  }
0x5: {  	s17 =	simm.s32 $0x1100;
	_ =	strace $0x80000050;
	[dreg:$0x8] =	wrdreg s16  }
0x6: {  	s1 =	srdreg.scid;
	s18 =	simm.s32 $0x1900;
	[dreg:$0x9] =	wrdreg s17  }
0x7: {  	s5 =	stileid.u32;
	s19 =	simm.s32 $0x2100;
	[dreg:$0xa] =	wrdreg s18  }
0x8: {  	s20 =	simm.s32 $0x2900;
	s21 =	simm.s32 $0x3100;
	[dreg:$0xb] =	wrdreg s19  }
0x9: {  	s22 =	simm.s32 $0x3900;
	s23 =	simm.s32 $0x4100;
	[dreg:$0xc] =	wrdreg s20  }
0xa: {  	s25 =	simm.s32 $0x4900;
	s26 =	simm.s32 $0x5100;
	[dreg:$0xd] =	wrdreg s21  }
0xb: {  	s28 =	simm.s32 $0x5900;
	s29 =	simm.s32 $0x6100;
	[dreg:$0xe] =	wrdreg s22  }
0xc: {  	s30 =	simm.s32 $0x6900;
	s31 =	simm.s32 $0x7100;
	[dreg:$0xf] =	wrdreg s23  }
0xd: {  	s11 =	simm.s32 $0x9900;
	s12 =	simm.s32 $0xA100;
	[dreg:$0x10] =	wrdreg s25  }
0xe: {  	s13 =	simm.s32 $0xA900;
	s14 =	simm.s32 $0xB100;
	[dreg:$0x11] =	wrdreg s26  }
0xf: {  	s4 =	sand.u32 $0x1, s1;
	s7 =	sshll.u32 s5, $0x9;
	[dreg:$0x12] =	wrdreg s28  }
0x10: {  	p0 =	sne.s32 s5, $0x0;
	s5 =	simm.s32 $0x2;
	[dreg:$0x13] =	wrdreg s29  }
0x11: {  	s1 =	sshll.u32 s4, $0x8;
	s10 =	sshll.u32 s4, $0x4;
	[dreg:$0x14] =	wrdreg s30  }
0x12: {  	s4 =	ssub.s32 $0x2, s4;
	[dreg:$0x15] =	wrdreg s31;
	s16 =	simm.s32 $0xC100  }
0x13: {  	s17 =	simm.s32 $0xC900;
	s18 =	simm.s32 $0xD100;
	s19 =	simm.s32 $0xD900  }
0x14: {  	s20 =	simm.s32 $0xE100;
	s21 =	simm.s32 $0xE900;
	s22 =	simm.s32 $0xF100  }
0x15: {  	s23 =	simm.s32 $0xF900;
	s25 =	simm.s32 $0x10100;
	s26 =	simm.s32 $0x1  }
0x16: {  	s8 =	sor.u32 s1, s7;
	s7 =	sadd.s32 s7, s2;
	s24 =	sshrl.u32 s4, $0x1  }
0x17: {  	s9 =	sshrl.u32 s8, $0x3;
	s8 =	sshll.u32 s8, $0x5;
	[dreg:$0x5] =	wrdreg s7  }
0x18: {  	s4 =	ssub.s32 s4, s24;
	s7 =	simm.s32 $0x7900;
	s9 =	sadd.s32 s9, s6  }
0x19: {  	s24 =	simm.s32 $0x10200;
	s8 =	sadd.s32 s8, s6;
	s9 =	sadd.s32 $0x101200, s9  }
0x1a: {  	s6 =	sadd.s32 s10, s6;
	s15 =	sadd.s32 $0x80800, s8;
	[dreg:$0x4] =	wrdreg s9  }
0x1b: {  	v2 =	vlaneseq.u32;
	vm0 =	vmmov $0xffff;
	s4 =	smax.u32 s4, $0x1;
	s6 =	sadd.s32 $0x101600, s6;
	[dreg:$0x6] =	wrdreg s15  }
0x1c: {  	v3 =	vimm.f32 $1.000000000e+00;
	v4 =	vimm.f32 $0.0e+00;
	v1 =	vshrl.u32 v2, $0x3;
	s10 =	simm.s32 $0x9100;
	s8 =	simm.s32 $0x8100;
	[dreg:$0x7] =	wrdreg s6  }
0x1d: {  	v0 =	vand.u32 $0x7, v2;
	v2 =	vor.u32 $0x8, v2;
	v1 =	vmul.u32 $0x8, v1;
	s6 =	simm.s32 $0x100;
	s9 =	simm.s32 $0x8900;
	s15 =	simm.s32 $0xB900  }
.LBB2_1:
0x1e: {  	s28 =	rddreg [dreg:$0x4]  }
0x1f: {  	[tilespmem:s3], [sflag:$0x2] =	stream.linear.gather [hbm4b:s28+s3], $0x100, $0x38;
	[tilespmem:$0x12600] =	vst v63  }
0x20: {  	_ =	swait.ge [sflag:s5], $0x100  }
0x21: {  	[sflag:s5] =	ssyncset.done $0x0  }
0x22: {  	[sflag:s5] =	ssyncadd.s32 $0xFFFFFF00  }
0x23: {  	v5 =	vld [tilespmem:$0x0];
	_ =	sdelay $0x4  }
0x24: {  	v6 =	vshll.u32 v5, $0x1  }
0x25: {  	v5 =	vand.u32 $0x7, v5;
	v6 =	vand.u32 $0xFFFFFFF0, v6  }
0x26: {  	v5 =	vor.u32 v5, v6  }
0x27: {  	v6 =	vperm.xlane v5, v0;
	_ =	sdelay $0x1  }
0x28: {  	v5 =	vperm.xlane v5, v2;
	v6 =	vadd.s32 v1, v6;
	_ =	sdelay $0x1  }
0x29: {  	v5 =	vadd.s32 v1, v5;
	_ =	sdelay $0x2  }
0x2a: {  	[tilespmem:s6], [sflag:$0x1] =	stream.indirect_vreg.gather [hbm4b:s0+s3], $0x80, v6, vm0, $0xb8;
	[tilespmem:$0x12600] =	vst v63  }
0x2b: {  	s30 =	rddreg [dreg:$0x8]  }
0x2c: {  	[tilespmem:s30], [sflag:$0x1] =	stream.indirect_vreg.gather [hbm4b:s0+s3], $0x80, v5, vm0, $0xb8;
	[tilespmem:$0x12600] =	vst v63  }
0x2d: {  	v5 =	vld [tilespmem:$0x10];
	_ =	sdelay $0x4  }
0x2e: {  	v6 =	vshll.u32 v5, $0x1  }
0x2f: {  	v5 =	vand.u32 $0x7, v5;
	v6 =	vand.u32 $0xFFFFFFF0, v6  }
0x30: {  	v5 =	vor.u32 v5, v6  }
0x31: {  	v6 =	vperm.xlane v5, v0;
	_ =	sdelay $0x1  }
0x32: {  	v5 =	vperm.xlane v5, v2;
	v6 =	vadd.s32 v1, v6;
	_ =	sdelay $0x1  }
0x33: {  	v5 =	vadd.s32 v1, v5;
	_ =	sdelay $0x1  }
0x34: {  	s31 =	rddreg [dreg:$0x9]  }
0x35: {  	[tilespmem:s31], [sflag:$0x1] =	stream.indirect_vreg.gather [hbm4b:s0+s3], $0x80, v6, vm0, $0xb8;
	[tilespmem:$0x12600] =	vst v63  }
0x36: {  	s29 =	rddreg [dreg:$0xa]  }
0x37: {  	[tilespmem:s29], [sflag:$0x1] =	stream.indirect_vreg.gather [hbm4b:s0+s3], $0x80, v5, vm0, $0xb8;
	[tilespmem:$0x12600] =	vst v63  }
0x38: {  	v5 =	vld [tilespmem:$0x20];
	_ =	sdelay $0x4  }
0x39: {  	v6 =	vshll.u32 v5, $0x1  }
0x3a: {  	v5 =	vand.u32 $0x7, v5;
	v6 =	vand.u32 $0xFFFFFFF0, v6  }
0x3b: {  	v5 =	vor.u32 v5, v6  }
0x3c: {  	v6 =	vperm.xlane v5, v0;
	_ =	sdelay $0x1  }
0x3d: {  	v5 =	vperm.xlane v5, v2;
	v6 =	vadd.s32 v1, v6;
	_ =	sdelay $0x1  }
0x3e: {  	v5 =	vadd.s32 v1, v5;
	_ =	sdelay $0x1  }
0x3f: {  	s1 =	rddreg [dreg:$0xb]  }
0x40: {  	[tilespmem:s1], [sflag:$0x1] =	stream.indirect_vreg.gather [hbm4b:s0+s3], $0x80, v6, vm0, $0xb8;
	[tilespmem:$0x12600] =	vst v63  }
0x41: {  	s30 =	rddreg [dreg:$0xc]  }
0x42: {  	[tilespmem:s30], [sflag:$0x1] =	stream.indirect_vreg.gather [hbm4b:s0+s3], $0x80, v5, vm0, $0xb8;
	[tilespmem:$0x12600] =	vst v63  }
0x43: {  	v5 =	vld [tilespmem:$0x30];
	_ =	sdelay $0x4  }
0x44: {  	v6 =	vshll.u32 v5, $0x1  }
0x45: {  	v5 =	vand.u32 $0x7, v5;
	v6 =	vand.u32 $0xFFFFFFF0, v6  }
0x46: {  	v5 =	vor.u32 v5, v6  }
0x47: {  	v6 =	vperm.xlane v5, v0;
	_ =	sdelay $0x1  }
0x48: {  	v5 =	vperm.xlane v5, v2;
	v6 =	vadd.s32 v1, v6;
	_ =	sdelay $0x1  }
0x49: {  	v5 =	vadd.s32 v1, v5;
	_ =	sdelay $0x1  }
0x4a: {  	s31 =	rddreg [dreg:$0xd]  }
0x4b: {  	[tilespmem:s31], [sflag:$0x1] =	stream.indirect_vreg.gather [hbm4b:s0+s3], $0x80, v6, vm0, $0xb8;
	[tilespmem:$0x12600] =	vst v63  }
0x4c: {  	s1 =	rddreg [dreg:$0xe]  }
0x4d: {  	[tilespmem:s1], [sflag:$0x1] =	stream.indirect_vreg.gather [hbm4b:s0+s3], $0x80, v5, vm0, $0xb8;
	[tilespmem:$0x12600] =	vst v63  }
0x4e: {  	v5 =	vld [tilespmem:$0x40];
	_ =	sdelay $0x4  }
0x4f: {  	v6 =	vshll.u32 v5, $0x1  }
0x50: {  	v5 =	vand.u32 $0x7, v5;
	v6 =	vand.u32 $0xFFFFFFF0, v6  }
0x51: {  	v5 =	vor.u32 v5, v6  }
0x52: {  	v6 =	vperm.xlane v5, v0;
	_ =	sdelay $0x1  }
0x53: {  	v5 =	vperm.xlane v5, v2;
	v6 =	vadd.s32 v1, v6;
	_ =	sdelay $0x1  }
0x54: {  	v5 =	vadd.s32 v1, v5;
	_ =	sdelay $0x1  }
0x55: {  	s30 =	rddreg [dreg:$0xf]  }
0x56: {  	[tilespmem:s30], [sflag:$0x1] =	stream.indirect_vreg.gather [hbm4b:s0+s3], $0x80, v6, vm0, $0xb8;
	[tilespmem:$0x12600] =	vst v63  }
0x57: {  	s31 =	rddreg [dreg:$0x10]  }
0x58: {  	[tilespmem:s31], [sflag:$0x1] =	stream.indirect_vreg.gather [hbm4b:s0+s3], $0x80, v5, vm0, $0xb8;
	[tilespmem:$0x12600] =	vst v63  }
0x59: {  	v5 =	vld [tilespmem:$0x50];
	_ =	sdelay $0x4  }
0x5a: {  	v6 =	vshll.u32 v5, $0x1  }
0x5b: {  	v5 =	vand.u32 $0x7, v5;
	v6 =	vand.u32 $0xFFFFFFF0, v6  }
0x5c: {  	v5 =	vor.u32 v5, v6  }
0x5d: {  	v6 =	vperm.xlane v5, v0;
	_ =	sdelay $0x1  }
0x5e: {  	v5 =	vperm.xlane v5, v2;
	v6 =	vadd.s32 v1, v6;
	_ =	sdelay $0x1  }
0x5f: {  	v5 =	vadd.s32 v1, v5;
	_ =	sdelay $0x1  }
0x60: {  	s1 =	rddreg [dreg:$0x11]  }
0x61: {  	[tilespmem:s1], [sflag:$0x1] =	stream.indirect_vreg.gather [hbm4b:s0+s3], $0x80, v6, vm0, $0xb8;
	[tilespmem:$0x12600] =	vst v63  }
0x62: {  	s30 =	rddreg [dreg:$0x12]  }
0x63: {  	[tilespmem:s30], [sflag:$0x1] =	stream.indirect_vreg.gather [hbm4b:s0+s3], $0x80, v5, vm0, $0xb8;
	[tilespmem:$0x12600] =	vst v63  }
0x64: {  	v5 =	vld [tilespmem:$0x60];
	_ =	sdelay $0x4  }
0x65: {  	v6 =	vshll.u32 v5, $0x1  }
0x66: {  	v5 =	vand.u32 $0x7, v5;
	v6 =	vand.u32 $0xFFFFFFF0, v6  }
0x67: {  	v5 =	vor.u32 v5, v6  }
0x68: {  	v6 =	vperm.xlane v5, v0;
	_ =	sdelay $0x1  }
0x69: {  	v5 =	vperm.xlane v5, v2;
	v6 =	vadd.s32 v1, v6;
	_ =	sdelay $0x1  }
0x6a: {  	v5 =	vadd.s32 v1, v5;
	_ =	sdelay $0x1  }
0x6b: {  	s31 =	rddreg [dreg:$0x13]  }
0x6c: {  	[tilespmem:s31], [sflag:$0x1] =	stream.indirect_vreg.gather [hbm4b:s0+s3], $0x80, v6, vm0, $0xb8;
	[tilespmem:$0x12600] =	vst v63  }
0x6d: {  	s1 =	rddreg [dreg:$0x14]  }
0x6e: {  	[tilespmem:s1], [sflag:$0x1] =	stream.indirect_vreg.gather [hbm4b:s0+s3], $0x80, v5, vm0, $0xb8;
	[tilespmem:$0x12600] =	vst v63  }
0x6f: {  	v5 =	vld [tilespmem:$0x70];
	_ =	sdelay $0x4  }
0x70: {  	v6 =	vshll.u32 v5, $0x1  }
0x71: {  	v5 =	vand.u32 $0x7, v5;
	v6 =	vand.u32 $0xFFFFFFF0, v6  }
0x72: {  	v5 =	vor.u32 v5, v6  }
0x73: {  	v6 =	vperm.xlane v5, v0;
	_ =	sdelay $0x1  }
0x74: {  	v5 =	vperm.xlane v5, v2;
	v6 =	vadd.s32 v1, v6;
	_ =	sdelay $0x1  }
0x75: {  	v5 =	vadd.s32 v1, v5;
	_ =	sdelay $0x1  }
0x76: {  	s29 =	rddreg [dreg:$0x15]  }
0x77: {  	[tilespmem:s29], [sflag:$0x1] =	stream.indirect_vreg.gather [hbm4b:s0+s3], $0x80, v6, vm0, $0xb8;
	[tilespmem:$0x12600] =	vst v63  }
0x78: {  	_ = 	snop  }
0x79: {  	[tilespmem:s7], [sflag:$0x1] =	stream.indirect_vreg.gather [hbm4b:s0+s3], $0x80, v5, vm0, $0xb8;
	[tilespmem:$0x12600] =	vst v63  }
0x7a: {  	v5 =	vld [tilespmem:$0x80];
	_ =	sdelay $0x4  }
0x7b: {  	v6 =	vshll.u32 v5, $0x1  }
0x7c: {  	v5 =	vand.u32 $0x7, v5;
	v6 =	vand.u32 $0xFFFFFFF0, v6  }
0x7d: {  	v5 =	vor.u32 v5, v6  }
0x7e: {  	v6 =	vperm.xlane v5, v0;
	_ =	sdelay $0x1  }
0x7f: {  	v5 =	vperm.xlane v5, v2;
	v6 =	vadd.s32 v1, v6;
	_ =	sdelay $0x1  }
0x80: {  	v5 =	vadd.s32 v1, v5;
	_ =	sdelay $0x2  }
0x81: {  	[tilespmem:s8], [sflag:$0x1] =	stream.indirect_vreg.gather [hbm4b:s0+s3], $0x80, v6, vm0, $0xb8;
	[tilespmem:$0x12600] =	vst v63  }
0x82: {  	_ = 	snop  }
0x83: {  	[tilespmem:s9], [sflag:$0x1] =	stream.indirect_vreg.gather [hbm4b:s0+s3], $0x80, v5, vm0, $0xb8;
	[tilespmem:$0x12600] =	vst v63  }
0x84: {  	v5 =	vld [tilespmem:$0x90];
	_ =	sdelay $0x4  }
0x85: {  	v6 =	vshll.u32 v5, $0x1  }
0x86: {  	v5 =	vand.u32 $0x7, v5;
	v6 =	vand.u32 $0xFFFFFFF0, v6  }
0x87: {  	v5 =	vor.u32 v5, v6  }
0x88: {  	v6 =	vperm.xlane v5, v0;
	_ =	sdelay $0x1  }
0x89: {  	v5 =	vperm.xlane v5, v2;
	v6 =	vadd.s32 v1, v6;
	_ =	sdelay $0x1  }
0x8a: {  	v5 =	vadd.s32 v1, v5;
	_ =	sdelay $0x2  }
0x8b: {  	[tilespmem:s10], [sflag:$0x1] =	stream.indirect_vreg.gather [hbm4b:s0+s3], $0x80, v6, vm0, $0xb8;
	[tilespmem:$0x12600] =	vst v63  }
0x8c: {  	_ = 	snop  }
0x8d: {  	[tilespmem:s11], [sflag:$0x1] =	stream.indirect_vreg.gather [hbm4b:s0+s3], $0x80, v5, vm0, $0xb8;
	[tilespmem:$0x12600] =	vst v63  }
0x8e: {  	v5 =	vld [tilespmem:$0xA0];
	_ =	sdelay $0x4  }
0x8f: {  	v6 =	vshll.u32 v5, $0x1  }
0x90: {  	v5 =	vand.u32 $0x7, v5;
	v6 =	vand.u32 $0xFFFFFFF0, v6  }
0x91: {  	v5 =	vor.u32 v5, v6  }
0x92: {  	v6 =	vperm.xlane v5, v0;
	_ =	sdelay $0x1  }
0x93: {  	v5 =	vperm.xlane v5, v2;
	v6 =	vadd.s32 v1, v6;
	_ =	sdelay $0x1  }
0x94: {  	v5 =	vadd.s32 v1, v5;
	_ =	sdelay $0x2  }
0x95: {  	[tilespmem:s12], [sflag:$0x1] =	stream.indirect_vreg.gather [hbm4b:s0+s3], $0x80, v6, vm0, $0xb8;
	[tilespmem:$0x12600] =	vst v63  }
0x96: {  	_ = 	snop  }
0x97: {  	[tilespmem:s13], [sflag:$0x1] =	stream.indirect_vreg.gather [hbm4b:s0+s3], $0x80, v5, vm0, $0xb8;
	[tilespmem:$0x12600] =	vst v63  }
0x98: {  	v5 =	vld [tilespmem:$0xB0];
	_ =	sdelay $0x4  }
0x99: {  	v6 =	vshll.u32 v5, $0x1  }
0x9a: {  	v5 =	vand.u32 $0x7, v5;
	v6 =	vand.u32 $0xFFFFFFF0, v6  }
0x9b: {  	v5 =	vor.u32 v5, v6  }
0x9c: {  	v6 =	vperm.xlane v5, v0;
	_ =	sdelay $0x1  }
0x9d: {  	v5 =	vperm.xlane v5, v2;
	v6 =	vadd.s32 v1, v6;
	_ =	sdelay $0x1  }
0x9e: {  	v5 =	vadd.s32 v1, v5;
	_ =	sdelay $0x2  }
0x9f: {  	[tilespmem:s14], [sflag:$0x1] =	stream.indirect_vreg.gather [hbm4b:s0+s3], $0x80, v6, vm0, $0xb8;
	[tilespmem:$0x12600] =	vst v63  }
0xa0: {  	_ = 	snop  }
0xa1: {  	[tilespmem:s15], [sflag:$0x1] =	stream.indirect_vreg.gather [hbm4b:s0+s3], $0x80, v5, vm0, $0xb8;
	[tilespmem:$0x12600] =	vst v63  }
0xa2: {  	v5 =	vld [tilespmem:$0xC0];
	_ =	sdelay $0x4  }
0xa3: {  	v6 =	vshll.u32 v5, $0x1  }
0xa4: {  	v5 =	vand.u32 $0x7, v5;
	v6 =	vand.u32 $0xFFFFFFF0, v6  }
0xa5: {  	v5 =	vor.u32 v5, v6  }
0xa6: {  	v6 =	vperm.xlane v5, v0;
	_ =	sdelay $0x1  }
0xa7: {  	v5 =	vperm.xlane v5, v2;
	v6 =	vadd.s32 v1, v6;
	_ =	sdelay $0x1  }
0xa8: {  	v5 =	vadd.s32 v1, v5;
	_ =	sdelay $0x2  }
0xa9: {  	[tilespmem:s16], [sflag:$0x1] =	stream.indirect_vreg.gather [hbm4b:s0+s3], $0x80, v6, vm0, $0xb8;
	[tilespmem:$0x12600] =	vst v63  }
0xaa: {  	_ = 	snop  }
0xab: {  	[tilespmem:s17], [sflag:$0x1] =	stream.indirect_vreg.gather [hbm4b:s0+s3], $0x80, v5, vm0, $0xb8;
	[tilespmem:$0x12600] =	vst v63  }
0xac: {  	v5 =	vld [tilespmem:$0xD0];
	_ =	sdelay $0x4  }
0xad: {  	v6 =	vshll.u32 v5, $0x1  }
0xae: {  	v5 =	vand.u32 $0x7, v5;
	v6 =	vand.u32 $0xFFFFFFF0, v6  }
0xaf: {  	v5 =	vor.u32 v5, v6  }
0xb0: {  	v6 =	vperm.xlane v5, v0;
	_ =	sdelay $0x1  }
0xb1: {  	v5 =	vperm.xlane v5, v2;
	v6 =	vadd.s32 v1, v6;
	_ =	sdelay $0x1  }
0xb2: {  	v5 =	vadd.s32 v1, v5;
	_ =	sdelay $0x2  }
0xb3: {  	[tilespmem:s18], [sflag:$0x1] =	stream.indirect_vreg.gather [hbm4b:s0+s3], $0x80, v6, vm0, $0xb8;
	[tilespmem:$0x12600] =	vst v63  }
0xb4: {  	_ = 	snop  }
0xb5: {  	[tilespmem:s19], [sflag:$0x1] =	stream.indirect_vreg.gather [hbm4b:s0+s3], $0x80, v5, vm0, $0xb8;
	[tilespmem:$0x12600] =	vst v63  }
0xb6: {  	v5 =	vld [tilespmem:$0xE0];
	_ =	sdelay $0x4  }
0xb7: {  	v6 =	vshll.u32 v5, $0x1  }
0xb8: {  	v5 =	vand.u32 $0x7, v5;
	v6 =	vand.u32 $0xFFFFFFF0, v6  }
0xb9: {  	v5 =	vor.u32 v5, v6  }
0xba: {  	v6 =	vperm.xlane v5, v0;
	_ =	sdelay $0x1  }
0xbb: {  	v5 =	vperm.xlane v5, v2;
	v6 =	vadd.s32 v1, v6;
	_ =	sdelay $0x1  }
0xbc: {  	v5 =	vadd.s32 v1, v5;
	_ =	sdelay $0x2  }
0xbd: {  	[tilespmem:s20], [sflag:$0x1] =	stream.indirect_vreg.gather [hbm4b:s0+s3], $0x80, v6, vm0, $0xb8;
	[tilespmem:$0x12600] =	vst v63  }
0xbe: {  	_ = 	snop  }
0xbf: {  	[tilespmem:s21], [sflag:$0x1] =	stream.indirect_vreg.gather [hbm4b:s0+s3], $0x80, v5, vm0, $0xb8;
	[tilespmem:$0x12600] =	vst v63  }
0xc0: {  	v5 =	vld [tilespmem:$0xF0];
	_ =	sdelay $0x4  }
0xc1: {  	v6 =	vshll.u32 v5, $0x1  }
0xc2: {  	v5 =	vand.u32 $0x7, v5;
	v6 =	vand.u32 $0xFFFFFFF0, v6  }
0xc3: {  	v5 =	vor.u32 v5, v6  }
0xc4: {  	v6 =	vperm.xlane v5, v0;
	_ =	sdelay $0x1  }
0xc5: {  	v5 =	vperm.xlane v5, v2;
	v6 =	vadd.s32 v1, v6;
	_ =	sdelay $0x1  }
0xc6: {  	v5 =	vadd.s32 v1, v5;
	_ =	sdelay $0x2  }
0xc7: {  	[tilespmem:s22], [sflag:$0x1] =	stream.indirect_vreg.gather [hbm4b:s0+s3], $0x80, v6, vm0, $0xb8;
	[tilespmem:$0x12600] =	vst v63  }
0xc8: {  	_ = 	snop  }
0xc9: {  	[tilespmem:s23], [sflag:$0x1] =	stream.indirect_vreg.gather [hbm4b:s0+s3], $0x80, v5, vm0, $0xb8;
	[tilespmem:$0x12600] =	vst v63  }
0xca: {  	[tilespmem:$0x10100] =	vst v3  }
0xcb: {  	[tilespmem:$0x10110] =	vst v3  }
0xcc: {  	[tilespmem:$0x10120] =	vst v3  }
0xcd: {  	[tilespmem:$0x10130] =	vst v3  }
0xce: {  	[tilespmem:$0x10140] =	vst v3  }
0xcf: {  	[tilespmem:$0x10150] =	vst v3  }
0xd0: {  	[tilespmem:$0x10160] =	vst v3  }
0xd1: {  	[tilespmem:$0x10170] =	vst v3  }
0xd2: {  	[tilespmem:$0x10180] =	vst v3  }
0xd3: {  	[tilespmem:$0x10190] =	vst v3  }
0xd4: {  	[tilespmem:$0x101A0] =	vst v3  }
0xd5: {  	[tilespmem:$0x101B0] =	vst v3  }
0xd6: {  	[tilespmem:$0x101C0] =	vst v3  }
0xd7: {  	[tilespmem:$0x101D0] =	vst v3  }
0xd8: {  	[tilespmem:$0x101E0] =	vst v3  }
0xd9: {  	[tilespmem:$0x101F0] =	vst v3  }
0xda: {  	[tilespmem:$0x10200] =	vst v4  }
0xdb: {  	[tilespmem:$0x10210] =	vst v4  }
0xdc: {  	[tilespmem:$0x10220] =	vst v4  }
0xdd: {  	[tilespmem:$0x10230] =	vst v4  }
0xde: {  	[tilespmem:$0x10240] =	vst v4  }
0xdf: {  	[tilespmem:$0x10250] =	vst v4  }
0xe0: {  	[tilespmem:$0x10260] =	vst v4  }
0xe1: {  	[tilespmem:$0x10270] =	vst v4  }
0xe2: {  	[tilespmem:$0x10280] =	vst v4  }
0xe3: {  	[tilespmem:$0x10290] =	vst v4  }
0xe4: {  	[tilespmem:$0x102A0] =	vst v4  }
0xe5: {  	[tilespmem:$0x102B0] =	vst v4  }
0xe6: {  	[tilespmem:$0x102C0] =	vst v4  }
0xe7: {  	[tilespmem:$0x102D0] =	vst v4  }
0xe8: {  	[tilespmem:$0x102E0] =	vst v4  }
0xe9: {  	[tilespmem:$0x102F0] =	vst v4  }
0xea: {  	[tilespmem:$0x10300] =	vst v4  }
0xeb: {  	[tilespmem:$0x10310] =	vst v4  }
0xec: {  	[tilespmem:$0x10320] =	vst v4  }
0xed: {  	[tilespmem:$0x10330] =	vst v4  }
0xee: {  	[tilespmem:$0x10340] =	vst v4  }
0xef: {  	[tilespmem:$0x10350] =	vst v4  }
0xf0: {  	[tilespmem:$0x10360] =	vst v4  }
0xf1: {  	[tilespmem:$0x10370] =	vst v4  }
0xf2: {  	[tilespmem:$0x10380] =	vst v4  }
0xf3: {  	[tilespmem:$0x10390] =	vst v4  }
0xf4: {  	[tilespmem:$0x103A0] =	vst v4  }
0xf5: {  	[tilespmem:$0x103B0] =	vst v4  }
0xf6: {  	[tilespmem:$0x103C0] =	vst v4  }
0xf7: {  	[tilespmem:$0x103D0] =	vst v4  }
0xf8: {  	[tilespmem:$0x103E0] =	vst v4  }
0xf9: {  	s30 =	rddreg [dreg:$0x5];
	[tilespmem:$0x103F0] =	vst v4  }
0xfa: {  	[spmem:s30] =	stream.linear.scatter [tilespmem:s24], [sflag:$0x2], $0x200, $0x38;
	[tilespmem:$0x12600] =	vst v63  }
0xfb: {  	_ =	swait.ge [sflag:s5], $0x200  }
0xfc: {  	[sflag:s5] =	ssyncset.done $0x0  }
0xfd: {  	[sflag:s5] =	ssyncadd.s32 $0xFFFFFE00  }
0xfe: {  	[bflag:$0x0] =	sbarrier.arrive $0xFFFF  }
0xff: {  	[spmem:s2] =	stream.indirect.scatter.add.f32 [tilespmem:s25], [sflag:$0x2], $0x1, s3, s6, $0xb8;
	[tilespmem:$0x12600] =	vst v63  }
0x100: {  	_ =	swait.ge [sflag:s5], $0x100  }
0x101: {  	[sflag:s5] =	ssyncset.done $0x0  }
0x102: {  	[sflag:s5] =	ssyncadd.s32 $0xFFFFFF00  }
0x103: {  	[bflag:$0x0] =	sbarrier.arrive $0xFFFF  }
0x104: {  	_ =	swait.ge [sflag:s26], $0x10000  }
0x105: {  	[sflag:s26] =	ssyncset.done $0x0  }
0x106: {  	s31 =	rddreg [dreg:$0x6];
	[sflag:s26] =	ssyncadd.s32 $0xFFFF0000  }
0x107: {  	[hbm4b:s31+s3] =	stream.linear.scatter [tilespmem:s6], [sflag:$0x2], $0x10000, $0x38;
	[tilespmem:$0x12600] =	vst v63  }
0x108: {  	_ =	swait.ge [sflag:s5], $0x10000  }
0x109: {  	s4 =	sadd.s32 $0xFFFFFFFF, s4;
	[sflag:s5] =	ssyncset.done $0x0  }
0x10a: {  	s28 =	simm.s32 @!p0 $0x10400;
	s29 =	simm.s32 @!p0 $0x2;
	[sflag:s5] =	ssyncadd.s32 $0xFFFF0000  }
0x10b: {  	[tilespmem:s28], [sflag:$0x2] =	stream.linear.gather @!p0 [spmem:s2], $0x2000, $0x38;
	[tilespmem:$0x12600] =	vst v63  }
0x10c: {  	p1 =	sne.s32 s4, $0x0;
	_ =	swait.ge @!p0 [sflag:s29], $0x2000  }
0x10d: {  	s1 =	simm.s32 @!p0 $0x100;
	s31 =	simm.s32 @!p0 $0x80;
	[sflag:s29] =	ssyncset.done @!p0 $0x0  }
.Ltmp0:
0x10e: {  	s30 =	rddreg [dreg:$0x7];
	[sflag:s29] =	ssyncadd.s32 @!p0 $0xFFFFE000;
	(pc) =	sbr.rel @p1 .LBB2_1-.Ltmp0, $4  }
0x10f: {  	[hbm4b:s30+s31] =	stream.strided.scatter @!p0 [tilespmem:s28], [sflag:$0x2], $0x2000, s1, s31, $0x38;
	[tilespmem:$0x12600] =	vst v63  }
0x110: {  	_ =	swait.ge @!p0 [sflag:s29], $0x2000  }
0x111: {  	[sflag:s29] =	ssyncset.done @!p0 $0x0  }
0x112: {  	[sflag:s29] =	ssyncadd.s32 @!p0 $0xFFFFE000  }
0x113: {  	_ =	sfence.sel $0x180000  }
0x114: {  	[bflag:$0x0] =	sbarrier.arrive $0xFFFF  }
0x115: {  	_ =	strace $0x90000050  }
0x116: {  	[bflag:$0x2] =	sbarrier.arrive $0xFFFF  }
0x117: {  	s0 =	rddreg [dreg:$0x3]  }
0x118: {  	s0 =	sadd.s32 @!p0 $0x100000, s0  }
0x119: {  	[sflag:s0] =	ssyncadd.tile.s32 @!p0 $0x1;
	_ =	shalt  }
.Lfunc_end2:
_tile_overlayer_lowered:
.L_overlay_start_2:
0x11a: {  	(tag) =	ssettag $0x2  }
0x11b: {  	s0 =	rddreg [dreg:$0x0];
	s2 =	stileid.u32  }
0x11c: {  	s1 =	rddreg [dreg:$0x1];
	p0 =	sne.s32 s2, $0x0  }
0x11d: {  	s3 =	rddreg [dreg:$0x2];
	[bflag:$0x3] =	sbarrier.arrive $0xFFFF;
	s2 =	simm.s32 @!p0 $0x1C02  }
0x11e: {  	[timem:s3], [sflag:s2] =	dma.local @!p0 [hbm:s0], s1  }
0x11f: {  	s0 =	simm.s32 @!p0 $0x2  }
0x120: {  	_ =	swait.ge @!p0 [sflag:s0], s1  }
0x121: {  	s1 =	ssub.s32 @!p0 $0x0, s1;
	[sflag:s0] =	ssyncset.done @!p0 $0x0  }
0x122: {  	[sflag:s0] =	ssyncadd.s32 @!p0 s1  }
0x123: {  	[bflag:$0x3] =	sbarrier.arrive $0xFFFF  }
0x124: {  	_ =	shalt  }

</sc_bundles>
